<compile_context>
chip_gen: v7x
topology: tpu7x:2x2x1
jax: 0.10.2.dev20260603
libtpu: 0.0.44.dev20260713+nightly
codegen_flags: <defaults>
</compile_context>

<pallas_src>
import math

import numpy as np
import jax
import jax.numpy as jnp
from jax import lax
from jax.experimental import pallas as pl
from jax.experimental.pallas import tpu as pltpu
from jax.experimental.pallas import tpu_sc as plsc

D_DIM = 256
D_HALF = 128
BATCH = 128
SEQ = 1500
SEQ_PAD = 1536
CH = 16
N_STEP = 93
SC_SEQ = CH * N_STEP
TC_TAIL = SEQ - SC_SEQ
N_PAIR = 16
B_PER_P = BATCH // N_PAIR
SCALE = math.sqrt(D_DIM)
LANES = 16
N_G = D_HALF // LANES


def _pe_np():
    position = np.arange(0.0, SEQ, dtype=np.float64)[:, None]
    div_term = np.exp(
        np.arange(0.0, D_DIM, 2, dtype=np.float64) * -(math.log(10000.0) / D_DIM)
    )
    ang = position * div_term
    pe = np.zeros((SEQ_PAD, D_DIM), dtype=np.float32)
    pe[:SEQ, 0::2] = np.sin(ang)
    pe[:SEQ, 1::2] = np.cos(ang)
    return pe


_PE = _pe_np()
_PE_T_CONST = np.ascontiguousarray(_PE[:SC_SEQ].reshape(N_STEP, CH, D_DIM))
_PE_TAIL_CONST = np.ascontiguousarray(_PE[SC_SEQ:SEQ])


def _take16(vec, idx):
    dnums = lax.GatherDimensionNumbers(
        offset_dims=(), collapsed_slice_dims=(0,), start_index_map=(0,)
    )
    return lax.gather(
        vec, idx[:, None], dnums, (1,),
        mode=lax.GatherScatterMode.PROMISE_IN_BOUNDS,
    )


def _sc_body(
    x_hbm, table_hbm, pet_hbm, out_hbm,
    idx_v, table_v, wb0, wb1, pe0, pe1,
    wsem0, wsem1, psem0, psem1,
):
    pair = lax.axis_index("s")
    half = lax.axis_index("c")
    b0 = pair * B_PER_P
    d0 = half * D_HALF
    wb = [wb0, wb1]
    peb = [pe0, pe1]
    wsem = [wsem0, wsem1]
    psem = [psem0, psem1]

    pltpu.sync_copy(x_hbm.at[pair], idx_v)
    pltpu.sync_copy(table_hbm.at[:, pl.ds(d0, D_HALF)], table_v)

    lane = lax.iota(jnp.int32, LANES)
    colv = [lane + 16 * g for g in range(N_G)]

    def prefetch_pe(i, p):
        pltpu.async_copy(pet_hbm.at[i, :, pl.ds(d0, D_HALF)], peb[p], psem[p])

    def wait_pe(p):
        pltpu.make_async_copy(
            pet_hbm.at[0, :, pl.ds(0, D_HALF)], peb[p], psem[p]
        ).wait()

    def wait_write(p):
        for b in range(B_PER_P):
            pltpu.make_async_copy(
                wb[p].at[b], out_hbm.at[0, pl.ds(0, CH), pl.ds(0, D_HALF)], wsem[p]
            ).wait()

    def step(i, p, q):

        @pl.when(i >= 2)
        def _():
            wait_write(p)

        @pl.when(i + 1 < N_STEP)
        def _():
            prefetch_pe(i + 1, q)

        wait_pe(p)

        @plsc.parallel_loop(0, CH * B_PER_P, 1)
        def _(sb):
            s = sb // B_PER_P
            b = sb % B_PER_P
            sv = jnp.full((LANES,), s, dtype=jnp.int32)
            iv = idx_v[b, pl.ds(i * CH, CH)]
            spl = _take16(iv, sv)
            for g in range(N_G):
                gv = plsc.load_gather(table_v, [spl, colv[g]])
                pe_vec = peb[p][s, pl.ds(16 * g, LANES)]
                wb[p][b, s, pl.ds(16 * g, LANES)] = gv * SCALE + pe_vec

        for b in range(B_PER_P):
            pltpu.async_copy(
                wb[p].at[b],
                out_hbm.at[b0 + b, pl.ds(i * CH, CH), pl.ds(d0, D_HALF)],
                wsem[p],
            )

    prefetch_pe(0, 0)
    step(0, 0, 1)

    def loop_body(it, carry):
        base = 1 + it * 2
        step(base, 1, 0)
        step(base + 1, 0, 1)
        return carry

    lax.fori_loop(0, (N_STEP - 1) // 2, loop_body, 0)

    wait_write(1)
    wait_write(0)


def _tc_tail_body(xt_ref, table_ref, pe_ref, out_in_ref, out_ref, acc_ref, sem):
    del out_in_ref
    table = table_ref[...]
    pe = pe_ref[...]
    rows = xt_ref[0, :]
    n = BATCH * TC_TAIL
    oh = rows[:, None] == lax.broadcasted_iota(jnp.int32, (n, D_DIM), 1)
    acc = jax.lax.dot(
        oh.astype(jnp.float32), table, precision=lax.Precision.HIGHEST
    )
    acc = acc * SCALE + jnp.tile(pe, (BATCH, 1))
    acc_ref[...] = acc.reshape(BATCH, TC_TAIL, D_DIM)
    copy = pltpu.make_async_copy(
        acc_ref,
        out_ref.at[:, pl.ds(SC_SEQ, TC_TAIL)],
        sem,
    )
    copy.start()
    copy.wait()


@jax.jit
def _impl(x, table):
    pet = jnp.asarray(_PE_T_CONST)
    pe_tail = jnp.asarray(_PE_TAIL_CONST)
    mesh = plsc.VectorSubcoreMesh(core_axis_name="c", subcore_axis_name="s")
    k = pl.kernel(
        _sc_body,
        mesh=mesh,
        out_type=jax.ShapeDtypeStruct((BATCH, SEQ, D_DIM), jnp.float32),
        scratch_types=[
            pltpu.VMEM((B_PER_P, SEQ_PAD), jnp.int32),
            pltpu.VMEM((D_DIM, D_HALF), jnp.float32),
            pltpu.VMEM((B_PER_P, CH, D_HALF), jnp.float32),
            pltpu.VMEM((B_PER_P, CH, D_HALF), jnp.float32),
            pltpu.VMEM((CH, D_HALF), jnp.float32),
            pltpu.VMEM((CH, D_HALF), jnp.float32),
            pltpu.SemaphoreType.DMA,
            pltpu.SemaphoreType.DMA,
            pltpu.SemaphoreType.DMA,
            pltpu.SemaphoreType.DMA,
        ],
        compiler_params=pltpu.CompilerParams(needs_layout_passes=False),
    )
    xp = jnp.pad(x, ((0, 0), (0, SEQ_PAD - SEQ))).reshape(N_PAIR, B_PER_P, SEQ_PAD)
    out_sc = k(xp, table, pet)

    xt = lax.slice(x, (0, SC_SEQ), (BATCH, SEQ)).reshape(1, BATCH * TC_TAIL)
    out = pl.pallas_call(
        _tc_tail_body,
        in_specs=[
            pl.BlockSpec((1, BATCH * TC_TAIL), lambda: (0, 0)),
            pl.BlockSpec((D_DIM, D_DIM), lambda: (0, 0)),
            pl.BlockSpec((TC_TAIL, D_DIM), lambda: (0, 0)),
            pl.BlockSpec(memory_space=pl.ANY),
        ],
        out_specs=pl.BlockSpec(memory_space=pl.ANY),
        out_shape=jax.ShapeDtypeStruct((BATCH, SEQ, D_DIM), jnp.float32),
        scratch_shapes=[
            pltpu.VMEM((BATCH, TC_TAIL, D_DIM), jnp.float32),
            pltpu.SemaphoreType.DMA,
        ],
        input_output_aliases={3: 0},
    )(xt, table, pe_tail, out_sc)
    return out


def kernel(x, table):
    return _impl(x, table)

# --- scband reference (transcript-rebuilt; emitter-appended) ---
"""Pipeline reference for scband-embedding-19997367730307 (READ-ONLY COPY).

The authoritative reference and input builder live on the scoring server;
editing this copy changes nothing except your own understanding.
"""

import jax, jax.numpy as jnp
import numpy as np
import math

D_DIM = 256
L_BYTE = 1500
BYTE_RANGE = 256
PAD_IDX = 0
BATCH = 128
SEQ = 1500


def _make_pe():
    position = jnp.arange(0.0, L_BYTE)[:, None]
    div_term = jnp.exp(jnp.arange(0.0, D_DIM, 2) * -(math.log(10000.0) / D_DIM))
    ang = position * div_term
    pe = jnp.zeros((L_BYTE, D_DIM), dtype=jnp.float32)
    pe = pe.at[:, 0::2].set(jnp.sin(ang))
    pe = pe.at[:, 1::2].set(jnp.cos(ang))
    return pe[None, :, :]  # [1, L_BYTE, D_DIM]


def setup_inputs(seed: int = 0) -> dict:
    key = jax.random.key(seed)
    k_x, k_w = jax.random.split(key)
    x = jax.random.randint(k_x, (BATCH, SEQ), 0, BYTE_RANGE, dtype=jnp.int64 if jax.config.jax_enable_x64 else jnp.int32).astype(jnp.int32)
    table = jax.random.normal(k_w, (BYTE_RANGE, D_DIM), dtype=jnp.float32)
    table = table.at[PAD_IDX].set(0.0)  # nn.Embedding padding_idx row is zero
    return {"x": x, "table": table}


def reference(x, table):
    # LearnedEmbedding: lut(x) * sqrt(d_dim)
    emb = jnp.take(table, x, axis=0) * math.sqrt(D_DIM)
    # PositionEncoding: x + pe[:, :L]; dropout is identity in eval mode
    pe = _make_pe()
    out = emb + pe[:, : emb.shape[1], :]
    return out

if __name__ == "__main__":
    import jax
    _d = setup_inputs()
    print(jax.jit(kernel)(*tuple(_d.values())))

</pallas_src>

<mosaic_0001>
#map = affine_map<(d0, d1) -> (0, 0, 0)>
#map1 = affine_map<(d0, d1) -> (0, 0)>
module attributes {stable_mosaic.version = 14 : i64} {
  func.func @_sc_body(%arg0: i32, %arg1: i32, %arg2: memref<16x8x1536xi32, #tpu.memory_space<hbm>>, %arg3: memref<256x256xf32, #tpu.memory_space<hbm>>, %arg4: memref<93x16x256xf32, #tpu.memory_space<hbm>>, %arg5: memref<128x1500x256xf32, #tpu.memory_space<hbm>>, %arg6: memref<8x1536xi32, #tpu.memory_space<vmem>>, %arg7: memref<256x128xf32, #tpu.memory_space<vmem>>, %arg8: memref<8x16x128xf32, #tpu.memory_space<vmem>>, %arg9: memref<8x16x128xf32, #tpu.memory_space<vmem>>, %arg10: memref<16x128xf32, #tpu.memory_space<vmem>>, %arg11: memref<16x128xf32, #tpu.memory_space<vmem>>, %arg12: memref<!tpu.dma_semaphore, #tpu.memory_space<semaphore_mem>>, %arg13: memref<!tpu.dma_semaphore, #tpu.memory_space<semaphore_mem>>, %arg14: memref<!tpu.dma_semaphore, #tpu.memory_space<semaphore_mem>>, %arg15: memref<!tpu.dma_semaphore, #tpu.memory_space<semaphore_mem>>) attributes {dimension_semantics = [#tpu.dimension_semantics<core_parallel>, #tpu.dimension_semantics<subcore_parallel>], iteration_bounds = array<i64: 2, 16>, scalar_prefetch = 0 : i64, scratch_operands = 10 : i64, tpu.core_type = #tpu.core_type<sc_vector_subcore>, window_params = [{transform_indices = #map}, {transform_indices = #map1}, {transform_indices = #map}, {transform_indices = #map}]} {
    %mul3A = arith.constant 8 : i32
    %mul3A_0 = arith.muli %arg1, %mul3A : i32
    %mul3A_1 = arith.constant 128 : i32
    %mul3A_2 = arith.muli %arg0, %mul3A_1 : i32
    "tpu.region"() ({
      %run_scoped3A = tpu.sem_alloc : memref<!tpu.dma_semaphore, #tpu.memory_space<semaphore_mem>>
      %dma_start3A_478 = arith.constant 0 : i32
      %dma_start3A_479 = arith.constant 0 : i32
      %dma_start3A_480 = tpu.memref_slice %arg2[%arg1, %dma_start3A_478, %dma_start3A_479] : memref<16x8x1536xi32, #tpu.memory_space<hbm>> -> memref<1x8x1536xi32, #tpu.memory_space<hbm>>
      %dma_start3A_481 = tpu.memref_squeeze %dma_start3A_480 : memref<1x8x1536xi32, #tpu.memory_space<hbm>> -> memref<8x1536xi32, #tpu.memory_space<hbm>>
      %dma_start3A_482 = arith.constant 0 : i32
      %dma_start3A_483 = arith.constant 0 : i32
      %dma_start3A_484 = tpu.memref_slice %arg2[%arg1, %dma_start3A_482, %dma_start3A_483] : memref<16x8x1536xi32, #tpu.memory_space<hbm>> -> memref<1x8x1536xi32, #tpu.memory_space<hbm>>
      %dma_start3A_485 = tpu.memref_squeeze %dma_start3A_484 : memref<1x8x1536xi32, #tpu.memory_space<hbm>> -> memref<8x1536xi32, #tpu.memory_space<hbm>>
      tpu.enqueue_dma source(%dma_start3A_485 : memref<8x1536xi32, #tpu.memory_space<hbm>>) target(%arg6 : memref<8x1536xi32, #tpu.memory_space<vmem>>) target_semaphore(%run_scoped3A : memref<!tpu.dma_semaphore, #tpu.memory_space<semaphore_mem>>)
      %dma_wait3A_486 = arith.constant 0 : i32
      %dma_wait3A_487 = arith.constant 0 : i32
      %dma_wait3A_488 = tpu.memref_slice %arg2[%arg1, %dma_wait3A_486, %dma_wait3A_487] : memref<16x8x1536xi32, #tpu.memory_space<hbm>> -> memref<1x8x1536xi32, #tpu.memory_space<hbm>>
      %dma_wait3A_489 = tpu.memref_squeeze %dma_wait3A_488 : memref<1x8x1536xi32, #tpu.memory_space<hbm>> -> memref<8x1536xi32, #tpu.memory_space<hbm>>
      %dma_wait3A_490 = arith.constant 0 : i32
      %dma_wait3A_491 = arith.constant 0 : i32
      %dma_wait3A_492 = tpu.memref_slice %arg2[%arg1, %dma_wait3A_490, %dma_wait3A_491] : memref<16x8x1536xi32, #tpu.memory_space<hbm>> -> memref<1x8x1536xi32, #tpu.memory_space<hbm>>
      %dma_wait3A_493 = tpu.memref_squeeze %dma_wait3A_492 : memref<1x8x1536xi32, #tpu.memory_space<hbm>> -> memref<8x1536xi32, #tpu.memory_space<hbm>>
      tpu.wait_dma2 semaphore(%run_scoped3A : memref<!tpu.dma_semaphore, #tpu.memory_space<semaphore_mem>>) src(%dma_wait3A_493 : memref<8x1536xi32, #tpu.memory_space<hbm>>) dst(%arg6 : memref<8x1536xi32, #tpu.memory_space<vmem>>)
      tpu.yield
    }) : () -> ()
    "tpu.region"() ({
      %run_scoped3A = tpu.sem_alloc : memref<!tpu.dma_semaphore, #tpu.memory_space<semaphore_mem>>
      %dma_start3A_478 = arith.constant 0 : i32
      %dma_start3A_479 = tpu.memref_slice %arg3[%dma_start3A_478, %mul3A_2] : memref<256x256xf32, #tpu.memory_space<hbm>> -> memref<256x128xf32, #tpu.memory_space<hbm>>
      %dma_start3A_480 = arith.constant 0 : i32
      %dma_start3A_481 = tpu.memref_slice %arg3[%dma_start3A_480, %mul3A_2] : memref<256x256xf32, #tpu.memory_space<hbm>> -> memref<256x128xf32, #tpu.memory_space<hbm>>
      tpu.enqueue_dma source(%dma_start3A_481 : memref<256x128xf32, #tpu.memory_space<hbm>>) target(%arg7 : memref<256x128xf32, #tpu.memory_space<vmem>>) target_semaphore(%run_scoped3A : memref<!tpu.dma_semaphore, #tpu.memory_space<semaphore_mem>>)
      %dma_wait3A_482 = arith.constant 0 : i32
      %dma_wait3A_483 = tpu.memref_slice %arg3[%dma_wait3A_482, %mul3A_2] : memref<256x256xf32, #tpu.memory_space<hbm>> -> memref<256x128xf32, #tpu.memory_space<hbm>>
      %dma_wait3A_484 = arith.constant 0 : i32
      %dma_wait3A_485 = tpu.memref_slice %arg3[%dma_wait3A_484, %mul3A_2] : memref<256x256xf32, #tpu.memory_space<hbm>> -> memref<256x128xf32, #tpu.memory_space<hbm>>
      tpu.wait_dma2 semaphore(%run_scoped3A : memref<!tpu.dma_semaphore, #tpu.memory_space<semaphore_mem>>) src(%dma_wait3A_485 : memref<256x128xf32, #tpu.memory_space<hbm>>) dst(%arg7 : memref<256x128xf32, #tpu.memory_space<vmem>>)
      tpu.yield
    }) : () -> ()
    %iota3A = tpu.iota {dimensions = array<i32: 0>} : vector<16xi32>
    %add3A = arith.constant 0 : i32
    %add3A_3 = vector.broadcast %add3A : i32 to vector<16xi32>
    %add3A_4 = arith.addi %iota3A, %add3A_3 : vector<16xi32>
    %add3A_5 = arith.constant 16 : i32
    %add3A_6 = vector.broadcast %add3A_5 : i32 to vector<16xi32>
    %add3A_7 = arith.addi %iota3A, %add3A_6 : vector<16xi32>
    %add3A_8 = arith.constant 32 : i32
    %add3A_9 = vector.broadcast %add3A_8 : i32 to vector<16xi32>
    %add3A_10 = arith.addi %iota3A, %add3A_9 : vector<16xi32>
    %add3A_11 = arith.constant 48 : i32
    %add3A_12 = vector.broadcast %add3A_11 : i32 to vector<16xi32>
    %add3A_13 = arith.addi %iota3A, %add3A_12 : vector<16xi32>
    %add3A_14 = arith.constant 64 : i32
    %add3A_15 = vector.broadcast %add3A_14 : i32 to vector<16xi32>
    %add3A_16 = arith.addi %iota3A, %add3A_15 : vector<16xi32>
    %add3A_17 = arith.constant 80 : i32
    %add3A_18 = vector.broadcast %add3A_17 : i32 to vector<16xi32>
    %add3A_19 = arith.addi %iota3A, %add3A_18 : vector<16xi32>
    %add3A_20 = arith.constant 96 : i32
    %add3A_21 = vector.broadcast %add3A_20 : i32 to vector<16xi32>
    %add3A_22 = arith.addi %iota3A, %add3A_21 : vector<16xi32>
    %add3A_23 = arith.constant 112 : i32
    %add3A_24 = vector.broadcast %add3A_23 : i32 to vector<16xi32>
    %add3A_25 = arith.addi %iota3A, %add3A_24 : vector<16xi32>
    %dma_start3A = arith.constant 0 : i32
    %dma_start3A_26 = arith.constant 0 : i32
    %dma_start3A_27 = tpu.memref_slice %arg4[%dma_start3A, %dma_start3A_26, %mul3A_2] : memref<93x16x256xf32, #tpu.memory_space<hbm>> -> memref<1x16x128xf32, #tpu.memory_space<hbm>>
    %dma_start3A_28 = tpu.memref_squeeze %dma_start3A_27 : memref<1x16x128xf32, #tpu.memory_space<hbm>> -> memref<16x128xf32, #tpu.memory_space<hbm>>
    %dma_start3A_29 = arith.constant 0 : i32
    %dma_start3A_30 = tpu.memref_slice %arg4[%dma_start3A, %dma_start3A_29, %mul3A_2] : memref<93x16x256xf32, #tpu.memory_space<hbm>> -> memref<1x16x128xf32, #tpu.memory_space<hbm>>
    %dma_start3A_31 = tpu.memref_squeeze %dma_start3A_30 : memref<1x16x128xf32, #tpu.memory_space<hbm>> -> memref<16x128xf32, #tpu.memory_space<hbm>>
    tpu.enqueue_dma source(%dma_start3A_31 : memref<16x128xf32, #tpu.memory_space<hbm>>) target(%arg10 : memref<16x128xf32, #tpu.memory_space<vmem>>) target_semaphore(%arg14 : memref<!tpu.dma_semaphore, #tpu.memory_space<semaphore_mem>>)
    %dma_start3A_32 = arith.constant 1 : i32
    %dma_start3A_33 = arith.constant 0 : i32
    %dma_start3A_34 = tpu.memref_slice %arg4[%dma_start3A_32, %dma_start3A_33, %mul3A_2] : memref<93x16x256xf32, #tpu.memory_space<hbm>> -> memref<1x16x128xf32, #tpu.memory_space<hbm>>
    %dma_start3A_35 = tpu.memref_squeeze %dma_start3A_34 : memref<1x16x128xf32, #tpu.memory_space<hbm>> -> memref<16x128xf32, #tpu.memory_space<hbm>>
    %dma_start3A_36 = arith.constant 0 : i32
    %dma_start3A_37 = tpu.memref_slice %arg4[%dma_start3A_32, %dma_start3A_36, %mul3A_2] : memref<93x16x256xf32, #tpu.memory_space<hbm>> -> memref<1x16x128xf32, #tpu.memory_space<hbm>>
    %dma_start3A_38 = tpu.memref_squeeze %dma_start3A_37 : memref<1x16x128xf32, #tpu.memory_space<hbm>> -> memref<16x128xf32, #tpu.memory_space<hbm>>
    tpu.enqueue_dma source(%dma_start3A_38 : memref<16x128xf32, #tpu.memory_space<hbm>>) target(%arg11 : memref<16x128xf32, #tpu.memory_space<vmem>>) target_semaphore(%arg15 : memref<!tpu.dma_semaphore, #tpu.memory_space<semaphore_mem>>)
    %dma_wait3A = arith.constant 0 : i32
    %dma_wait3A_39 = arith.constant 0 : i32
    %dma_wait3A_40 = arith.constant 0 : i32
    %dma_wait3A_41 = tpu.memref_slice %arg4[%dma_wait3A, %dma_wait3A_39, %dma_wait3A_40] : memref<93x16x256xf32, #tpu.memory_space<hbm>> -> memref<1x16x128xf32, #tpu.memory_space<hbm>>
    %dma_wait3A_42 = tpu.memref_squeeze %dma_wait3A_41 : memref<1x16x128xf32, #tpu.memory_space<hbm>> -> memref<16x128xf32, #tpu.memory_space<hbm>>
    %dma_wait3A_43 = arith.constant 0 : i32
    %dma_wait3A_44 = arith.constant 0 : i32
    %dma_wait3A_45 = tpu.memref_slice %arg4[%dma_wait3A, %dma_wait3A_43, %dma_wait3A_44] : memref<93x16x256xf32, #tpu.memory_space<hbm>> -> memref<1x16x128xf32, #tpu.memory_space<hbm>>
    %dma_wait3A_46 = tpu.memref_squeeze %dma_wait3A_45 : memref<1x16x128xf32, #tpu.memory_space<hbm>> -> memref<16x128xf32, #tpu.memory_space<hbm>>
    tpu.wait_dma2 semaphore(%arg14 : memref<!tpu.dma_semaphore, #tpu.memory_space<semaphore_mem>>) src(%dma_wait3A_46 : memref<16x128xf32, #tpu.memory_space<hbm>>) dst(%arg10 : memref<16x128xf32, #tpu.memory_space<vmem>>)
    %parallel_loop3A = arith.constant 0 : i32
    %parallel_loop3A_47 = arith.constant 128 : i32
    %parallel_loop3A_48 = arith.constant 1 : i32
    scf.for %parallel_loop3A_478 = %parallel_loop3A to %parallel_loop3A_47 step %parallel_loop3A_48  : i32 {
      %parallel_loop3A_479 = arith.constant 8 : i32
      %parallel_loop3A_480 = arith.divsi %parallel_loop3A_478, %parallel_loop3A_479 : i32
      %parallel_loop3A_481 = arith.constant 0 : i32
      %parallel_loop3A_482 = arith.cmpi sgt, %parallel_loop3A_478, %parallel_loop3A_481 : i32
      %parallel_loop3A_483 = arith.extui %parallel_loop3A_482 : i1 to i32
      %parallel_loop3A_484 = arith.constant 0 : i32
      %parallel_loop3A_485 = arith.cmpi slt, %parallel_loop3A_478, %parallel_loop3A_484 : i32
      %parallel_loop3A_486 = arith.extui %parallel_loop3A_485 : i1 to i32
      %parallel_loop3A_487 = arith.subi %parallel_loop3A_483, %parallel_loop3A_486 : i32
      %parallel_loop3A_488 = arith.constant 0 : i32
      %parallel_loop3A_489 = arith.cmpi sgt, %parallel_loop3A_479, %parallel_loop3A_488 : i32
      %parallel_loop3A_490 = arith.extui %parallel_loop3A_489 : i1 to i32
      %parallel_loop3A_491 = arith.constant 0 : i32
      %parallel_loop3A_492 = arith.cmpi slt, %parallel_loop3A_479, %parallel_loop3A_491 : i32
      %parallel_loop3A_493 = arith.extui %parallel_loop3A_492 : i1 to i32
      %parallel_loop3A_494 = arith.subi %parallel_loop3A_490, %parallel_loop3A_493 : i32
      %parallel_loop3A_495 = arith.cmpi ne, %parallel_loop3A_487, %parallel_loop3A_494 : i32
      %parallel_loop3A_496 = arith.remsi %parallel_loop3A_478, %parallel_loop3A_479 : i32
      %parallel_loop3A_497 = arith.constant 0 : i32
      %parallel_loop3A_498 = arith.cmpi ne, %parallel_loop3A_496, %parallel_loop3A_497 : i32
      %parallel_loop3A_499 = arith.andi %parallel_loop3A_495, %parallel_loop3A_498 : i1
      %parallel_loop3A_500 = arith.constant 1 : i32
      %parallel_loop3A_501 = arith.subi %parallel_loop3A_480, %parallel_loop3A_500 : i32
      %parallel_loop3A_502 = arith.select %parallel_loop3A_499, %parallel_loop3A_501, %parallel_loop3A_480 : i32
      %parallel_loop3A_503 = arith.constant 8 : i32
      %parallel_loop3A_504 = arith.constant 0 : i32
      %parallel_loop3A_505 = arith.cmpi eq, %parallel_loop3A_503, %parallel_loop3A_504 : i32
      %parallel_loop3A_506 = arith.constant 1 : i32
      %parallel_loop3A_507 = arith.select %parallel_loop3A_505, %parallel_loop3A_506, %parallel_loop3A_503 : i32
      %parallel_loop3A_508 = arith.remsi %parallel_loop3A_478, %parallel_loop3A_507 : i32
      %parallel_loop3A_509 = arith.constant 0 : i32
      %parallel_loop3A_510 = arith.cmpi ne, %parallel_loop3A_508, %parallel_loop3A_509 : i32
      %parallel_loop3A_511 = arith.constant 0 : i32
      %parallel_loop3A_512 = arith.cmpi slt, %parallel_loop3A_508, %parallel_loop3A_511 : i32
      %parallel_loop3A_513 = arith.constant 0 : i32
      %parallel_loop3A_514 = arith.cmpi slt, %parallel_loop3A_507, %parallel_loop3A_513 : i32
      %parallel_loop3A_515 = arith.xori %parallel_loop3A_512, %parallel_loop3A_514 : i1
      %parallel_loop3A_516 = arith.andi %parallel_loop3A_515, %parallel_loop3A_510 : i1
      %parallel_loop3A_517 = arith.addi %parallel_loop3A_508, %parallel_loop3A_507 : i32
      %parallel_loop3A_518 = arith.select %parallel_loop3A_516, %parallel_loop3A_517, %parallel_loop3A_508 : i32
      %parallel_loop3A_519 = vector.broadcast %parallel_loop3A_502 : i32 to vector<16xi32>
      %parallel_loop3A_520 = arith.index_cast %parallel_loop3A_518 : i32 to index
      %parallel_loop3A_521 = arith.constant 0 : index
      %parallel_loop3A_522 = tpu.vector_load %arg6[%parallel_loop3A_520, %parallel_loop3A_521] {strides = array<i32>} : memref<8x1536xi32, #tpu.memory_space<vmem>>, vector<16xi32>,
      %parallel_loop3A_523 = vector.shape_cast %parallel_loop3A_519 : vector<16xi32> to vector<16x1xi32>
      %parallel_loop3A_524 = vector.shape_cast %parallel_loop3A_523 : vector<16x1xi32> to vector<16xi32>
      %parallel_loop3A_525 = tpu.dynamic_gather %parallel_loop3A_522[%parallel_loop3A_524] in [0] : vector<16xi32>, vector<16xi32> -> vector<16xi32>
      %parallel_loop3A_526 = tpu.vector_load_idx %arg7[%parallel_loop3A_525, %add3A_4] : memref<256x128xf32, #tpu.memory_space<vmem>>[vector<16xi32>, vector<16xi32>], vector<16xf32>,
      %parallel_loop3A_527 = arith.index_cast %parallel_loop3A_502 : i32 to index
      %parallel_loop3A_528 = arith.constant 0 : index
      %parallel_loop3A_529 = tpu.vector_load %arg10[%parallel_loop3A_527, %parallel_loop3A_528] {strides = array<i32>} : memref<16x128xf32, #tpu.memory_space<vmem>>, vector<16xf32>,
      %parallel_loop3A_530 = arith.constant 1.600000e+01 : f32
      %parallel_loop3A_531 = vector.broadcast %parallel_loop3A_530 : f32 to vector<16xf32>
      %parallel_loop3A_532 = arith.mulf %parallel_loop3A_526, %parallel_loop3A_531 : vector<16xf32>
      %parallel_loop3A_533 = arith.addf %parallel_loop3A_532, %parallel_loop3A_529 : vector<16xf32>
      %parallel_loop3A_534 = arith.index_cast %parallel_loop3A_518 : i32 to index
      %parallel_loop3A_535 = arith.index_cast %parallel_loop3A_502 : i32 to index
      %parallel_loop3A_536 = arith.constant 0 : index
      %parallel_loop3A_537 = tpu.vector_load %arg8[%parallel_loop3A_534, %parallel_loop3A_535, %parallel_loop3A_536] {strides = array<i32>} : memref<8x16x128xf32, #tpu.memory_space<vmem>>, vector<16xf32>,
      tpu.vector_store %arg8[%parallel_loop3A_534, %parallel_loop3A_535, %parallel_loop3A_536], %parallel_loop3A_533 {strides = array<i32>} : memref<8x16x128xf32, #tpu.memory_space<vmem>>, vector<16xf32>,
      %parallel_loop3A_538 = tpu.vector_load_idx %arg7[%parallel_loop3A_525, %add3A_7] : memref<256x128xf32, #tpu.memory_space<vmem>>[vector<16xi32>, vector<16xi32>], vector<16xf32>,
      %parallel_loop3A_539 = arith.index_cast %parallel_loop3A_502 : i32 to index
      %parallel_loop3A_540 = arith.constant 16 : index
      %parallel_loop3A_541 = tpu.vector_load %arg10[%parallel_loop3A_539, %parallel_loop3A_540] {strides = array<i32>} : memref<16x128xf32, #tpu.memory_space<vmem>>, vector<16xf32>,
      %parallel_loop3A_542 = arith.constant 1.600000e+01 : f32
      %parallel_loop3A_543 = vector.broadcast %parallel_loop3A_542 : f32 to vector<16xf32>
      %parallel_loop3A_544 = arith.mulf %parallel_loop3A_538, %parallel_loop3A_543 : vector<16xf32>
      %parallel_loop3A_545 = arith.addf %parallel_loop3A_544, %parallel_loop3A_541 : vector<16xf32>
      %parallel_loop3A_546 = arith.index_cast %parallel_loop3A_518 : i32 to index
      %parallel_loop3A_547 = arith.index_cast %parallel_loop3A_502 : i32 to index
      %parallel_loop3A_548 = arith.constant 16 : index
      %parallel_loop3A_549 = tpu.vector_load %arg8[%parallel_loop3A_546, %parallel_loop3A_547, %parallel_loop3A_548] {strides = array<i32>} : memref<8x16x128xf32, #tpu.memory_space<vmem>>, vector<16xf32>,
      tpu.vector_store %arg8[%parallel_loop3A_546, %parallel_loop3A_547, %parallel_loop3A_548], %parallel_loop3A_545 {strides = array<i32>} : memref<8x16x128xf32, #tpu.memory_space<vmem>>, vector<16xf32>,
      %parallel_loop3A_550 = tpu.vector_load_idx %arg7[%parallel_loop3A_525, %add3A_10] : memref<256x128xf32, #tpu.memory_space<vmem>>[vector<16xi32>, vector<16xi32>], vector<16xf32>,
      %parallel_loop3A_551 = arith.index_cast %parallel_loop3A_502 : i32 to index
      %parallel_loop3A_552 = arith.constant 32 : index
      %parallel_loop3A_553 = tpu.vector_load %arg10[%parallel_loop3A_551, %parallel_loop3A_552] {strides = array<i32>} : memref<16x128xf32, #tpu.memory_space<vmem>>, vector<16xf32>,
      %parallel_loop3A_554 = arith.constant 1.600000e+01 : f32
      %parallel_loop3A_555 = vector.broadcast %parallel_loop3A_554 : f32 to vector<16xf32>
      %parallel_loop3A_556 = arith.mulf %parallel_loop3A_550, %parallel_loop3A_555 : vector<16xf32>
      %parallel_loop3A_557 = arith.addf %parallel_loop3A_556, %parallel_loop3A_553 : vector<16xf32>
      %parallel_loop3A_558 = arith.index_cast %parallel_loop3A_518 : i32 to index
      %parallel_loop3A_559 = arith.index_cast %parallel_loop3A_502 : i32 to index
      %parallel_loop3A_560 = arith.constant 32 : index
      %parallel_loop3A_561 = tpu.vector_load %arg8[%parallel_loop3A_558, %parallel_loop3A_559, %parallel_loop3A_560] {strides = array<i32>} : memref<8x16x128xf32, #tpu.memory_space<vmem>>, vector<16xf32>,
      tpu.vector_store %arg8[%parallel_loop3A_558, %parallel_loop3A_559, %parallel_loop3A_560], %parallel_loop3A_557 {strides = array<i32>} : memref<8x16x128xf32, #tpu.memory_space<vmem>>, vector<16xf32>,
      %parallel_loop3A_562 = tpu.vector_load_idx %arg7[%parallel_loop3A_525, %add3A_13] : memref<256x128xf32, #tpu.memory_space<vmem>>[vector<16xi32>, vector<16xi32>], vector<16xf32>,
      %parallel_loop3A_563 = arith.index_cast %parallel_loop3A_502 : i32 to index
      %parallel_loop3A_564 = arith.constant 48 : index
      %parallel_loop3A_565 = tpu.vector_load %arg10[%parallel_loop3A_563, %parallel_loop3A_564] {strides = array<i32>} : memref<16x128xf32, #tpu.memory_space<vmem>>, vector<16xf32>,
      %parallel_loop3A_566 = arith.constant 1.600000e+01 : f32
      %parallel_loop3A_567 = vector.broadcast %parallel_loop3A_566 : f32 to vector<16xf32>
      %parallel_loop3A_568 = arith.mulf %parallel_loop3A_562, %parallel_loop3A_567 : vector<16xf32>
      %parallel_loop3A_569 = arith.addf %parallel_loop3A_568, %parallel_loop3A_565 : vector<16xf32>
      %parallel_loop3A_570 = arith.index_cast %parallel_loop3A_518 : i32 to index
      %parallel_loop3A_571 = arith.index_cast %parallel_loop3A_502 : i32 to index
      %parallel_loop3A_572 = arith.constant 48 : index
      %parallel_loop3A_573 = tpu.vector_load %arg8[%parallel_loop3A_570, %parallel_loop3A_571, %parallel_loop3A_572] {strides = array<i32>} : memref<8x16x128xf32, #tpu.memory_space<vmem>>, vector<16xf32>,
      tpu.vector_store %arg8[%parallel_loop3A_570, %parallel_loop3A_571, %parallel_loop3A_572], %parallel_loop3A_569 {strides = array<i32>} : memref<8x16x128xf32, #tpu.memory_space<vmem>>, vector<16xf32>,
      %parallel_loop3A_574 = tpu.vector_load_idx %arg7[%parallel_loop3A_525, %add3A_16] : memref<256x128xf32, #tpu.memory_space<vmem>>[vector<16xi32>, vector<16xi32>], vector<16xf32>,
      %parallel_loop3A_575 = arith.index_cast %parallel_loop3A_502 : i32 to index
      %parallel_loop3A_576 = arith.constant 64 : index
      %parallel_loop3A_577 = tpu.vector_load %arg10[%parallel_loop3A_575, %parallel_loop3A_576] {strides = array<i32>} : memref<16x128xf32, #tpu.memory_space<vmem>>, vector<16xf32>,
      %parallel_loop3A_578 = arith.constant 1.600000e+01 : f32
      %parallel_loop3A_579 = vector.broadcast %parallel_loop3A_578 : f32 to vector<16xf32>
      %parallel_loop3A_580 = arith.mulf %parallel_loop3A_574, %parallel_loop3A_579 : vector<16xf32>
      %parallel_loop3A_581 = arith.addf %parallel_loop3A_580, %parallel_loop3A_577 : vector<16xf32>
      %parallel_loop3A_582 = arith.index_cast %parallel_loop3A_518 : i32 to index
      %parallel_loop3A_583 = arith.index_cast %parallel_loop3A_502 : i32 to index
      %parallel_loop3A_584 = arith.constant 64 : index
      %parallel_loop3A_585 = tpu.vector_load %arg8[%parallel_loop3A_582, %parallel_loop3A_583, %parallel_loop3A_584] {strides = array<i32>} : memref<8x16x128xf32, #tpu.memory_space<vmem>>, vector<16xf32>,
      tpu.vector_store %arg8[%parallel_loop3A_582, %parallel_loop3A_583, %parallel_loop3A_584], %parallel_loop3A_581 {strides = array<i32>} : memref<8x16x128xf32, #tpu.memory_space<vmem>>, vector<16xf32>,
      %parallel_loop3A_586 = tpu.vector_load_idx %arg7[%parallel_loop3A_525, %add3A_19] : memref<256x128xf32, #tpu.memory_space<vmem>>[vector<16xi32>, vector<16xi32>], vector<16xf32>,
      %parallel_loop3A_587 = arith.index_cast %parallel_loop3A_502 : i32 to index
      %parallel_loop3A_588 = arith.constant 80 : index
      %parallel_loop3A_589 = tpu.vector_load %arg10[%parallel_loop3A_587, %parallel_loop3A_588] {strides = array<i32>} : memref<16x128xf32, #tpu.memory_space<vmem>>, vector<16xf32>,
      %parallel_loop3A_590 = arith.constant 1.600000e+01 : f32
      %parallel_loop3A_591 = vector.broadcast %parallel_loop3A_590 : f32 to vector<16xf32>
      %parallel_loop3A_592 = arith.mulf %parallel_loop3A_586, %parallel_loop3A_591 : vector<16xf32>
      %parallel_loop3A_593 = arith.addf %parallel_loop3A_592, %parallel_loop3A_589 : vector<16xf32>
      %parallel_loop3A_594 = arith.index_cast %parallel_loop3A_518 : i32 to index
      %parallel_loop3A_595 = arith.index_cast %parallel_loop3A_502 : i32 to index
      %parallel_loop3A_596 = arith.constant 80 : index
      %parallel_loop3A_597 = tpu.vector_load %arg8[%parallel_loop3A_594, %parallel_loop3A_595, %parallel_loop3A_596] {strides = array<i32>} : memref<8x16x128xf32, #tpu.memory_space<vmem>>, vector<16xf32>,
      tpu.vector_store %arg8[%parallel_loop3A_594, %parallel_loop3A_595, %parallel_loop3A_596], %parallel_loop3A_593 {strides = array<i32>} : memref<8x16x128xf32, #tpu.memory_space<vmem>>, vector<16xf32>,
      %parallel_loop3A_598 = tpu.vector_load_idx %arg7[%parallel_loop3A_525, %add3A_22] : memref<256x128xf32, #tpu.memory_space<vmem>>[vector<16xi32>, vector<16xi32>], vector<16xf32>,
      %parallel_loop3A_599 = arith.index_cast %parallel_loop3A_502 : i32 to index
      %parallel_loop3A_600 = arith.constant 96 : index
      %parallel_loop3A_601 = tpu.vector_load %arg10[%parallel_loop3A_599, %parallel_loop3A_600] {strides = array<i32>} : memref<16x128xf32, #tpu.memory_space<vmem>>, vector<16xf32>,
      %parallel_loop3A_602 = arith.constant 1.600000e+01 : f32
      %parallel_loop3A_603 = vector.broadcast %parallel_loop3A_602 : f32 to vector<16xf32>
      %parallel_loop3A_604 = arith.mulf %parallel_loop3A_598, %parallel_loop3A_603 : vector<16xf32>
      %parallel_loop3A_605 = arith.addf %parallel_loop3A_604, %parallel_loop3A_601 : vector<16xf32>
      %parallel_loop3A_606 = arith.index_cast %parallel_loop3A_518 : i32 to index
      %parallel_loop3A_607 = arith.index_cast %parallel_loop3A_502 : i32 to index
      %parallel_loop3A_608 = arith.constant 96 : index
      %parallel_loop3A_609 = tpu.vector_load %arg8[%parallel_loop3A_606, %parallel_loop3A_607, %parallel_loop3A_608] {strides = array<i32>} : memref<8x16x128xf32, #tpu.memory_space<vmem>>, vector<16xf32>,
      tpu.vector_store %arg8[%parallel_loop3A_606, %parallel_loop3A_607, %parallel_loop3A_608], %parallel_loop3A_605 {strides = array<i32>} : memref<8x16x128xf32, #tpu.memory_space<vmem>>, vector<16xf32>,
      %parallel_loop3A_610 = tpu.vector_load_idx %arg7[%parallel_loop3A_525, %add3A_25] : memref<256x128xf32, #tpu.memory_space<vmem>>[vector<16xi32>, vector<16xi32>], vector<16xf32>,
      %parallel_loop3A_611 = arith.index_cast %parallel_loop3A_502 : i32 to index
      %parallel_loop3A_612 = arith.constant 112 : index
      %parallel_loop3A_613 = tpu.vector_load %arg10[%parallel_loop3A_611, %parallel_loop3A_612] {strides = array<i32>} : memref<16x128xf32, #tpu.memory_space<vmem>>, vector<16xf32>,
      %parallel_loop3A_614 = arith.constant 1.600000e+01 : f32
      %parallel_loop3A_615 = vector.broadcast %parallel_loop3A_614 : f32 to vector<16xf32>
      %parallel_loop3A_616 = arith.mulf %parallel_loop3A_610, %parallel_loop3A_615 : vector<16xf32>
      %parallel_loop3A_617 = arith.addf %parallel_loop3A_616, %parallel_loop3A_613 : vector<16xf32>
      %parallel_loop3A_618 = arith.index_cast %parallel_loop3A_518 : i32 to index
      %parallel_loop3A_619 = arith.index_cast %parallel_loop3A_502 : i32 to index
      %parallel_loop3A_620 = arith.constant 112 : index
      %parallel_loop3A_621 = tpu.vector_load %arg8[%parallel_loop3A_618, %parallel_loop3A_619, %parallel_loop3A_620] {strides = array<i32>} : memref<8x16x128xf32, #tpu.memory_space<vmem>>, vector<16xf32>,
      tpu.vector_store %arg8[%parallel_loop3A_618, %parallel_loop3A_619, %parallel_loop3A_620], %parallel_loop3A_617 {strides = array<i32>} : memref<8x16x128xf32, #tpu.memory_space<vmem>>, vector<16xf32>,
    } {sc.loop_unroll_factor = 1 : i64, sc.parallel_access}
    %add3A_49 = arith.constant 0 : i32
    %add3A_50 = arith.addi %mul3A_0, %add3A_49 : i32
    %dma_start3A_51 = arith.constant 0 : i32
    %dma_start3A_52 = arith.constant 0 : i32
    %dma_start3A_53 = arith.constant 0 : i32
    %dma_start3A_54 = tpu.memref_slice %arg8[%dma_start3A_51, %dma_start3A_52, %dma_start3A_53] : memref<8x16x128xf32, #tpu.memory_space<vmem>> -> memref<1x16x128xf32, #tpu.memory_space<vmem>>
    %dma_start3A_55 = tpu.memref_squeeze %dma_start3A_54 : memref<1x16x128xf32, #tpu.memory_space<vmem>> -> memref<16x128xf32, #tpu.memory_space<vmem>>
    %dma_start3A_56 = arith.constant 0 : i32
    %dma_start3A_57 = tpu.memref_slice %arg5[%add3A_50, %dma_start3A_56, %mul3A_2] : memref<128x1500x256xf32, #tpu.memory_space<hbm>> -> memref<1x16x128xf32, #tpu.memory_space<hbm>>
    %dma_start3A_58 = tpu.memref_squeeze %dma_start3A_57 : memref<1x16x128xf32, #tpu.memory_space<hbm>> -> memref<16x128xf32, #tpu.memory_space<hbm>>
    %dma_start3A_59 = arith.constant 0 : i32
    %dma_start3A_60 = tpu.memref_slice %arg5[%add3A_50, %dma_start3A_59, %mul3A_2] : memref<128x1500x256xf32, #tpu.memory_space<hbm>> -> memref<1x16x128xf32, #tpu.memory_space<hbm>>
    %dma_start3A_61 = tpu.memref_squeeze %dma_start3A_60 : memref<1x16x128xf32, #tpu.memory_space<hbm>> -> memref<16x128xf32, #tpu.memory_space<hbm>>
    %dma_start3A_62 = arith.constant 0 : i32
    %dma_start3A_63 = arith.constant 0 : i32
    %dma_start3A_64 = tpu.memref_slice %arg8[%dma_start3A_51, %dma_start3A_62, %dma_start3A_63] : memref<8x16x128xf32, #tpu.memory_space<vmem>> -> memref<1x16x128xf32, #tpu.memory_space<vmem>>
    %dma_start3A_65 = tpu.memref_squeeze %dma_start3A_64 : memref<1x16x128xf32, #tpu.memory_space<vmem>> -> memref<16x128xf32, #tpu.memory_space<vmem>>
    tpu.enqueue_dma source(%dma_start3A_65 : memref<16x128xf32, #tpu.memory_space<vmem>>) target(%dma_start3A_61 : memref<16x128xf32, #tpu.memory_space<hbm>>) target_semaphore(%arg12 : memref<!tpu.dma_semaphore, #tpu.memory_space<semaphore_mem>>)
    %add3A_66 = arith.constant 1 : i32
    %add3A_67 = arith.addi %mul3A_0, %add3A_66 : i32
    %dma_start3A_68 = arith.constant 1 : i32
    %dma_start3A_69 = arith.constant 0 : i32
    %dma_start3A_70 = arith.constant 0 : i32
    %dma_start3A_71 = tpu.memref_slice %arg8[%dma_start3A_68, %dma_start3A_69, %dma_start3A_70] : memref<8x16x128xf32, #tpu.memory_space<vmem>> -> memref<1x16x128xf32, #tpu.memory_space<vmem>>
    %dma_start3A_72 = tpu.memref_squeeze %dma_start3A_71 : memref<1x16x128xf32, #tpu.memory_space<vmem>> -> memref<16x128xf32, #tpu.memory_space<vmem>>
    %dma_start3A_73 = arith.constant 0 : i32
    %dma_start3A_74 = tpu.memref_slice %arg5[%add3A_67, %dma_start3A_73, %mul3A_2] : memref<128x1500x256xf32, #tpu.memory_space<hbm>> -> memref<1x16x128xf32, #tpu.memory_space<hbm>>
    %dma_start3A_75 = tpu.memref_squeeze %dma_start3A_74 : memref<1x16x128xf32, #tpu.memory_space<hbm>> -> memref<16x128xf32, #tpu.memory_space<hbm>>
    %dma_start3A_76 = arith.constant 0 : i32
    %dma_start3A_77 = tpu.memref_slice %arg5[%add3A_67, %dma_start3A_76, %mul3A_2] : memref<128x1500x256xf32, #tpu.memory_space<hbm>> -> memref<1x16x128xf32, #tpu.memory_space<hbm>>
    %dma_start3A_78 = tpu.memref_squeeze %dma_start3A_77 : memref<1x16x128xf32, #tpu.memory_space<hbm>> -> memref<16x128xf32, #tpu.memory_space<hbm>>
    %dma_start3A_79 = arith.constant 0 : i32
    %dma_start3A_80 = arith.constant 0 : i32
    %dma_start3A_81 = tpu.memref_slice %arg8[%dma_start3A_68, %dma_start3A_79, %dma_start3A_80] : memref<8x16x128xf32, #tpu.memory_space<vmem>> -> memref<1x16x128xf32, #tpu.memory_space<vmem>>
    %dma_start3A_82 = tpu.memref_squeeze %dma_start3A_81 : memref<1x16x128xf32, #tpu.memory_space<vmem>> -> memref<16x128xf32, #tpu.memory_space<vmem>>
    tpu.enqueue_dma source(%dma_start3A_82 : memref<16x128xf32, #tpu.memory_space<vmem>>) target(%dma_start3A_78 : memref<16x128xf32, #tpu.memory_space<hbm>>) target_semaphore(%arg12 : memref<!tpu.dma_semaphore, #tpu.memory_space<semaphore_mem>>)
    %add3A_83 = arith.constant 2 : i32
    %add3A_84 = arith.addi %mul3A_0, %add3A_83 : i32
    %dma_start3A_85 = arith.constant 2 : i32
    %dma_start3A_86 = arith.constant 0 : i32
    %dma_start3A_87 = arith.constant 0 : i32
    %dma_start3A_88 = tpu.memref_slice %arg8[%dma_start3A_85, %dma_start3A_86, %dma_start3A_87] : memref<8x16x128xf32, #tpu.memory_space<vmem>> -> memref<1x16x128xf32, #tpu.memory_space<vmem>>
    %dma_start3A_89 = tpu.memref_squeeze %dma_start3A_88 : memref<1x16x128xf32, #tpu.memory_space<vmem>> -> memref<16x128xf32, #tpu.memory_space<vmem>>
    %dma_start3A_90 = arith.constant 0 : i32
    %dma_start3A_91 = tpu.memref_slice %arg5[%add3A_84, %dma_start3A_90, %mul3A_2] : memref<128x1500x256xf32, #tpu.memory_space<hbm>> -> memref<1x16x128xf32, #tpu.memory_space<hbm>>
    %dma_start3A_92 = tpu.memref_squeeze %dma_start3A_91 : memref<1x16x128xf32, #tpu.memory_space<hbm>> -> memref<16x128xf32, #tpu.memory_space<hbm>>
    %dma_start3A_93 = arith.constant 0 : i32
    %dma_start3A_94 = tpu.memref_slice %arg5[%add3A_84, %dma_start3A_93, %mul3A_2] : memref<128x1500x256xf32, #tpu.memory_space<hbm>> -> memref<1x16x128xf32, #tpu.memory_space<hbm>>
    %dma_start3A_95 = tpu.memref_squeeze %dma_start3A_94 : memref<1x16x128xf32, #tpu.memory_space<hbm>> -> memref<16x128xf32, #tpu.memory_space<hbm>>
    %dma_start3A_96 = arith.constant 0 : i32
    %dma_start3A_97 = arith.constant 0 : i32
    %dma_start3A_98 = tpu.memref_slice %arg8[%dma_start3A_85, %dma_start3A_96, %dma_start3A_97] : memref<8x16x128xf32, #tpu.memory_space<vmem>> -> memref<1x16x128xf32, #tpu.memory_space<vmem>>
    %dma_start3A_99 = tpu.memref_squeeze %dma_start3A_98 : memref<1x16x128xf32, #tpu.memory_space<vmem>> -> memref<16x128xf32, #tpu.memory_space<vmem>>
    tpu.enqueue_dma source(%dma_start3A_99 : memref<16x128xf32, #tpu.memory_space<vmem>>) target(%dma_start3A_95 : memref<16x128xf32, #tpu.memory_space<hbm>>) target_semaphore(%arg12 : memref<!tpu.dma_semaphore, #tpu.memory_space<semaphore_mem>>)
    %add3A_100 = arith.constant 3 : i32
    %add3A_101 = arith.addi %mul3A_0, %add3A_100 : i32
    %dma_start3A_102 = arith.constant 3 : i32
    %dma_start3A_103 = arith.constant 0 : i32
    %dma_start3A_104 = arith.constant 0 : i32
    %dma_start3A_105 = tpu.memref_slice %arg8[%dma_start3A_102, %dma_start3A_103, %dma_start3A_104] : memref<8x16x128xf32, #tpu.memory_space<vmem>> -> memref<1x16x128xf32, #tpu.memory_space<vmem>>
    %dma_start3A_106 = tpu.memref_squeeze %dma_start3A_105 : memref<1x16x128xf32, #tpu.memory_space<vmem>> -> memref<16x128xf32, #tpu.memory_space<vmem>>
    %dma_start3A_107 = arith.constant 0 : i32
    %dma_start3A_108 = tpu.memref_slice %arg5[%add3A_101, %dma_start3A_107, %mul3A_2] : memref<128x1500x256xf32, #tpu.memory_space<hbm>> -> memref<1x16x128xf32, #tpu.memory_space<hbm>>
    %dma_start3A_109 = tpu.memref_squeeze %dma_start3A_108 : memref<1x16x128xf32, #tpu.memory_space<hbm>> -> memref<16x128xf32, #tpu.memory_space<hbm>>
    %dma_start3A_110 = arith.constant 0 : i32
    %dma_start3A_111 = tpu.memref_slice %arg5[%add3A_101, %dma_start3A_110, %mul3A_2] : memref<128x1500x256xf32, #tpu.memory_space<hbm>> -> memref<1x16x128xf32, #tpu.memory_space<hbm>>
    %dma_start3A_112 = tpu.memref_squeeze %dma_start3A_111 : memref<1x16x128xf32, #tpu.memory_space<hbm>> -> memref<16x128xf32, #tpu.memory_space<hbm>>
    %dma_start3A_113 = arith.constant 0 : i32
    %dma_start3A_114 = arith.constant 0 : i32
    %dma_start3A_115 = tpu.memref_slice %arg8[%dma_start3A_102, %dma_start3A_113, %dma_start3A_114] : memref<8x16x128xf32, #tpu.memory_space<vmem>> -> memref<1x16x128xf32, #tpu.memory_space<vmem>>
    %dma_start3A_116 = tpu.memref_squeeze %dma_start3A_115 : memref<1x16x128xf32, #tpu.memory_space<vmem>> -> memref<16x128xf32, #tpu.memory_space<vmem>>
    tpu.enqueue_dma source(%dma_start3A_116 : memref<16x128xf32, #tpu.memory_space<vmem>>) target(%dma_start3A_112 : memref<16x128xf32, #tpu.memory_space<hbm>>) target_semaphore(%arg12 : memref<!tpu.dma_semaphore, #tpu.memory_space<semaphore_mem>>)
    %add3A_117 = arith.constant 4 : i32
    %add3A_118 = arith.addi %mul3A_0, %add3A_117 : i32
    %dma_start3A_119 = arith.constant 4 : i32
    %dma_start3A_120 = arith.constant 0 : i32
    %dma_start3A_121 = arith.constant 0 : i32
    %dma_start3A_122 = tpu.memref_slice %arg8[%dma_start3A_119, %dma_start3A_120, %dma_start3A_121] : memref<8x16x128xf32, #tpu.memory_space<vmem>> -> memref<1x16x128xf32, #tpu.memory_space<vmem>>
    %dma_start3A_123 = tpu.memref_squeeze %dma_start3A_122 : memref<1x16x128xf32, #tpu.memory_space<vmem>> -> memref<16x128xf32, #tpu.memory_space<vmem>>
    %dma_start3A_124 = arith.constant 0 : i32
    %dma_start3A_125 = tpu.memref_slice %arg5[%add3A_118, %dma_start3A_124, %mul3A_2] : memref<128x1500x256xf32, #tpu.memory_space<hbm>> -> memref<1x16x128xf32, #tpu.memory_space<hbm>>
    %dma_start3A_126 = tpu.memref_squeeze %dma_start3A_125 : memref<1x16x128xf32, #tpu.memory_space<hbm>> -> memref<16x128xf32, #tpu.memory_space<hbm>>
    %dma_start3A_127 = arith.constant 0 : i32
    %dma_start3A_128 = tpu.memref_slice %arg5[%add3A_118, %dma_start3A_127, %mul3A_2] : memref<128x1500x256xf32, #tpu.memory_space<hbm>> -> memref<1x16x128xf32, #tpu.memory_space<hbm>>
    %dma_start3A_129 = tpu.memref_squeeze %dma_start3A_128 : memref<1x16x128xf32, #tpu.memory_space<hbm>> -> memref<16x128xf32, #tpu.memory_space<hbm>>
    %dma_start3A_130 = arith.constant 0 : i32
    %dma_start3A_131 = arith.constant 0 : i32
    %dma_start3A_132 = tpu.memref_slice %arg8[%dma_start3A_119, %dma_start3A_130, %dma_start3A_131] : memref<8x16x128xf32, #tpu.memory_space<vmem>> -> memref<1x16x128xf32, #tpu.memory_space<vmem>>
    %dma_start3A_133 = tpu.memref_squeeze %dma_start3A_132 : memref<1x16x128xf32, #tpu.memory_space<vmem>> -> memref<16x128xf32, #tpu.memory_space<vmem>>
    tpu.enqueue_dma source(%dma_start3A_133 : memref<16x128xf32, #tpu.memory_space<vmem>>) target(%dma_start3A_129 : memref<16x128xf32, #tpu.memory_space<hbm>>) target_semaphore(%arg12 : memref<!tpu.dma_semaphore, #tpu.memory_space<semaphore_mem>>)
    %add3A_134 = arith.constant 5 : i32
    %add3A_135 = arith.addi %mul3A_0, %add3A_134 : i32
    %dma_start3A_136 = arith.constant 5 : i32
    %dma_start3A_137 = arith.constant 0 : i32
    %dma_start3A_138 = arith.constant 0 : i32
    %dma_start3A_139 = tpu.memref_slice %arg8[%dma_start3A_136, %dma_start3A_137, %dma_start3A_138] : memref<8x16x128xf32, #tpu.memory_space<vmem>> -> memref<1x16x128xf32, #tpu.memory_space<vmem>>
    %dma_start3A_140 = tpu.memref_squeeze %dma_start3A_139 : memref<1x16x128xf32, #tpu.memory_space<vmem>> -> memref<16x128xf32, #tpu.memory_space<vmem>>
    %dma_start3A_141 = arith.constant 0 : i32
    %dma_start3A_142 = tpu.memref_slice %arg5[%add3A_135, %dma_start3A_141, %mul3A_2] : memref<128x1500x256xf32, #tpu.memory_space<hbm>> -> memref<1x16x128xf32, #tpu.memory_space<hbm>>
    %dma_start3A_143 = tpu.memref_squeeze %dma_start3A_142 : memref<1x16x128xf32, #tpu.memory_space<hbm>> -> memref<16x128xf32, #tpu.memory_space<hbm>>
    %dma_start3A_144 = arith.constant 0 : i32
    %dma_start3A_145 = tpu.memref_slice %arg5[%add3A_135, %dma_start3A_144, %mul3A_2] : memref<128x1500x256xf32, #tpu.memory_space<hbm>> -> memref<1x16x128xf32, #tpu.memory_space<hbm>>
    %dma_start3A_146 = tpu.memref_squeeze %dma_start3A_145 : memref<1x16x128xf32, #tpu.memory_space<hbm>> -> memref<16x128xf32, #tpu.memory_space<hbm>>
    %dma_start3A_147 = arith.constant 0 : i32
    %dma_start3A_148 = arith.constant 0 : i32
    %dma_start3A_149 = tpu.memref_slice %arg8[%dma_start3A_136, %dma_start3A_147, %dma_start3A_148] : memref<8x16x128xf32, #tpu.memory_space<vmem>> -> memref<1x16x128xf32, #tpu.memory_space<vmem>>
    %dma_start3A_150 = tpu.memref_squeeze %dma_start3A_149 : memref<1x16x128xf32, #tpu.memory_space<vmem>> -> memref<16x128xf32, #tpu.memory_space<vmem>>
    tpu.enqueue_dma source(%dma_start3A_150 : memref<16x128xf32, #tpu.memory_space<vmem>>) target(%dma_start3A_146 : memref<16x128xf32, #tpu.memory_space<hbm>>) target_semaphore(%arg12 : memref<!tpu.dma_semaphore, #tpu.memory_space<semaphore_mem>>)
    %add3A_151 = arith.constant 6 : i32
    %add3A_152 = arith.addi %mul3A_0, %add3A_151 : i32
    %dma_start3A_153 = arith.constant 6 : i32
    %dma_start3A_154 = arith.constant 0 : i32
    %dma_start3A_155 = arith.constant 0 : i32
    %dma_start3A_156 = tpu.memref_slice %arg8[%dma_start3A_153, %dma_start3A_154, %dma_start3A_155] : memref<8x16x128xf32, #tpu.memory_space<vmem>> -> memref<1x16x128xf32, #tpu.memory_space<vmem>>
    %dma_start3A_157 = tpu.memref_squeeze %dma_start3A_156 : memref<1x16x128xf32, #tpu.memory_space<vmem>> -> memref<16x128xf32, #tpu.memory_space<vmem>>
    %dma_start3A_158 = arith.constant 0 : i32
    %dma_start3A_159 = tpu.memref_slice %arg5[%add3A_152, %dma_start3A_158, %mul3A_2] : memref<128x1500x256xf32, #tpu.memory_space<hbm>> -> memref<1x16x128xf32, #tpu.memory_space<hbm>>
    %dma_start3A_160 = tpu.memref_squeeze %dma_start3A_159 : memref<1x16x128xf32, #tpu.memory_space<hbm>> -> memref<16x128xf32, #tpu.memory_space<hbm>>
    %dma_start3A_161 = arith.constant 0 : i32
    %dma_start3A_162 = tpu.memref_slice %arg5[%add3A_152, %dma_start3A_161, %mul3A_2] : memref<128x1500x256xf32, #tpu.memory_space<hbm>> -> memref<1x16x128xf32, #tpu.memory_space<hbm>>
    %dma_start3A_163 = tpu.memref_squeeze %dma_start3A_162 : memref<1x16x128xf32, #tpu.memory_space<hbm>> -> memref<16x128xf32, #tpu.memory_space<hbm>>
    %dma_start3A_164 = arith.constant 0 : i32
    %dma_start3A_165 = arith.constant 0 : i32
    %dma_start3A_166 = tpu.memref_slice %arg8[%dma_start3A_153, %dma_start3A_164, %dma_start3A_165] : memref<8x16x128xf32, #tpu.memory_space<vmem>> -> memref<1x16x128xf32, #tpu.memory_space<vmem>>
    %dma_start3A_167 = tpu.memref_squeeze %dma_start3A_166 : memref<1x16x128xf32, #tpu.memory_space<vmem>> -> memref<16x128xf32, #tpu.memory_space<vmem>>
    tpu.enqueue_dma source(%dma_start3A_167 : memref<16x128xf32, #tpu.memory_space<vmem>>) target(%dma_start3A_163 : memref<16x128xf32, #tpu.memory_space<hbm>>) target_semaphore(%arg12 : memref<!tpu.dma_semaphore, #tpu.memory_space<semaphore_mem>>)
    %add3A_168 = arith.constant 7 : i32
    %add3A_169 = arith.addi %mul3A_0, %add3A_168 : i32
    %dma_start3A_170 = arith.constant 7 : i32
    %dma_start3A_171 = arith.constant 0 : i32
    %dma_start3A_172 = arith.constant 0 : i32
    %dma_start3A_173 = tpu.memref_slice %arg8[%dma_start3A_170, %dma_start3A_171, %dma_start3A_172] : memref<8x16x128xf32, #tpu.memory_space<vmem>> -> memref<1x16x128xf32, #tpu.memory_space<vmem>>
    %dma_start3A_174 = tpu.memref_squeeze %dma_start3A_173 : memref<1x16x128xf32, #tpu.memory_space<vmem>> -> memref<16x128xf32, #tpu.memory_space<vmem>>
    %dma_start3A_175 = arith.constant 0 : i32
    %dma_start3A_176 = tpu.memref_slice %arg5[%add3A_169, %dma_start3A_175, %mul3A_2] : memref<128x1500x256xf32, #tpu.memory_space<hbm>> -> memref<1x16x128xf32, #tpu.memory_space<hbm>>
    %dma_start3A_177 = tpu.memref_squeeze %dma_start3A_176 : memref<1x16x128xf32, #tpu.memory_space<hbm>> -> memref<16x128xf32, #tpu.memory_space<hbm>>
    %dma_start3A_178 = arith.constant 0 : i32
    %dma_start3A_179 = tpu.memref_slice %arg5[%add3A_169, %dma_start3A_178, %mul3A_2] : memref<128x1500x256xf32, #tpu.memory_space<hbm>> -> memref<1x16x128xf32, #tpu.memory_space<hbm>>
    %dma_start3A_180 = tpu.memref_squeeze %dma_start3A_179 : memref<1x16x128xf32, #tpu.memory_space<hbm>> -> memref<16x128xf32, #tpu.memory_space<hbm>>
    %dma_start3A_181 = arith.constant 0 : i32
    %dma_start3A_182 = arith.constant 0 : i32
    %dma_start3A_183 = tpu.memref_slice %arg8[%dma_start3A_170, %dma_start3A_181, %dma_start3A_182] : memref<8x16x128xf32, #tpu.memory_space<vmem>> -> memref<1x16x128xf32, #tpu.memory_space<vmem>>
    %dma_start3A_184 = tpu.memref_squeeze %dma_start3A_183 : memref<1x16x128xf32, #tpu.memory_space<vmem>> -> memref<16x128xf32, #tpu.memory_space<vmem>>
    tpu.enqueue_dma source(%dma_start3A_184 : memref<16x128xf32, #tpu.memory_space<vmem>>) target(%dma_start3A_180 : memref<16x128xf32, #tpu.memory_space<hbm>>) target_semaphore(%arg12 : memref<!tpu.dma_semaphore, #tpu.memory_space<semaphore_mem>>)
    %scan3A = arith.constant 0 : i32
    %scan3A_185 = arith.constant 0 : i32
    %scan3A_186 = arith.constant 46 : i32
    %scan3A_187 = arith.addi %scan3A_185, %scan3A_186 : i32
    %scan3A_188 = arith.constant 1 : i32
    scf.for %scan3A_478 = %scan3A_185 to %scan3A_187 step %scan3A_188  : i32 {
      %mul3A_479 = arith.constant 2 : i32
      %mul3A_480 = arith.muli %scan3A_478, %mul3A_479 : i32
      %add3A_481 = arith.constant 1 : i32
      %add3A_482 = arith.addi %add3A_481, %mul3A_480 : i32
      %ge3A = arith.constant 2 : i32
      %ge3A_483 = arith.cmpi sge, %add3A_482, %ge3A : i32
      %convert_element_type3A = arith.extui %ge3A_483 : i1 to i32
      %cond3A = arith.constant 0 : i32
      %cond3A_484 = arith.cmpi ne, %convert_element_type3A, %cond3A : i32
      scf.if %cond3A_484 {
        %dma_wait3A_801 = arith.constant 0 : i32
        %dma_wait3A_802 = arith.constant 0 : i32
        %dma_wait3A_803 = arith.constant 0 : i32
        %dma_wait3A_804 = arith.constant 0 : i32
        %dma_wait3A_805 = tpu.memref_slice %arg9[%dma_wait3A_801, %dma_wait3A_803, %dma_wait3A_804] : memref<8x16x128xf32, #tpu.memory_space<vmem>> -> memref<1x16x128xf32, #tpu.memory_space<vmem>>
        %dma_wait3A_806 = tpu.memref_squeeze %dma_wait3A_805 : memref<1x16x128xf32, #tpu.memory_space<vmem>> -> memref<16x128xf32, #tpu.memory_space<vmem>>
        %dma_wait3A_807 = arith.constant 0 : i32
        %dma_wait3A_808 = arith.constant 0 : i32
        %dma_wait3A_809 = tpu.memref_slice %arg5[%dma_wait3A_802, %dma_wait3A_807, %dma_wait3A_808] : memref<128x1500x256xf32, #tpu.memory_space<hbm>> -> memref<1x16x128xf32, #tpu.memory_space<hbm>>
        %dma_wait3A_810 = tpu.memref_squeeze %dma_wait3A_809 : memref<1x16x128xf32, #tpu.memory_space<hbm>> -> memref<16x128xf32, #tpu.memory_space<hbm>>
        %dma_wait3A_811 = arith.constant 0 : i32
        %dma_wait3A_812 = arith.constant 0 : i32
        %dma_wait3A_813 = tpu.memref_slice %arg5[%dma_wait3A_802, %dma_wait3A_811, %dma_wait3A_812] : memref<128x1500x256xf32, #tpu.memory_space<hbm>> -> memref<1x16x128xf32, #tpu.memory_space<hbm>>
        %dma_wait3A_814 = tpu.memref_squeeze %dma_wait3A_813 : memref<1x16x128xf32, #tpu.memory_space<hbm>> -> memref<16x128xf32, #tpu.memory_space<hbm>>
        %dma_wait3A_815 = arith.constant 0 : i32
        %dma_wait3A_816 = arith.constant 0 : i32
        %dma_wait3A_817 = tpu.memref_slice %arg9[%dma_wait3A_801, %dma_wait3A_815, %dma_wait3A_816] : memref<8x16x128xf32, #tpu.memory_space<vmem>> -> memref<1x16x128xf32, #tpu.memory_space<vmem>>
        %dma_wait3A_818 = tpu.memref_squeeze %dma_wait3A_817 : memref<1x16x128xf32, #tpu.memory_space<vmem>> -> memref<16x128xf32, #tpu.memory_space<vmem>>
        tpu.wait_dma2 semaphore(%arg13 : memref<!tpu.dma_semaphore, #tpu.memory_space<semaphore_mem>>) src(%dma_wait3A_818 : memref<16x128xf32, #tpu.memory_space<vmem>>) dst(%dma_wait3A_814 : memref<16x128xf32, #tpu.memory_space<hbm>>)
        %dma_wait3A_819 = arith.constant 1 : i32
        %dma_wait3A_820 = arith.constant 0 : i32
        %dma_wait3A_821 = arith.constant 0 : i32
        %dma_wait3A_822 = arith.constant 0 : i32
        %dma_wait3A_823 = tpu.memref_slice %arg9[%dma_wait3A_819, %dma_wait3A_821, %dma_wait3A_822] : memref<8x16x128xf32, #tpu.memory_space<vmem>> -> memref<1x16x128xf32, #tpu.memory_space<vmem>>
        %dma_wait3A_824 = tpu.memref_squeeze %dma_wait3A_823 : memref<1x16x128xf32, #tpu.memory_space<vmem>> -> memref<16x128xf32, #tpu.memory_space<vmem>>
        %dma_wait3A_825 = arith.constant 0 : i32
        %dma_wait3A_826 = arith.constant 0 : i32
        %dma_wait3A_827 = tpu.memref_slice %arg5[%dma_wait3A_820, %dma_wait3A_825, %dma_wait3A_826] : memref<128x1500x256xf32, #tpu.memory_space<hbm>> -> memref<1x16x128xf32, #tpu.memory_space<hbm>>
        %dma_wait3A_828 = tpu.memref_squeeze %dma_wait3A_827 : memref<1x16x128xf32, #tpu.memory_space<hbm>> -> memref<16x128xf32, #tpu.memory_space<hbm>>
        %dma_wait3A_829 = arith.constant 0 : i32
        %dma_wait3A_830 = arith.constant 0 : i32
        %dma_wait3A_831 = tpu.memref_slice %arg5[%dma_wait3A_820, %dma_wait3A_829, %dma_wait3A_830] : memref<128x1500x256xf32, #tpu.memory_space<hbm>> -> memref<1x16x128xf32, #tpu.memory_space<hbm>>
        %dma_wait3A_832 = tpu.memref_squeeze %dma_wait3A_831 : memref<1x16x128xf32, #tpu.memory_space<hbm>> -> memref<16x128xf32, #tpu.memory_space<hbm>>
        %dma_wait3A_833 = arith.constant 0 : i32
        %dma_wait3A_834 = arith.constant 0 : i32
        %dma_wait3A_835 = tpu.memref_slice %arg9[%dma_wait3A_819, %dma_wait3A_833, %dma_wait3A_834] : memref<8x16x128xf32, #tpu.memory_space<vmem>> -> memref<1x16x128xf32, #tpu.memory_space<vmem>>
        %dma_wait3A_836 = tpu.memref_squeeze %dma_wait3A_835 : memref<1x16x128xf32, #tpu.memory_space<vmem>> -> memref<16x128xf32, #tpu.memory_space<vmem>>
        tpu.wait_dma2 semaphore(%arg13 : memref<!tpu.dma_semaphore, #tpu.memory_space<semaphore_mem>>) src(%dma_wait3A_836 : memref<16x128xf32, #tpu.memory_space<vmem>>) dst(%dma_wait3A_832 : memref<16x128xf32, #tpu.memory_space<hbm>>)
        %dma_wait3A_837 = arith.constant 2 : i32
        %dma_wait3A_838 = arith.constant 0 : i32
        %dma_wait3A_839 = arith.constant 0 : i32
        %dma_wait3A_840 = arith.constant 0 : i32
        %dma_wait3A_841 = tpu.memref_slice %arg9[%dma_wait3A_837, %dma_wait3A_839, %dma_wait3A_840] : memref<8x16x128xf32, #tpu.memory_space<vmem>> -> memref<1x16x128xf32, #tpu.memory_space<vmem>>
        %dma_wait3A_842 = tpu.memref_squeeze %dma_wait3A_841 : memref<1x16x128xf32, #tpu.memory_space<vmem>> -> memref<16x128xf32, #tpu.memory_space<vmem>>
        %dma_wait3A_843 = arith.constant 0 : i32
        %dma_wait3A_844 = arith.constant 0 : i32
        %dma_wait3A_845 = tpu.memref_slice %arg5[%dma_wait3A_838, %dma_wait3A_843, %dma_wait3A_844] : memref<128x1500x256xf32, #tpu.memory_space<hbm>> -> memref<1x16x128xf32, #tpu.memory_space<hbm>>
        %dma_wait3A_846 = tpu.memref_squeeze %dma_wait3A_845 : memref<1x16x128xf32, #tpu.memory_space<hbm>> -> memref<16x128xf32, #tpu.memory_space<hbm>>
        %dma_wait3A_847 = arith.constant 0 : i32
        %dma_wait3A_848 = arith.constant 0 : i32
        %dma_wait3A_849 = tpu.memref_slice %arg5[%dma_wait3A_838, %dma_wait3A_847, %dma_wait3A_848] : memref<128x1500x256xf32, #tpu.memory_space<hbm>> -> memref<1x16x128xf32, #tpu.memory_space<hbm>>
        %dma_wait3A_850 = tpu.memref_squeeze %dma_wait3A_849 : memref<1x16x128xf32, #tpu.memory_space<hbm>> -> memref<16x128xf32, #tpu.memory_space<hbm>>
        %dma_wait3A_851 = arith.constant 0 : i32
        %dma_wait3A_852 = arith.constant 0 : i32
        %dma_wait3A_853 = tpu.memref_slice %arg9[%dma_wait3A_837, %dma_wait3A_851, %dma_wait3A_852] : memref<8x16x128xf32, #tpu.memory_space<vmem>> -> memref<1x16x128xf32, #tpu.memory_space<vmem>>
        %dma_wait3A_854 = tpu.memref_squeeze %dma_wait3A_853 : memref<1x16x128xf32, #tpu.memory_space<vmem>> -> memref<16x128xf32, #tpu.memory_space<vmem>>
        tpu.wait_dma2 semaphore(%arg13 : memref<!tpu.dma_semaphore, #tpu.memory_space<semaphore_mem>>) src(%dma_wait3A_854 : memref<16x128xf32, #tpu.memory_space<vmem>>) dst(%dma_wait3A_850 : memref<16x128xf32, #tpu.memory_space<hbm>>)
        %dma_wait3A_855 = arith.constant 3 : i32
        %dma_wait3A_856 = arith.constant 0 : i32
        %dma_wait3A_857 = arith.constant 0 : i32
        %dma_wait3A_858 = arith.constant 0 : i32
        %dma_wait3A_859 = tpu.memref_slice %arg9[%dma_wait3A_855, %dma_wait3A_857, %dma_wait3A_858] : memref<8x16x128xf32, #tpu.memory_space<vmem>> -> memref<1x16x128xf32, #tpu.memory_space<vmem>>
        %dma_wait3A_860 = tpu.memref_squeeze %dma_wait3A_859 : memref<1x16x128xf32, #tpu.memory_space<vmem>> -> memref<16x128xf32, #tpu.memory_space<vmem>>
        %dma_wait3A_861 = arith.constant 0 : i32
        %dma_wait3A_862 = arith.constant 0 : i32
        %dma_wait3A_863 = tpu.memref_slice %arg5[%dma_wait3A_856, %dma_wait3A_861, %dma_wait3A_862] : memref<128x1500x256xf32, #tpu.memory_space<hbm>> -> memref<1x16x128xf32, #tpu.memory_space<hbm>>
        %dma_wait3A_864 = tpu.memref_squeeze %dma_wait3A_863 : memref<1x16x128xf32, #tpu.memory_space<hbm>> -> memref<16x128xf32, #tpu.memory_space<hbm>>
        %dma_wait3A_865 = arith.constant 0 : i32
        %dma_wait3A_866 = arith.constant 0 : i32
        %dma_wait3A_867 = tpu.memref_slice %arg5[%dma_wait3A_856, %dma_wait3A_865, %dma_wait3A_866] : memref<128x1500x256xf32, #tpu.memory_space<hbm>> -> memref<1x16x128xf32, #tpu.memory_space<hbm>>
        %dma_wait3A_868 = tpu.memref_squeeze %dma_wait3A_867 : memref<1x16x128xf32, #tpu.memory_space<hbm>> -> memref<16x128xf32, #tpu.memory_space<hbm>>
        %dma_wait3A_869 = arith.constant 0 : i32
        %dma_wait3A_870 = arith.constant 0 : i32
        %dma_wait3A_871 = tpu.memref_slice %arg9[%dma_wait3A_855, %dma_wait3A_869, %dma_wait3A_870] : memref<8x16x128xf32, #tpu.memory_space<vmem>> -> memref<1x16x128xf32, #tpu.memory_space<vmem>>
        %dma_wait3A_872 = tpu.memref_squeeze %dma_wait3A_871 : memref<1x16x128xf32, #tpu.memory_space<vmem>> -> memref<16x128xf32, #tpu.memory_space<vmem>>
        tpu.wait_dma2 semaphore(%arg13 : memref<!tpu.dma_semaphore, #tpu.memory_space<semaphore_mem>>) src(%dma_wait3A_872 : memref<16x128xf32, #tpu.memory_space<vmem>>) dst(%dma_wait3A_868 : memref<16x128xf32, #tpu.memory_space<hbm>>)
        %dma_wait3A_873 = arith.constant 4 : i32
        %dma_wait3A_874 = arith.constant 0 : i32
        %dma_wait3A_875 = arith.constant 0 : i32
        %dma_wait3A_876 = arith.constant 0 : i32
        %dma_wait3A_877 = tpu.memref_slice %arg9[%dma_wait3A_873, %dma_wait3A_875, %dma_wait3A_876] : memref<8x16x128xf32, #tpu.memory_space<vmem>> -> memref<1x16x128xf32, #tpu.memory_space<vmem>>
        %dma_wait3A_878 = tpu.memref_squeeze %dma_wait3A_877 : memref<1x16x128xf32, #tpu.memory_space<vmem>> -> memref<16x128xf32, #tpu.memory_space<vmem>>
        %dma_wait3A_879 = arith.constant 0 : i32
        %dma_wait3A_880 = arith.constant 0 : i32
        %dma_wait3A_881 = tpu.memref_slice %arg5[%dma_wait3A_874, %dma_wait3A_879, %dma_wait3A_880] : memref<128x1500x256xf32, #tpu.memory_space<hbm>> -> memref<1x16x128xf32, #tpu.memory_space<hbm>>
        %dma_wait3A_882 = tpu.memref_squeeze %dma_wait3A_881 : memref<1x16x128xf32, #tpu.memory_space<hbm>> -> memref<16x128xf32, #tpu.memory_space<hbm>>
        %dma_wait3A_883 = arith.constant 0 : i32
        %dma_wait3A_884 = arith.constant 0 : i32
        %dma_wait3A_885 = tpu.memref_slice %arg5[%dma_wait3A_874, %dma_wait3A_883, %dma_wait3A_884] : memref<128x1500x256xf32, #tpu.memory_space<hbm>> -> memref<1x16x128xf32, #tpu.memory_space<hbm>>
        %dma_wait3A_886 = tpu.memref_squeeze %dma_wait3A_885 : memref<1x16x128xf32, #tpu.memory_space<hbm>> -> memref<16x128xf32, #tpu.memory_space<hbm>>
        %dma_wait3A_887 = arith.constant 0 : i32
        %dma_wait3A_888 = arith.constant 0 : i32
        %dma_wait3A_889 = tpu.memref_slice %arg9[%dma_wait3A_873, %dma_wait3A_887, %dma_wait3A_888] : memref<8x16x128xf32, #tpu.memory_space<vmem>> -> memref<1x16x128xf32, #tpu.memory_space<vmem>>
        %dma_wait3A_890 = tpu.memref_squeeze %dma_wait3A_889 : memref<1x16x128xf32, #tpu.memory_space<vmem>> -> memref<16x128xf32, #tpu.memory_space<vmem>>
        tpu.wait_dma2 semaphore(%arg13 : memref<!tpu.dma_semaphore, #tpu.memory_space<semaphore_mem>>) src(%dma_wait3A_890 : memref<16x128xf32, #tpu.memory_space<vmem>>) dst(%dma_wait3A_886 : memref<16x128xf32, #tpu.memory_space<hbm>>)
        %dma_wait3A_891 = arith.constant 5 : i32
        %dma_wait3A_892 = arith.constant 0 : i32
        %dma_wait3A_893 = arith.constant 0 : i32
        %dma_wait3A_894 = arith.constant 0 : i32
        %dma_wait3A_895 = tpu.memref_slice %arg9[%dma_wait3A_891, %dma_wait3A_893, %dma_wait3A_894] : memref<8x16x128xf32, #tpu.memory_space<vmem>> -> memref<1x16x128xf32, #tpu.memory_space<vmem>>
        %dma_wait3A_896 = tpu.memref_squeeze %dma_wait3A_895 : memref<1x16x128xf32, #tpu.memory_space<vmem>> -> memref<16x128xf32, #tpu.memory_space<vmem>>
        %dma_wait3A_897 = arith.constant 0 : i32
        %dma_wait3A_898 = arith.constant 0 : i32
        %dma_wait3A_899 = tpu.memref_slice %arg5[%dma_wait3A_892, %dma_wait3A_897, %dma_wait3A_898] : memref<128x1500x256xf32, #tpu.memory_space<hbm>> -> memref<1x16x128xf32, #tpu.memory_space<hbm>>
        %dma_wait3A_900 = tpu.memref_squeeze %dma_wait3A_899 : memref<1x16x128xf32, #tpu.memory_space<hbm>> -> memref<16x128xf32, #tpu.memory_space<hbm>>
        %dma_wait3A_901 = arith.constant 0 : i32
        %dma_wait3A_902 = arith.constant 0 : i32
        %dma_wait3A_903 = tpu.memref_slice %arg5[%dma_wait3A_892, %dma_wait3A_901, %dma_wait3A_902] : memref<128x1500x256xf32, #tpu.memory_space<hbm>> -> memref<1x16x128xf32, #tpu.memory_space<hbm>>
        %dma_wait3A_904 = tpu.memref_squeeze %dma_wait3A_903 : memref<1x16x128xf32, #tpu.memory_space<hbm>> -> memref<16x128xf32, #tpu.memory_space<hbm>>
        %dma_wait3A_905 = arith.constant 0 : i32
        %dma_wait3A_906 = arith.constant 0 : i32
        %dma_wait3A_907 = tpu.memref_slice %arg9[%dma_wait3A_891, %dma_wait3A_905, %dma_wait3A_906] : memref<8x16x128xf32, #tpu.memory_space<vmem>> -> memref<1x16x128xf32, #tpu.memory_space<vmem>>
        %dma_wait3A_908 = tpu.memref_squeeze %dma_wait3A_907 : memref<1x16x128xf32, #tpu.memory_space<vmem>> -> memref<16x128xf32, #tpu.memory_space<vmem>>
        tpu.wait_dma2 semaphore(%arg13 : memref<!tpu.dma_semaphore, #tpu.memory_space<semaphore_mem>>) src(%dma_wait3A_908 : memref<16x128xf32, #tpu.memory_space<vmem>>) dst(%dma_wait3A_904 : memref<16x128xf32, #tpu.memory_space<hbm>>)
        %dma_wait3A_909 = arith.constant 6 : i32
        %dma_wait3A_910 = arith.constant 0 : i32
        %dma_wait3A_911 = arith.constant 0 : i32
        %dma_wait3A_912 = arith.constant 0 : i32
        %dma_wait3A_913 = tpu.memref_slice %arg9[%dma_wait3A_909, %dma_wait3A_911, %dma_wait3A_912] : memref<8x16x128xf32, #tpu.memory_space<vmem>> -> memref<1x16x128xf32, #tpu.memory_space<vmem>>
        %dma_wait3A_914 = tpu.memref_squeeze %dma_wait3A_913 : memref<1x16x128xf32, #tpu.memory_space<vmem>> -> memref<16x128xf32, #tpu.memory_space<vmem>>
        %dma_wait3A_915 = arith.constant 0 : i32
        %dma_wait3A_916 = arith.constant 0 : i32
        %dma_wait3A_917 = tpu.memref_slice %arg5[%dma_wait3A_910, %dma_wait3A_915, %dma_wait3A_916] : memref<128x1500x256xf32, #tpu.memory_space<hbm>> -> memref<1x16x128xf32, #tpu.memory_space<hbm>>
        %dma_wait3A_918 = tpu.memref_squeeze %dma_wait3A_917 : memref<1x16x128xf32, #tpu.memory_space<hbm>> -> memref<16x128xf32, #tpu.memory_space<hbm>>
        %dma_wait3A_919 = arith.constant 0 : i32
        %dma_wait3A_920 = arith.constant 0 : i32
        %dma_wait3A_921 = tpu.memref_slice %arg5[%dma_wait3A_910, %dma_wait3A_919, %dma_wait3A_920] : memref<128x1500x256xf32, #tpu.memory_space<hbm>> -> memref<1x16x128xf32, #tpu.memory_space<hbm>>
        %dma_wait3A_922 = tpu.memref_squeeze %dma_wait3A_921 : memref<1x16x128xf32, #tpu.memory_space<hbm>> -> memref<16x128xf32, #tpu.memory_space<hbm>>
        %dma_wait3A_923 = arith.constant 0 : i32
        %dma_wait3A_924 = arith.constant 0 : i32
        %dma_wait3A_925 = tpu.memref_slice %arg9[%dma_wait3A_909, %dma_wait3A_923, %dma_wait3A_924] : memref<8x16x128xf32, #tpu.memory_space<vmem>> -> memref<1x16x128xf32, #tpu.memory_space<vmem>>
        %dma_wait3A_926 = tpu.memref_squeeze %dma_wait3A_925 : memref<1x16x128xf32, #tpu.memory_space<vmem>> -> memref<16x128xf32, #tpu.memory_space<vmem>>
        tpu.wait_dma2 semaphore(%arg13 : memref<!tpu.dma_semaphore, #tpu.memory_space<semaphore_mem>>) src(%dma_wait3A_926 : memref<16x128xf32, #tpu.memory_space<vmem>>) dst(%dma_wait3A_922 : memref<16x128xf32, #tpu.memory_space<hbm>>)
        %dma_wait3A_927 = arith.constant 7 : i32
        %dma_wait3A_928 = arith.constant 0 : i32
        %dma_wait3A_929 = arith.constant 0 : i32
        %dma_wait3A_930 = arith.constant 0 : i32
        %dma_wait3A_931 = tpu.memref_slice %arg9[%dma_wait3A_927, %dma_wait3A_929, %dma_wait3A_930] : memref<8x16x128xf32, #tpu.memory_space<vmem>> -> memref<1x16x128xf32, #tpu.memory_space<vmem>>
        %dma_wait3A_932 = tpu.memref_squeeze %dma_wait3A_931 : memref<1x16x128xf32, #tpu.memory_space<vmem>> -> memref<16x128xf32, #tpu.memory_space<vmem>>
        %dma_wait3A_933 = arith.constant 0 : i32
        %dma_wait3A_934 = arith.constant 0 : i32
        %dma_wait3A_935 = tpu.memref_slice %arg5[%dma_wait3A_928, %dma_wait3A_933, %dma_wait3A_934] : memref<128x1500x256xf32, #tpu.memory_space<hbm>> -> memref<1x16x128xf32, #tpu.memory_space<hbm>>
        %dma_wait3A_936 = tpu.memref_squeeze %dma_wait3A_935 : memref<1x16x128xf32, #tpu.memory_space<hbm>> -> memref<16x128xf32, #tpu.memory_space<hbm>>
        %dma_wait3A_937 = arith.constant 0 : i32
        %dma_wait3A_938 = arith.constant 0 : i32
        %dma_wait3A_939 = tpu.memref_slice %arg5[%dma_wait3A_928, %dma_wait3A_937, %dma_wait3A_938] : memref<128x1500x256xf32, #tpu.memory_space<hbm>> -> memref<1x16x128xf32, #tpu.memory_space<hbm>>
        %dma_wait3A_940 = tpu.memref_squeeze %dma_wait3A_939 : memref<1x16x128xf32, #tpu.memory_space<hbm>> -> memref<16x128xf32, #tpu.memory_space<hbm>>
        %dma_wait3A_941 = arith.constant 0 : i32
        %dma_wait3A_942 = arith.constant 0 : i32
        %dma_wait3A_943 = tpu.memref_slice %arg9[%dma_wait3A_927, %dma_wait3A_941, %dma_wait3A_942] : memref<8x16x128xf32, #tpu.memory_space<vmem>> -> memref<1x16x128xf32, #tpu.memory_space<vmem>>
        %dma_wait3A_944 = tpu.memref_squeeze %dma_wait3A_943 : memref<1x16x128xf32, #tpu.memory_space<vmem>> -> memref<16x128xf32, #tpu.memory_space<vmem>>
        tpu.wait_dma2 semaphore(%arg13 : memref<!tpu.dma_semaphore, #tpu.memory_space<semaphore_mem>>) src(%dma_wait3A_944 : memref<16x128xf32, #tpu.memory_space<vmem>>) dst(%dma_wait3A_940 : memref<16x128xf32, #tpu.memory_space<hbm>>)
      } else {
      }
      %add3A_485 = arith.constant 1 : i32
      %add3A_486 = arith.addi %add3A_482, %add3A_485 : i32
      %lt3A = arith.constant 93 : i32
      %lt3A_487 = arith.cmpi slt, %add3A_486, %lt3A : i32
      %convert_element_type3A_488 = arith.extui %lt3A_487 : i1 to i32
      %cond3A_489 = arith.constant 0 : i32
      %cond3A_490 = arith.cmpi ne, %convert_element_type3A_488, %cond3A_489 : i32
      scf.if %cond3A_490 {
        %add3A_801 = arith.constant 1 : i32
        %add3A_802 = arith.addi %add3A_482, %add3A_801 : i32
        %dma_start3A_803 = arith.constant 0 : i32
        %dma_start3A_804 = tpu.memref_slice %arg4[%add3A_802, %dma_start3A_803, %mul3A_2] : memref<93x16x256xf32, #tpu.memory_space<hbm>> -> memref<1x16x128xf32, #tpu.memory_space<hbm>>
        %dma_start3A_805 = tpu.memref_squeeze %dma_start3A_804 : memref<1x16x128xf32, #tpu.memory_space<hbm>> -> memref<16x128xf32, #tpu.memory_space<hbm>>
        %dma_start3A_806 = arith.constant 0 : i32
        %dma_start3A_807 = tpu.memref_slice %arg4[%add3A_802, %dma_start3A_806, %mul3A_2] : memref<93x16x256xf32, #tpu.memory_space<hbm>> -> memref<1x16x128xf32, #tpu.memory_space<hbm>>
        %dma_start3A_808 = tpu.memref_squeeze %dma_start3A_807 : memref<1x16x128xf32, #tpu.memory_space<hbm>> -> memref<16x128xf32, #tpu.memory_space<hbm>>
        tpu.enqueue_dma source(%dma_start3A_808 : memref<16x128xf32, #tpu.memory_space<hbm>>) target(%arg10 : memref<16x128xf32, #tpu.memory_space<vmem>>) target_semaphore(%arg14 : memref<!tpu.dma_semaphore, #tpu.memory_space<semaphore_mem>>)
      } else {
      }
      %dma_wait3A_491 = arith.constant 0 : i32
      %dma_wait3A_492 = arith.constant 0 : i32
      %dma_wait3A_493 = arith.constant 0 : i32
      %dma_wait3A_494 = tpu.memref_slice %arg4[%dma_wait3A_491, %dma_wait3A_492, %dma_wait3A_493] : memref<93x16x256xf32, #tpu.memory_space<hbm>> -> memref<1x16x128xf32, #tpu.memory_space<hbm>>
      %dma_wait3A_495 = tpu.memref_squeeze %dma_wait3A_494 : memref<1x16x128xf32, #tpu.memory_space<hbm>> -> memref<16x128xf32, #tpu.memory_space<hbm>>
      %dma_wait3A_496 = arith.constant 0 : i32
      %dma_wait3A_497 = arith.constant 0 : i32
      %dma_wait3A_498 = tpu.memref_slice %arg4[%dma_wait3A_491, %dma_wait3A_496, %dma_wait3A_497] : memref<93x16x256xf32, #tpu.memory_space<hbm>> -> memref<1x16x128xf32, #tpu.memory_space<hbm>>
      %dma_wait3A_499 = tpu.memref_squeeze %dma_wait3A_498 : memref<1x16x128xf32, #tpu.memory_space<hbm>> -> memref<16x128xf32, #tpu.memory_space<hbm>>
      tpu.wait_dma2 semaphore(%arg15 : memref<!tpu.dma_semaphore, #tpu.memory_space<semaphore_mem>>) src(%dma_wait3A_499 : memref<16x128xf32, #tpu.memory_space<hbm>>) dst(%arg11 : memref<16x128xf32, #tpu.memory_space<vmem>>)
      %parallel_loop3A_500 = arith.constant 0 : i32
      %parallel_loop3A_501 = arith.constant 128 : i32
      %parallel_loop3A_502 = arith.constant 1 : i32
      scf.for %parallel_loop3A_801 = %parallel_loop3A_500 to %parallel_loop3A_501 step %parallel_loop3A_502  : i32 {
        %parallel_loop3A_802 = arith.constant 8 : i32
        %parallel_loop3A_803 = arith.divsi %parallel_loop3A_801, %parallel_loop3A_802 : i32
        %parallel_loop3A_804 = arith.constant 0 : i32
        %parallel_loop3A_805 = arith.cmpi sgt, %parallel_loop3A_801, %parallel_loop3A_804 : i32
        %parallel_loop3A_806 = arith.extui %parallel_loop3A_805 : i1 to i32
        %parallel_loop3A_807 = arith.constant 0 : i32
        %parallel_loop3A_808 = arith.cmpi slt, %parallel_loop3A_801, %parallel_loop3A_807 : i32
        %parallel_loop3A_809 = arith.extui %parallel_loop3A_808 : i1 to i32
        %parallel_loop3A_810 = arith.subi %parallel_loop3A_806, %parallel_loop3A_809 : i32
        %parallel_loop3A_811 = arith.constant 0 : i32
        %parallel_loop3A_812 = arith.cmpi sgt, %parallel_loop3A_802, %parallel_loop3A_811 : i32
        %parallel_loop3A_813 = arith.extui %parallel_loop3A_812 : i1 to i32
        %parallel_loop3A_814 = arith.constant 0 : i32
        %parallel_loop3A_815 = arith.cmpi slt, %parallel_loop3A_802, %parallel_loop3A_814 : i32
        %parallel_loop3A_816 = arith.extui %parallel_loop3A_815 : i1 to i32
        %parallel_loop3A_817 = arith.subi %parallel_loop3A_813, %parallel_loop3A_816 : i32
        %parallel_loop3A_818 = arith.cmpi ne, %parallel_loop3A_810, %parallel_loop3A_817 : i32
        %parallel_loop3A_819 = arith.remsi %parallel_loop3A_801, %parallel_loop3A_802 : i32
        %parallel_loop3A_820 = arith.constant 0 : i32
        %parallel_loop3A_821 = arith.cmpi ne, %parallel_loop3A_819, %parallel_loop3A_820 : i32
        %parallel_loop3A_822 = arith.andi %parallel_loop3A_818, %parallel_loop3A_821 : i1
        %parallel_loop3A_823 = arith.constant 1 : i32
        %parallel_loop3A_824 = arith.subi %parallel_loop3A_803, %parallel_loop3A_823 : i32
        %parallel_loop3A_825 = arith.select %parallel_loop3A_822, %parallel_loop3A_824, %parallel_loop3A_803 : i32
        %parallel_loop3A_826 = arith.constant 8 : i32
        %parallel_loop3A_827 = arith.constant 0 : i32
        %parallel_loop3A_828 = arith.cmpi eq, %parallel_loop3A_826, %parallel_loop3A_827 : i32
        %parallel_loop3A_829 = arith.constant 1 : i32
        %parallel_loop3A_830 = arith.select %parallel_loop3A_828, %parallel_loop3A_829, %parallel_loop3A_826 : i32
        %parallel_loop3A_831 = arith.remsi %parallel_loop3A_801, %parallel_loop3A_830 : i32
        %parallel_loop3A_832 = arith.constant 0 : i32
        %parallel_loop3A_833 = arith.cmpi ne, %parallel_loop3A_831, %parallel_loop3A_832 : i32
        %parallel_loop3A_834 = arith.constant 0 : i32
        %parallel_loop3A_835 = arith.cmpi slt, %parallel_loop3A_831, %parallel_loop3A_834 : i32
        %parallel_loop3A_836 = arith.constant 0 : i32
        %parallel_loop3A_837 = arith.cmpi slt, %parallel_loop3A_830, %parallel_loop3A_836 : i32
        %parallel_loop3A_838 = arith.xori %parallel_loop3A_835, %parallel_loop3A_837 : i1
        %parallel_loop3A_839 = arith.andi %parallel_loop3A_838, %parallel_loop3A_833 : i1
        %parallel_loop3A_840 = arith.addi %parallel_loop3A_831, %parallel_loop3A_830 : i32
        %parallel_loop3A_841 = arith.select %parallel_loop3A_839, %parallel_loop3A_840, %parallel_loop3A_831 : i32
        %parallel_loop3A_842 = vector.broadcast %parallel_loop3A_825 : i32 to vector<16xi32>
        %parallel_loop3A_843 = arith.constant 16 : i32
        %parallel_loop3A_844 = arith.muli %add3A_482, %parallel_loop3A_843 : i32
        %parallel_loop3A_845 = arith.index_cast %parallel_loop3A_841 : i32 to index
        %parallel_loop3A_846 = arith.index_cast %parallel_loop3A_844 : i32 to index
        %parallel_loop3A_847 = tpu.vector_load %arg6[%parallel_loop3A_845, %parallel_loop3A_846] {strides = array<i32>} : memref<8x1536xi32, #tpu.memory_space<vmem>>, vector<16xi32>,
        %parallel_loop3A_848 = vector.shape_cast %parallel_loop3A_842 : vector<16xi32> to vector<16x1xi32>
        %parallel_loop3A_849 = vector.shape_cast %parallel_loop3A_848 : vector<16x1xi32> to vector<16xi32>
        %parallel_loop3A_850 = tpu.dynamic_gather %parallel_loop3A_847[%parallel_loop3A_849] in [0] : vector<16xi32>, vector<16xi32> -> vector<16xi32>
        %parallel_loop3A_851 = tpu.vector_load_idx %arg7[%parallel_loop3A_850, %add3A_4] : memref<256x128xf32, #tpu.memory_space<vmem>>[vector<16xi32>, vector<16xi32>], vector<16xf32>,
        %parallel_loop3A_852 = arith.index_cast %parallel_loop3A_825 : i32 to index
        %parallel_loop3A_853 = arith.constant 0 : index
        %parallel_loop3A_854 = tpu.vector_load %arg11[%parallel_loop3A_852, %parallel_loop3A_853] {strides = array<i32>} : memref<16x128xf32, #tpu.memory_space<vmem>>, vector<16xf32>,
        %parallel_loop3A_855 = arith.constant 1.600000e+01 : f32
        %parallel_loop3A_856 = vector.broadcast %parallel_loop3A_855 : f32 to vector<16xf32>
        %parallel_loop3A_857 = arith.mulf %parallel_loop3A_851, %parallel_loop3A_856 : vector<16xf32>
        %parallel_loop3A_858 = arith.addf %parallel_loop3A_857, %parallel_loop3A_854 : vector<16xf32>
        %parallel_loop3A_859 = arith.index_cast %parallel_loop3A_841 : i32 to index
        %parallel_loop3A_860 = arith.index_cast %parallel_loop3A_825 : i32 to index
        %parallel_loop3A_861 = arith.constant 0 : index
        %parallel_loop3A_862 = tpu.vector_load %arg9[%parallel_loop3A_859, %parallel_loop3A_860, %parallel_loop3A_861] {strides = array<i32>} : memref<8x16x128xf32, #tpu.memory_space<vmem>>, vector<16xf32>,
        tpu.vector_store %arg9[%parallel_loop3A_859, %parallel_loop3A_860, %parallel_loop3A_861], %parallel_loop3A_858 {strides = array<i32>} : memref<8x16x128xf32, #tpu.memory_space<vmem>>, vector<16xf32>,
        %parallel_loop3A_863 = tpu.vector_load_idx %arg7[%parallel_loop3A_850, %add3A_7] : memref<256x128xf32, #tpu.memory_space<vmem>>[vector<16xi32>, vector<16xi32>], vector<16xf32>,
        %parallel_loop3A_864 = arith.index_cast %parallel_loop3A_825 : i32 to index
        %parallel_loop3A_865 = arith.constant 16 : index
        %parallel_loop3A_866 = tpu.vector_load %arg11[%parallel_loop3A_864, %parallel_loop3A_865] {strides = array<i32>} : memref<16x128xf32, #tpu.memory_space<vmem>>, vector<16xf32>,
        %parallel_loop3A_867 = arith.constant 1.600000e+01 : f32
        %parallel_loop3A_868 = vector.broadcast %parallel_loop3A_867 : f32 to vector<16xf32>
        %parallel_loop3A_869 = arith.mulf %parallel_loop3A_863, %parallel_loop3A_868 : vector<16xf32>
        %parallel_loop3A_870 = arith.addf %parallel_loop3A_869, %parallel_loop3A_866 : vector<16xf32>
        %parallel_loop3A_871 = arith.index_cast %parallel_loop3A_841 : i32 to index
        %parallel_loop3A_872 = arith.index_cast %parallel_loop3A_825 : i32 to index
        %parallel_loop3A_873 = arith.constant 16 : index
        %parallel_loop3A_874 = tpu.vector_load %arg9[%parallel_loop3A_871, %parallel_loop3A_872, %parallel_loop3A_873] {strides = array<i32>} : memref<8x16x128xf32, #tpu.memory_space<vmem>>, vector<16xf32>,
        tpu.vector_store %arg9[%parallel_loop3A_871, %parallel_loop3A_872, %parallel_loop3A_873], %parallel_loop3A_870 {strides = array<i32>} : memref<8x16x128xf32, #tpu.memory_space<vmem>>, vector<16xf32>,
        %parallel_loop3A_875 = tpu.vector_load_idx %arg7[%parallel_loop3A_850, %add3A_10] : memref<256x128xf32, #tpu.memory_space<vmem>>[vector<16xi32>, vector<16xi32>], vector<16xf32>,
        %parallel_loop3A_876 = arith.index_cast %parallel_loop3A_825 : i32 to index
        %parallel_loop3A_877 = arith.constant 32 : index
        %parallel_loop3A_878 = tpu.vector_load %arg11[%parallel_loop3A_876, %parallel_loop3A_877] {strides = array<i32>} : memref<16x128xf32, #tpu.memory_space<vmem>>, vector<16xf32>,
        %parallel_loop3A_879 = arith.constant 1.600000e+01 : f32
        %parallel_loop3A_880 = vector.broadcast %parallel_loop3A_879 : f32 to vector<16xf32>
        %parallel_loop3A_881 = arith.mulf %parallel_loop3A_875, %parallel_loop3A_880 : vector<16xf32>
        %parallel_loop3A_882 = arith.addf %parallel_loop3A_881, %parallel_loop3A_878 : vector<16xf32>
        %parallel_loop3A_883 = arith.index_cast %parallel_loop3A_841 : i32 to index
        %parallel_loop3A_884 = arith.index_cast %parallel_loop3A_825 : i32 to index
        %parallel_loop3A_885 = arith.constant 32 : index
        %parallel_loop3A_886 = tpu.vector_load %arg9[%parallel_loop3A_883, %parallel_loop3A_884, %parallel_loop3A_885] {strides = array<i32>} : memref<8x16x128xf32, #tpu.memory_space<vmem>>, vector<16xf32>,
        tpu.vector_store %arg9[%parallel_loop3A_883, %parallel_loop3A_884, %parallel_loop3A_885], %parallel_loop3A_882 {strides = array<i32>} : memref<8x16x128xf32, #tpu.memory_space<vmem>>, vector<16xf32>,
        %parallel_loop3A_887 = tpu.vector_load_idx %arg7[%parallel_loop3A_850, %add3A_13] : memref<256x128xf32, #tpu.memory_space<vmem>>[vector<16xi32>, vector<16xi32>], vector<16xf32>,
        %parallel_loop3A_888 = arith.index_cast %parallel_loop3A_825 : i32 to index
        %parallel_loop3A_889 = arith.constant 48 : index
        %parallel_loop3A_890 = tpu.vector_load %arg11[%parallel_loop3A_888, %parallel_loop3A_889] {strides = array<i32>} : memref<16x128xf32, #tpu.memory_space<vmem>>, vector<16xf32>,
        %parallel_loop3A_891 = arith.constant 1.600000e+01 : f32
        %parallel_loop3A_892 = vector.broadcast %parallel_loop3A_891 : f32 to vector<16xf32>
        %parallel_loop3A_893 = arith.mulf %parallel_loop3A_887, %parallel_loop3A_892 : vector<16xf32>
        %parallel_loop3A_894 = arith.addf %parallel_loop3A_893, %parallel_loop3A_890 : vector<16xf32>
        %parallel_loop3A_895 = arith.index_cast %parallel_loop3A_841 : i32 to index
        %parallel_loop3A_896 = arith.index_cast %parallel_loop3A_825 : i32 to index
        %parallel_loop3A_897 = arith.constant 48 : index
        %parallel_loop3A_898 = tpu.vector_load %arg9[%parallel_loop3A_895, %parallel_loop3A_896, %parallel_loop3A_897] {strides = array<i32>} : memref<8x16x128xf32, #tpu.memory_space<vmem>>, vector<16xf32>,
        tpu.vector_store %arg9[%parallel_loop3A_895, %parallel_loop3A_896, %parallel_loop3A_897], %parallel_loop3A_894 {strides = array<i32>} : memref<8x16x128xf32, #tpu.memory_space<vmem>>, vector<16xf32>,
        %parallel_loop3A_899 = tpu.vector_load_idx %arg7[%parallel_loop3A_850, %add3A_16] : memref<256x128xf32, #tpu.memory_space<vmem>>[vector<16xi32>, vector<16xi32>], vector<16xf32>,
        %parallel_loop3A_900 = arith.index_cast %parallel_loop3A_825 : i32 to index
        %parallel_loop3A_901 = arith.constant 64 : index
        %parallel_loop3A_902 = tpu.vector_load %arg11[%parallel_loop3A_900, %parallel_loop3A_901] {strides = array<i32>} : memref<16x128xf32, #tpu.memory_space<vmem>>, vector<16xf32>,
        %parallel_loop3A_903 = arith.constant 1.600000e+01 : f32
        %parallel_loop3A_904 = vector.broadcast %parallel_loop3A_903 : f32 to vector<16xf32>
        %parallel_loop3A_905 = arith.mulf %parallel_loop3A_899, %parallel_loop3A_904 : vector<16xf32>
        %parallel_loop3A_906 = arith.addf %parallel_loop3A_905, %parallel_loop3A_902 : vector<16xf32>
        %parallel_loop3A_907 = arith.index_cast %parallel_loop3A_841 : i32 to index
        %parallel_loop3A_908 = arith.index_cast %parallel_loop3A_825 : i32 to index
        %parallel_loop3A_909 = arith.constant 64 : index
        %parallel_loop3A_910 = tpu.vector_load %arg9[%parallel_loop3A_907, %parallel_loop3A_908, %parallel_loop3A_909] {strides = array<i32>} : memref<8x16x128xf32, #tpu.memory_space<vmem>>, vector<16xf32>,
        tpu.vector_store %arg9[%parallel_loop3A_907, %parallel_loop3A_908, %parallel_loop3A_909], %parallel_loop3A_906 {strides = array<i32>} : memref<8x16x128xf32, #tpu.memory_space<vmem>>, vector<16xf32>,
        %parallel_loop3A_911 = tpu.vector_load_idx %arg7[%parallel_loop3A_850, %add3A_19] : memref<256x128xf32, #tpu.memory_space<vmem>>[vector<16xi32>, vector<16xi32>], vector<16xf32>,
        %parallel_loop3A_912 = arith.index_cast %parallel_loop3A_825 : i32 to index
        %parallel_loop3A_913 = arith.constant 80 : index
        %parallel_loop3A_914 = tpu.vector_load %arg11[%parallel_loop3A_912, %parallel_loop3A_913] {strides = array<i32>} : memref<16x128xf32, #tpu.memory_space<vmem>>, vector<16xf32>,
        %parallel_loop3A_915 = arith.constant 1.600000e+01 : f32
        %parallel_loop3A_916 = vector.broadcast %parallel_loop3A_915 : f32 to vector<16xf32>
        %parallel_loop3A_917 = arith.mulf %parallel_loop3A_911, %parallel_loop3A_916 : vector<16xf32>
        %parallel_loop3A_918 = arith.addf %parallel_loop3A_917, %parallel_loop3A_914 : vector<16xf32>
        %parallel_loop3A_919 = arith.index_cast %parallel_loop3A_841 : i32 to index
        %parallel_loop3A_920 = arith.index_cast %parallel_loop3A_825 : i32 to index
        %parallel_loop3A_921 = arith.constant 80 : index
        %parallel_loop3A_922 = tpu.vector_load %arg9[%parallel_loop3A_919, %parallel_loop3A_920, %parallel_loop3A_921] {strides = array<i32>} : memref<8x16x128xf32, #tpu.memory_space<vmem>>, vector<16xf32>,
        tpu.vector_store %arg9[%parallel_loop3A_919, %parallel_loop3A_920, %parallel_loop3A_921], %parallel_loop3A_918 {strides = array<i32>} : memref<8x16x128xf32, #tpu.memory_space<vmem>>, vector<16xf32>,
        %parallel_loop3A_923 = tpu.vector_load_idx %arg7[%parallel_loop3A_850, %add3A_22] : memref<256x128xf32, #tpu.memory_space<vmem>>[vector<16xi32>, vector<16xi32>], vector<16xf32>,
        %parallel_loop3A_924 = arith.index_cast %parallel_loop3A_825 : i32 to index
        %parallel_loop3A_925 = arith.constant 96 : index
        %parallel_loop3A_926 = tpu.vector_load %arg11[%parallel_loop3A_924, %parallel_loop3A_925] {strides = array<i32>} : memref<16x128xf32, #tpu.memory_space<vmem>>, vector<16xf32>,
        %parallel_loop3A_927 = arith.constant 1.600000e+01 : f32
        %parallel_loop3A_928 = vector.broadcast %parallel_loop3A_927 : f32 to vector<16xf32>
        %parallel_loop3A_929 = arith.mulf %parallel_loop3A_923, %parallel_loop3A_928 : vector<16xf32>
        %parallel_loop3A_930 = arith.addf %parallel_loop3A_929, %parallel_loop3A_926 : vector<16xf32>
        %parallel_loop3A_931 = arith.index_cast %parallel_loop3A_841 : i32 to index
        %parallel_loop3A_932 = arith.index_cast %parallel_loop3A_825 : i32 to index
        %parallel_loop3A_933 = arith.constant 96 : index
        %parallel_loop3A_934 = tpu.vector_load %arg9[%parallel_loop3A_931, %parallel_loop3A_932, %parallel_loop3A_933] {strides = array<i32>} : memref<8x16x128xf32, #tpu.memory_space<vmem>>, vector<16xf32>,
        tpu.vector_store %arg9[%parallel_loop3A_931, %parallel_loop3A_932, %parallel_loop3A_933], %parallel_loop3A_930 {strides = array<i32>} : memref<8x16x128xf32, #tpu.memory_space<vmem>>, vector<16xf32>,
        %parallel_loop3A_935 = tpu.vector_load_idx %arg7[%parallel_loop3A_850, %add3A_25] : memref<256x128xf32, #tpu.memory_space<vmem>>[vector<16xi32>, vector<16xi32>], vector<16xf32>,
        %parallel_loop3A_936 = arith.index_cast %parallel_loop3A_825 : i32 to index
        %parallel_loop3A_937 = arith.constant 112 : index
        %parallel_loop3A_938 = tpu.vector_load %arg11[%parallel_loop3A_936, %parallel_loop3A_937] {strides = array<i32>} : memref<16x128xf32, #tpu.memory_space<vmem>>, vector<16xf32>,
        %parallel_loop3A_939 = arith.constant 1.600000e+01 : f32
        %parallel_loop3A_940 = vector.broadcast %parallel_loop3A_939 : f32 to vector<16xf32>
        %parallel_loop3A_941 = arith.mulf %parallel_loop3A_935, %parallel_loop3A_940 : vector<16xf32>
        %parallel_loop3A_942 = arith.addf %parallel_loop3A_941, %parallel_loop3A_938 : vector<16xf32>
        %parallel_loop3A_943 = arith.index_cast %parallel_loop3A_841 : i32 to index
        %parallel_loop3A_944 = arith.index_cast %parallel_loop3A_825 : i32 to index
        %parallel_loop3A_945 = arith.constant 112 : index
        %parallel_loop3A_946 = tpu.vector_load %arg9[%parallel_loop3A_943, %parallel_loop3A_944, %parallel_loop3A_945] {strides = array<i32>} : memref<8x16x128xf32, #tpu.memory_space<vmem>>, vector<16xf32>,
        tpu.vector_store %arg9[%parallel_loop3A_943, %parallel_loop3A_944, %parallel_loop3A_945], %parallel_loop3A_942 {strides = array<i32>} : memref<8x16x128xf32, #tpu.memory_space<vmem>>, vector<16xf32>,
      } {sc.loop_unroll_factor = 1 : i64, sc.parallel_access}
      %add3A_503 = arith.constant 0 : i32
      %add3A_504 = arith.addi %mul3A_0, %add3A_503 : i32
      %mul3A_505 = arith.constant 16 : i32
      %mul3A_506 = arith.muli %add3A_482, %mul3A_505 : i32
      %dma_start3A_507 = arith.constant 0 : i32
      %dma_start3A_508 = arith.constant 0 : i32
      %dma_start3A_509 = arith.constant 0 : i32
      %dma_start3A_510 = tpu.memref_slice %arg9[%dma_start3A_507, %dma_start3A_508, %dma_start3A_509] : memref<8x16x128xf32, #tpu.memory_space<vmem>> -> memref<1x16x128xf32, #tpu.memory_space<vmem>>
      %dma_start3A_511 = tpu.memref_squeeze %dma_start3A_510 : memref<1x16x128xf32, #tpu.memory_space<vmem>> -> memref<16x128xf32, #tpu.memory_space<vmem>>
      %dma_start3A_512 = tpu.memref_slice %arg5[%add3A_504, %mul3A_506, %mul3A_2] : memref<128x1500x256xf32, #tpu.memory_space<hbm>> -> memref<1x16x128xf32, #tpu.memory_space<hbm>>
      %dma_start3A_513 = tpu.memref_squeeze %dma_start3A_512 : memref<1x16x128xf32, #tpu.memory_space<hbm>> -> memref<16x128xf32, #tpu.memory_space<hbm>>
      %dma_start3A_514 = tpu.memref_slice %arg5[%add3A_504, %mul3A_506, %mul3A_2] : memref<128x1500x256xf32, #tpu.memory_space<hbm>> -> memref<1x16x128xf32, #tpu.memory_space<hbm>>
      %dma_start3A_515 = tpu.memref_squeeze %dma_start3A_514 : memref<1x16x128xf32, #tpu.memory_space<hbm>> -> memref<16x128xf32, #tpu.memory_space<hbm>>
      %dma_start3A_516 = arith.constant 0 : i32
      %dma_start3A_517 = arith.constant 0 : i32
      %dma_start3A_518 = tpu.memref_slice %arg9[%dma_start3A_507, %dma_start3A_516, %dma_start3A_517] : memref<8x16x128xf32, #tpu.memory_space<vmem>> -> memref<1x16x128xf32, #tpu.memory_space<vmem>>
      %dma_start3A_519 = tpu.memref_squeeze %dma_start3A_518 : memref<1x16x128xf32, #tpu.memory_space<vmem>> -> memref<16x128xf32, #tpu.memory_space<vmem>>
      tpu.enqueue_dma source(%dma_start3A_519 : memref<16x128xf32, #tpu.memory_space<vmem>>) target(%dma_start3A_515 : memref<16x128xf32, #tpu.memory_space<hbm>>) target_semaphore(%arg13 : memref<!tpu.dma_semaphore, #tpu.memory_space<semaphore_mem>>)
      %add3A_520 = arith.constant 1 : i32
      %add3A_521 = arith.addi %mul3A_0, %add3A_520 : i32
      %mul3A_522 = arith.constant 16 : i32
      %mul3A_523 = arith.muli %add3A_482, %mul3A_522 : i32
      %dma_start3A_524 = arith.constant 1 : i32
      %dma_start3A_525 = arith.constant 0 : i32
      %dma_start3A_526 = arith.constant 0 : i32
      %dma_start3A_527 = tpu.memref_slice %arg9[%dma_start3A_524, %dma_start3A_525, %dma_start3A_526] : memref<8x16x128xf32, #tpu.memory_space<vmem>> -> memref<1x16x128xf32, #tpu.memory_space<vmem>>
      %dma_start3A_528 = tpu.memref_squeeze %dma_start3A_527 : memref<1x16x128xf32, #tpu.memory_space<vmem>> -> memref<16x128xf32, #tpu.memory_space<vmem>>
      %dma_start3A_529 = tpu.memref_slice %arg5[%add3A_521, %mul3A_523, %mul3A_2] : memref<128x1500x256xf32, #tpu.memory_space<hbm>> -> memref<1x16x128xf32, #tpu.memory_space<hbm>>
      %dma_start3A_530 = tpu.memref_squeeze %dma_start3A_529 : memref<1x16x128xf32, #tpu.memory_space<hbm>> -> memref<16x128xf32, #tpu.memory_space<hbm>>
      %dma_start3A_531 = tpu.memref_slice %arg5[%add3A_521, %mul3A_523, %mul3A_2] : memref<128x1500x256xf32, #tpu.memory_space<hbm>> -> memref<1x16x128xf32, #tpu.memory_space<hbm>>
      %dma_start3A_532 = tpu.memref_squeeze %dma_start3A_531 : memref<1x16x128xf32, #tpu.memory_space<hbm>> -> memref<16x128xf32, #tpu.memory_space<hbm>>
      %dma_start3A_533 = arith.constant 0 : i32
      %dma_start3A_534 = arith.constant 0 : i32
      %dma_start3A_535 = tpu.memref_slice %arg9[%dma_start3A_524, %dma_start3A_533, %dma_start3A_534] : memref<8x16x128xf32, #tpu.memory_space<vmem>> -> memref<1x16x128xf32, #tpu.memory_space<vmem>>
      %dma_start3A_536 = tpu.memref_squeeze %dma_start3A_535 : memref<1x16x128xf32, #tpu.memory_space<vmem>> -> memref<16x128xf32, #tpu.memory_space<vmem>>
      tpu.enqueue_dma source(%dma_start3A_536 : memref<16x128xf32, #tpu.memory_space<vmem>>) target(%dma_start3A_532 : memref<16x128xf32, #tpu.memory_space<hbm>>) target_semaphore(%arg13 : memref<!tpu.dma_semaphore, #tpu.memory_space<semaphore_mem>>)
      %add3A_537 = arith.constant 2 : i32
      %add3A_538 = arith.addi %mul3A_0, %add3A_537 : i32
      %mul3A_539 = arith.constant 16 : i32
      %mul3A_540 = arith.muli %add3A_482, %mul3A_539 : i32
      %dma_start3A_541 = arith.constant 2 : i32
      %dma_start3A_542 = arith.constant 0 : i32
      %dma_start3A_543 = arith.constant 0 : i32
      %dma_start3A_544 = tpu.memref_slice %arg9[%dma_start3A_541, %dma_start3A_542, %dma_start3A_543] : memref<8x16x128xf32, #tpu.memory_space<vmem>> -> memref<1x16x128xf32, #tpu.memory_space<vmem>>
      %dma_start3A_545 = tpu.memref_squeeze %dma_start3A_544 : memref<1x16x128xf32, #tpu.memory_space<vmem>> -> memref<16x128xf32, #tpu.memory_space<vmem>>
      %dma_start3A_546 = tpu.memref_slice %arg5[%add3A_538, %mul3A_540, %mul3A_2] : memref<128x1500x256xf32, #tpu.memory_space<hbm>> -> memref<1x16x128xf32, #tpu.memory_space<hbm>>
      %dma_start3A_547 = tpu.memref_squeeze %dma_start3A_546 : memref<1x16x128xf32, #tpu.memory_space<hbm>> -> memref<16x128xf32, #tpu.memory_space<hbm>>
      %dma_start3A_548 = tpu.memref_slice %arg5[%add3A_538, %mul3A_540, %mul3A_2] : memref<128x1500x256xf32, #tpu.memory_space<hbm>> -> memref<1x16x128xf32, #tpu.memory_space<hbm>>
      %dma_start3A_549 = tpu.memref_squeeze %dma_start3A_548 : memref<1x16x128xf32, #tpu.memory_space<hbm>> -> memref<16x128xf32, #tpu.memory_space<hbm>>
      %dma_start3A_550 = arith.constant 0 : i32
      %dma_start3A_551 = arith.constant 0 : i32
      %dma_start3A_552 = tpu.memref_slice %arg9[%dma_start3A_541, %dma_start3A_550, %dma_start3A_551] : memref<8x16x128xf32, #tpu.memory_space<vmem>> -> memref<1x16x128xf32, #tpu.memory_space<vmem>>
      %dma_start3A_553 = tpu.memref_squeeze %dma_start3A_552 : memref<1x16x128xf32, #tpu.memory_space<vmem>> -> memref<16x128xf32, #tpu.memory_space<vmem>>
      tpu.enqueue_dma source(%dma_start3A_553 : memref<16x128xf32, #tpu.memory_space<vmem>>) target(%dma_start3A_549 : memref<16x128xf32, #tpu.memory_space<hbm>>) target_semaphore(%arg13 : memref<!tpu.dma_semaphore, #tpu.memory_space<semaphore_mem>>)
      %add3A_554 = arith.constant 3 : i32
      %add3A_555 = arith.addi %mul3A_0, %add3A_554 : i32
      %mul3A_556 = arith.constant 16 : i32
      %mul3A_557 = arith.muli %add3A_482, %mul3A_556 : i32
      %dma_start3A_558 = arith.constant 3 : i32
      %dma_start3A_559 = arith.constant 0 : i32
      %dma_start3A_560 = arith.constant 0 : i32
      %dma_start3A_561 = tpu.memref_slice %arg9[%dma_start3A_558, %dma_start3A_559, %dma_start3A_560] : memref<8x16x128xf32, #tpu.memory_space<vmem>> -> memref<1x16x128xf32, #tpu.memory_space<vmem>>
      %dma_start3A_562 = tpu.memref_squeeze %dma_start3A_561 : memref<1x16x128xf32, #tpu.memory_space<vmem>> -> memref<16x128xf32, #tpu.memory_space<vmem>>
      %dma_start3A_563 = tpu.memref_slice %arg5[%add3A_555, %mul3A_557, %mul3A_2] : memref<128x1500x256xf32, #tpu.memory_space<hbm>> -> memref<1x16x128xf32, #tpu.memory_space<hbm>>
      %dma_start3A_564 = tpu.memref_squeeze %dma_start3A_563 : memref<1x16x128xf32, #tpu.memory_space<hbm>> -> memref<16x128xf32, #tpu.memory_space<hbm>>
      %dma_start3A_565 = tpu.memref_slice %arg5[%add3A_555, %mul3A_557, %mul3A_2] : memref<128x1500x256xf32, #tpu.memory_space<hbm>> -> memref<1x16x128xf32, #tpu.memory_space<hbm>>
      %dma_start3A_566 = tpu.memref_squeeze %dma_start3A_565 : memref<1x16x128xf32, #tpu.memory_space<hbm>> -> memref<16x128xf32, #tpu.memory_space<hbm>>
      %dma_start3A_567 = arith.constant 0 : i32
      %dma_start3A_568 = arith.constant 0 : i32
      %dma_start3A_569 = tpu.memref_slice %arg9[%dma_start3A_558, %dma_start3A_567, %dma_start3A_568] : memref<8x16x128xf32, #tpu.memory_space<vmem>> -> memref<1x16x128xf32, #tpu.memory_space<vmem>>
      %dma_start3A_570 = tpu.memref_squeeze %dma_start3A_569 : memref<1x16x128xf32, #tpu.memory_space<vmem>> -> memref<16x128xf32, #tpu.memory_space<vmem>>
      tpu.enqueue_dma source(%dma_start3A_570 : memref<16x128xf32, #tpu.memory_space<vmem>>) target(%dma_start3A_566 : memref<16x128xf32, #tpu.memory_space<hbm>>) target_semaphore(%arg13 : memref<!tpu.dma_semaphore, #tpu.memory_space<semaphore_mem>>)
      %add3A_571 = arith.constant 4 : i32
      %add3A_572 = arith.addi %mul3A_0, %add3A_571 : i32
      %mul3A_573 = arith.constant 16 : i32
      %mul3A_574 = arith.muli %add3A_482, %mul3A_573 : i32
      %dma_start3A_575 = arith.constant 4 : i32
      %dma_start3A_576 = arith.constant 0 : i32
      %dma_start3A_577 = arith.constant 0 : i32
      %dma_start3A_578 = tpu.memref_slice %arg9[%dma_start3A_575, %dma_start3A_576, %dma_start3A_577] : memref<8x16x128xf32, #tpu.memory_space<vmem>> -> memref<1x16x128xf32, #tpu.memory_space<vmem>>
      %dma_start3A_579 = tpu.memref_squeeze %dma_start3A_578 : memref<1x16x128xf32, #tpu.memory_space<vmem>> -> memref<16x128xf32, #tpu.memory_space<vmem>>
      %dma_start3A_580 = tpu.memref_slice %arg5[%add3A_572, %mul3A_574, %mul3A_2] : memref<128x1500x256xf32, #tpu.memory_space<hbm>> -> memref<1x16x128xf32, #tpu.memory_space<hbm>>
      %dma_start3A_581 = tpu.memref_squeeze %dma_start3A_580 : memref<1x16x128xf32, #tpu.memory_space<hbm>> -> memref<16x128xf32, #tpu.memory_space<hbm>>
      %dma_start3A_582 = tpu.memref_slice %arg5[%add3A_572, %mul3A_574, %mul3A_2] : memref<128x1500x256xf32, #tpu.memory_space<hbm>> -> memref<1x16x128xf32, #tpu.memory_space<hbm>>
      %dma_start3A_583 = tpu.memref_squeeze %dma_start3A_582 : memref<1x16x128xf32, #tpu.memory_space<hbm>> -> memref<16x128xf32, #tpu.memory_space<hbm>>
      %dma_start3A_584 = arith.constant 0 : i32
      %dma_start3A_585 = arith.constant 0 : i32
      %dma_start3A_586 = tpu.memref_slice %arg9[%dma_start3A_575, %dma_start3A_584, %dma_start3A_585] : memref<8x16x128xf32, #tpu.memory_space<vmem>> -> memref<1x16x128xf32, #tpu.memory_space<vmem>>
      %dma_start3A_587 = tpu.memref_squeeze %dma_start3A_586 : memref<1x16x128xf32, #tpu.memory_space<vmem>> -> memref<16x128xf32, #tpu.memory_space<vmem>>
      tpu.enqueue_dma source(%dma_start3A_587 : memref<16x128xf32, #tpu.memory_space<vmem>>) target(%dma_start3A_583 : memref<16x128xf32, #tpu.memory_space<hbm>>) target_semaphore(%arg13 : memref<!tpu.dma_semaphore, #tpu.memory_space<semaphore_mem>>)
      %add3A_588 = arith.constant 5 : i32
      %add3A_589 = arith.addi %mul3A_0, %add3A_588 : i32
      %mul3A_590 = arith.constant 16 : i32
      %mul3A_591 = arith.muli %add3A_482, %mul3A_590 : i32
      %dma_start3A_592 = arith.constant 5 : i32
      %dma_start3A_593 = arith.constant 0 : i32
      %dma_start3A_594 = arith.constant 0 : i32
      %dma_start3A_595 = tpu.memref_slice %arg9[%dma_start3A_592, %dma_start3A_593, %dma_start3A_594] : memref<8x16x128xf32, #tpu.memory_space<vmem>> -> memref<1x16x128xf32, #tpu.memory_space<vmem>>
      %dma_start3A_596 = tpu.memref_squeeze %dma_start3A_595 : memref<1x16x128xf32, #tpu.memory_space<vmem>> -> memref<16x128xf32, #tpu.memory_space<vmem>>
      %dma_start3A_597 = tpu.memref_slice %arg5[%add3A_589, %mul3A_591, %mul3A_2] : memref<128x1500x256xf32, #tpu.memory_space<hbm>> -> memref<1x16x128xf32, #tpu.memory_space<hbm>>
      %dma_start3A_598 = tpu.memref_squeeze %dma_start3A_597 : memref<1x16x128xf32, #tpu.memory_space<hbm>> -> memref<16x128xf32, #tpu.memory_space<hbm>>
      %dma_start3A_599 = tpu.memref_slice %arg5[%add3A_589, %mul3A_591, %mul3A_2] : memref<128x1500x256xf32, #tpu.memory_space<hbm>> -> memref<1x16x128xf32, #tpu.memory_space<hbm>>
      %dma_start3A_600 = tpu.memref_squeeze %dma_start3A_599 : memref<1x16x128xf32, #tpu.memory_space<hbm>> -> memref<16x128xf32, #tpu.memory_space<hbm>>
      %dma_start3A_601 = arith.constant 0 : i32
      %dma_start3A_602 = arith.constant 0 : i32
      %dma_start3A_603 = tpu.memref_slice %arg9[%dma_start3A_592, %dma_start3A_601, %dma_start3A_602] : memref<8x16x128xf32, #tpu.memory_space<vmem>> -> memref<1x16x128xf32, #tpu.memory_space<vmem>>
      %dma_start3A_604 = tpu.memref_squeeze %dma_start3A_603 : memref<1x16x128xf32, #tpu.memory_space<vmem>> -> memref<16x128xf32, #tpu.memory_space<vmem>>
      tpu.enqueue_dma source(%dma_start3A_604 : memref<16x128xf32, #tpu.memory_space<vmem>>) target(%dma_start3A_600 : memref<16x128xf32, #tpu.memory_space<hbm>>) target_semaphore(%arg13 : memref<!tpu.dma_semaphore, #tpu.memory_space<semaphore_mem>>)
      %add3A_605 = arith.constant 6 : i32
      %add3A_606 = arith.addi %mul3A_0, %add3A_605 : i32
      %mul3A_607 = arith.constant 16 : i32
      %mul3A_608 = arith.muli %add3A_482, %mul3A_607 : i32
      %dma_start3A_609 = arith.constant 6 : i32
      %dma_start3A_610 = arith.constant 0 : i32
      %dma_start3A_611 = arith.constant 0 : i32
      %dma_start3A_612 = tpu.memref_slice %arg9[%dma_start3A_609, %dma_start3A_610, %dma_start3A_611] : memref<8x16x128xf32, #tpu.memory_space<vmem>> -> memref<1x16x128xf32, #tpu.memory_space<vmem>>
      %dma_start3A_613 = tpu.memref_squeeze %dma_start3A_612 : memref<1x16x128xf32, #tpu.memory_space<vmem>> -> memref<16x128xf32, #tpu.memory_space<vmem>>
      %dma_start3A_614 = tpu.memref_slice %arg5[%add3A_606, %mul3A_608, %mul3A_2] : memref<128x1500x256xf32, #tpu.memory_space<hbm>> -> memref<1x16x128xf32, #tpu.memory_space<hbm>>
      %dma_start3A_615 = tpu.memref_squeeze %dma_start3A_614 : memref<1x16x128xf32, #tpu.memory_space<hbm>> -> memref<16x128xf32, #tpu.memory_space<hbm>>
      %dma_start3A_616 = tpu.memref_slice %arg5[%add3A_606, %mul3A_608, %mul3A_2] : memref<128x1500x256xf32, #tpu.memory_space<hbm>> -> memref<1x16x128xf32, #tpu.memory_space<hbm>>
      %dma_start3A_617 = tpu.memref_squeeze %dma_start3A_616 : memref<1x16x128xf32, #tpu.memory_space<hbm>> -> memref<16x128xf32, #tpu.memory_space<hbm>>
      %dma_start3A_618 = arith.constant 0 : i32
      %dma_start3A_619 = arith.constant 0 : i32
      %dma_start3A_620 = tpu.memref_slice %arg9[%dma_start3A_609, %dma_start3A_618, %dma_start3A_619] : memref<8x16x128xf32, #tpu.memory_space<vmem>> -> memref<1x16x128xf32, #tpu.memory_space<vmem>>
      %dma_start3A_621 = tpu.memref_squeeze %dma_start3A_620 : memref<1x16x128xf32, #tpu.memory_space<vmem>> -> memref<16x128xf32, #tpu.memory_space<vmem>>
      tpu.enqueue_dma source(%dma_start3A_621 : memref<16x128xf32, #tpu.memory_space<vmem>>) target(%dma_start3A_617 : memref<16x128xf32, #tpu.memory_space<hbm>>) target_semaphore(%arg13 : memref<!tpu.dma_semaphore, #tpu.memory_space<semaphore_mem>>)
      %add3A_622 = arith.constant 7 : i32
      %add3A_623 = arith.addi %mul3A_0, %add3A_622 : i32
      %mul3A_624 = arith.constant 16 : i32
      %mul3A_625 = arith.muli %add3A_482, %mul3A_624 : i32
      %dma_start3A_626 = arith.constant 7 : i32
      %dma_start3A_627 = arith.constant 0 : i32
      %dma_start3A_628 = arith.constant 0 : i32
      %dma_start3A_629 = tpu.memref_slice %arg9[%dma_start3A_626, %dma_start3A_627, %dma_start3A_628] : memref<8x16x128xf32, #tpu.memory_space<vmem>> -> memref<1x16x128xf32, #tpu.memory_space<vmem>>
      %dma_start3A_630 = tpu.memref_squeeze %dma_start3A_629 : memref<1x16x128xf32, #tpu.memory_space<vmem>> -> memref<16x128xf32, #tpu.memory_space<vmem>>
      %dma_start3A_631 = tpu.memref_slice %arg5[%add3A_623, %mul3A_625, %mul3A_2] : memref<128x1500x256xf32, #tpu.memory_space<hbm>> -> memref<1x16x128xf32, #tpu.memory_space<hbm>>
      %dma_start3A_632 = tpu.memref_squeeze %dma_start3A_631 : memref<1x16x128xf32, #tpu.memory_space<hbm>> -> memref<16x128xf32, #tpu.memory_space<hbm>>
      %dma_start3A_633 = tpu.memref_slice %arg5[%add3A_623, %mul3A_625, %mul3A_2] : memref<128x1500x256xf32, #tpu.memory_space<hbm>> -> memref<1x16x128xf32, #tpu.memory_space<hbm>>
      %dma_start3A_634 = tpu.memref_squeeze %dma_start3A_633 : memref<1x16x128xf32, #tpu.memory_space<hbm>> -> memref<16x128xf32, #tpu.memory_space<hbm>>
      %dma_start3A_635 = arith.constant 0 : i32
      %dma_start3A_636 = arith.constant 0 : i32
      %dma_start3A_637 = tpu.memref_slice %arg9[%dma_start3A_626, %dma_start3A_635, %dma_start3A_636] : memref<8x16x128xf32, #tpu.memory_space<vmem>> -> memref<1x16x128xf32, #tpu.memory_space<vmem>>
      %dma_start3A_638 = tpu.memref_squeeze %dma_start3A_637 : memref<1x16x128xf32, #tpu.memory_space<vmem>> -> memref<16x128xf32, #tpu.memory_space<vmem>>
      tpu.enqueue_dma source(%dma_start3A_638 : memref<16x128xf32, #tpu.memory_space<vmem>>) target(%dma_start3A_634 : memref<16x128xf32, #tpu.memory_space<hbm>>) target_semaphore(%arg13 : memref<!tpu.dma_semaphore, #tpu.memory_space<semaphore_mem>>)
      %add3A_639 = arith.constant 1 : i32
      %add3A_640 = arith.addi %add3A_482, %add3A_639 : i32
      %ge3A_641 = arith.constant 2 : i32
      %ge3A_642 = arith.cmpi sge, %add3A_640, %ge3A_641 : i32
      %convert_element_type3A_643 = arith.extui %ge3A_642 : i1 to i32
      %cond3A_644 = arith.constant 0 : i32
      %cond3A_645 = arith.cmpi ne, %convert_element_type3A_643, %cond3A_644 : i32
      scf.if %cond3A_645 {
        %dma_wait3A_801 = arith.constant 0 : i32
        %dma_wait3A_802 = arith.constant 0 : i32
        %dma_wait3A_803 = arith.constant 0 : i32
        %dma_wait3A_804 = arith.constant 0 : i32
        %dma_wait3A_805 = tpu.memref_slice %arg8[%dma_wait3A_801, %dma_wait3A_803, %dma_wait3A_804] : memref<8x16x128xf32, #tpu.memory_space<vmem>> -> memref<1x16x128xf32, #tpu.memory_space<vmem>>
        %dma_wait3A_806 = tpu.memref_squeeze %dma_wait3A_805 : memref<1x16x128xf32, #tpu.memory_space<vmem>> -> memref<16x128xf32, #tpu.memory_space<vmem>>
        %dma_wait3A_807 = arith.constant 0 : i32
        %dma_wait3A_808 = arith.constant 0 : i32
        %dma_wait3A_809 = tpu.memref_slice %arg5[%dma_wait3A_802, %dma_wait3A_807, %dma_wait3A_808] : memref<128x1500x256xf32, #tpu.memory_space<hbm>> -> memref<1x16x128xf32, #tpu.memory_space<hbm>>
        %dma_wait3A_810 = tpu.memref_squeeze %dma_wait3A_809 : memref<1x16x128xf32, #tpu.memory_space<hbm>> -> memref<16x128xf32, #tpu.memory_space<hbm>>
        %dma_wait3A_811 = arith.constant 0 : i32
        %dma_wait3A_812 = arith.constant 0 : i32
        %dma_wait3A_813 = tpu.memref_slice %arg5[%dma_wait3A_802, %dma_wait3A_811, %dma_wait3A_812] : memref<128x1500x256xf32, #tpu.memory_space<hbm>> -> memref<1x16x128xf32, #tpu.memory_space<hbm>>
        %dma_wait3A_814 = tpu.memref_squeeze %dma_wait3A_813 : memref<1x16x128xf32, #tpu.memory_space<hbm>> -> memref<16x128xf32, #tpu.memory_space<hbm>>
        %dma_wait3A_815 = arith.constant 0 : i32
        %dma_wait3A_816 = arith.constant 0 : i32
        %dma_wait3A_817 = tpu.memref_slice %arg8[%dma_wait3A_801, %dma_wait3A_815, %dma_wait3A_816] : memref<8x16x128xf32, #tpu.memory_space<vmem>> -> memref<1x16x128xf32, #tpu.memory_space<vmem>>
        %dma_wait3A_818 = tpu.memref_squeeze %dma_wait3A_817 : memref<1x16x128xf32, #tpu.memory_space<vmem>> -> memref<16x128xf32, #tpu.memory_space<vmem>>
        tpu.wait_dma2 semaphore(%arg12 : memref<!tpu.dma_semaphore, #tpu.memory_space<semaphore_mem>>) src(%dma_wait3A_818 : memref<16x128xf32, #tpu.memory_space<vmem>>) dst(%dma_wait3A_814 : memref<16x128xf32, #tpu.memory_space<hbm>>)
        %dma_wait3A_819 = arith.constant 1 : i32
        %dma_wait3A_820 = arith.constant 0 : i32
        %dma_wait3A_821 = arith.constant 0 : i32
        %dma_wait3A_822 = arith.constant 0 : i32
        %dma_wait3A_823 = tpu.memref_slice %arg8[%dma_wait3A_819, %dma_wait3A_821, %dma_wait3A_822] : memref<8x16x128xf32, #tpu.memory_space<vmem>> -> memref<1x16x128xf32, #tpu.memory_space<vmem>>
        %dma_wait3A_824 = tpu.memref_squeeze %dma_wait3A_823 : memref<1x16x128xf32, #tpu.memory_space<vmem>> -> memref<16x128xf32, #tpu.memory_space<vmem>>
        %dma_wait3A_825 = arith.constant 0 : i32
        %dma_wait3A_826 = arith.constant 0 : i32
        %dma_wait3A_827 = tpu.memref_slice %arg5[%dma_wait3A_820, %dma_wait3A_825, %dma_wait3A_826] : memref<128x1500x256xf32, #tpu.memory_space<hbm>> -> memref<1x16x128xf32, #tpu.memory_space<hbm>>
        %dma_wait3A_828 = tpu.memref_squeeze %dma_wait3A_827 : memref<1x16x128xf32, #tpu.memory_space<hbm>> -> memref<16x128xf32, #tpu.memory_space<hbm>>
        %dma_wait3A_829 = arith.constant 0 : i32
        %dma_wait3A_830 = arith.constant 0 : i32
        %dma_wait3A_831 = tpu.memref_slice %arg5[%dma_wait3A_820, %dma_wait3A_829, %dma_wait3A_830] : memref<128x1500x256xf32, #tpu.memory_space<hbm>> -> memref<1x16x128xf32, #tpu.memory_space<hbm>>
        %dma_wait3A_832 = tpu.memref_squeeze %dma_wait3A_831 : memref<1x16x128xf32, #tpu.memory_space<hbm>> -> memref<16x128xf32, #tpu.memory_space<hbm>>
        %dma_wait3A_833 = arith.constant 0 : i32
        %dma_wait3A_834 = arith.constant 0 : i32
        %dma_wait3A_835 = tpu.memref_slice %arg8[%dma_wait3A_819, %dma_wait3A_833, %dma_wait3A_834] : memref<8x16x128xf32, #tpu.memory_space<vmem>> -> memref<1x16x128xf32, #tpu.memory_space<vmem>>
        %dma_wait3A_836 = tpu.memref_squeeze %dma_wait3A_835 : memref<1x16x128xf32, #tpu.memory_space<vmem>> -> memref<16x128xf32, #tpu.memory_space<vmem>>
        tpu.wait_dma2 semaphore(%arg12 : memref<!tpu.dma_semaphore, #tpu.memory_space<semaphore_mem>>) src(%dma_wait3A_836 : memref<16x128xf32, #tpu.memory_space<vmem>>) dst(%dma_wait3A_832 : memref<16x128xf32, #tpu.memory_space<hbm>>)
        %dma_wait3A_837 = arith.constant 2 : i32
        %dma_wait3A_838 = arith.constant 0 : i32
        %dma_wait3A_839 = arith.constant 0 : i32
        %dma_wait3A_840 = arith.constant 0 : i32
        %dma_wait3A_841 = tpu.memref_slice %arg8[%dma_wait3A_837, %dma_wait3A_839, %dma_wait3A_840] : memref<8x16x128xf32, #tpu.memory_space<vmem>> -> memref<1x16x128xf32, #tpu.memory_space<vmem>>
        %dma_wait3A_842 = tpu.memref_squeeze %dma_wait3A_841 : memref<1x16x128xf32, #tpu.memory_space<vmem>> -> memref<16x128xf32, #tpu.memory_space<vmem>>
        %dma_wait3A_843 = arith.constant 0 : i32
        %dma_wait3A_844 = arith.constant 0 : i32
        %dma_wait3A_845 = tpu.memref_slice %arg5[%dma_wait3A_838, %dma_wait3A_843, %dma_wait3A_844] : memref<128x1500x256xf32, #tpu.memory_space<hbm>> -> memref<1x16x128xf32, #tpu.memory_space<hbm>>
        %dma_wait3A_846 = tpu.memref_squeeze %dma_wait3A_845 : memref<1x16x128xf32, #tpu.memory_space<hbm>> -> memref<16x128xf32, #tpu.memory_space<hbm>>
        %dma_wait3A_847 = arith.constant 0 : i32
        %dma_wait3A_848 = arith.constant 0 : i32
        %dma_wait3A_849 = tpu.memref_slice %arg5[%dma_wait3A_838, %dma_wait3A_847, %dma_wait3A_848] : memref<128x1500x256xf32, #tpu.memory_space<hbm>> -> memref<1x16x128xf32, #tpu.memory_space<hbm>>
        %dma_wait3A_850 = tpu.memref_squeeze %dma_wait3A_849 : memref<1x16x128xf32, #tpu.memory_space<hbm>> -> memref<16x128xf32, #tpu.memory_space<hbm>>
        %dma_wait3A_851 = arith.constant 0 : i32
        %dma_wait3A_852 = arith.constant 0 : i32
        %dma_wait3A_853 = tpu.memref_slice %arg8[%dma_wait3A_837, %dma_wait3A_851, %dma_wait3A_852] : memref<8x16x128xf32, #tpu.memory_space<vmem>> -> memref<1x16x128xf32, #tpu.memory_space<vmem>>
        %dma_wait3A_854 = tpu.memref_squeeze %dma_wait3A_853 : memref<1x16x128xf32, #tpu.memory_space<vmem>> -> memref<16x128xf32, #tpu.memory_space<vmem>>
        tpu.wait_dma2 semaphore(%arg12 : memref<!tpu.dma_semaphore, #tpu.memory_space<semaphore_mem>>) src(%dma_wait3A_854 : memref<16x128xf32, #tpu.memory_space<vmem>>) dst(%dma_wait3A_850 : memref<16x128xf32, #tpu.memory_space<hbm>>)
        %dma_wait3A_855 = arith.constant 3 : i32
        %dma_wait3A_856 = arith.constant 0 : i32
        %dma_wait3A_857 = arith.constant 0 : i32
        %dma_wait3A_858 = arith.constant 0 : i32
        %dma_wait3A_859 = tpu.memref_slice %arg8[%dma_wait3A_855, %dma_wait3A_857, %dma_wait3A_858] : memref<8x16x128xf32, #tpu.memory_space<vmem>> -> memref<1x16x128xf32, #tpu.memory_space<vmem>>
        %dma_wait3A_860 = tpu.memref_squeeze %dma_wait3A_859 : memref<1x16x128xf32, #tpu.memory_space<vmem>> -> memref<16x128xf32, #tpu.memory_space<vmem>>
        %dma_wait3A_861 = arith.constant 0 : i32
        %dma_wait3A_862 = arith.constant 0 : i32
        %dma_wait3A_863 = tpu.memref_slice %arg5[%dma_wait3A_856, %dma_wait3A_861, %dma_wait3A_862] : memref<128x1500x256xf32, #tpu.memory_space<hbm>> -> memref<1x16x128xf32, #tpu.memory_space<hbm>>
        %dma_wait3A_864 = tpu.memref_squeeze %dma_wait3A_863 : memref<1x16x128xf32, #tpu.memory_space<hbm>> -> memref<16x128xf32, #tpu.memory_space<hbm>>
        %dma_wait3A_865 = arith.constant 0 : i32
        %dma_wait3A_866 = arith.constant 0 : i32
        %dma_wait3A_867 = tpu.memref_slice %arg5[%dma_wait3A_856, %dma_wait3A_865, %dma_wait3A_866] : memref<128x1500x256xf32, #tpu.memory_space<hbm>> -> memref<1x16x128xf32, #tpu.memory_space<hbm>>
        %dma_wait3A_868 = tpu.memref_squeeze %dma_wait3A_867 : memref<1x16x128xf32, #tpu.memory_space<hbm>> -> memref<16x128xf32, #tpu.memory_space<hbm>>
        %dma_wait3A_869 = arith.constant 0 : i32
        %dma_wait3A_870 = arith.constant 0 : i32
        %dma_wait3A_871 = tpu.memref_slice %arg8[%dma_wait3A_855, %dma_wait3A_869, %dma_wait3A_870] : memref<8x16x128xf32, #tpu.memory_space<vmem>> -> memref<1x16x128xf32, #tpu.memory_space<vmem>>
        %dma_wait3A_872 = tpu.memref_squeeze %dma_wait3A_871 : memref<1x16x128xf32, #tpu.memory_space<vmem>> -> memref<16x128xf32, #tpu.memory_space<vmem>>
        tpu.wait_dma2 semaphore(%arg12 : memref<!tpu.dma_semaphore, #tpu.memory_space<semaphore_mem>>) src(%dma_wait3A_872 : memref<16x128xf32, #tpu.memory_space<vmem>>) dst(%dma_wait3A_868 : memref<16x128xf32, #tpu.memory_space<hbm>>)
        %dma_wait3A_873 = arith.constant 4 : i32
        %dma_wait3A_874 = arith.constant 0 : i32
        %dma_wait3A_875 = arith.constant 0 : i32
        %dma_wait3A_876 = arith.constant 0 : i32
        %dma_wait3A_877 = tpu.memref_slice %arg8[%dma_wait3A_873, %dma_wait3A_875, %dma_wait3A_876] : memref<8x16x128xf32, #tpu.memory_space<vmem>> -> memref<1x16x128xf32, #tpu.memory_space<vmem>>
        %dma_wait3A_878 = tpu.memref_squeeze %dma_wait3A_877 : memref<1x16x128xf32, #tpu.memory_space<vmem>> -> memref<16x128xf32, #tpu.memory_space<vmem>>
        %dma_wait3A_879 = arith.constant 0 : i32
        %dma_wait3A_880 = arith.constant 0 : i32
        %dma_wait3A_881 = tpu.memref_slice %arg5[%dma_wait3A_874, %dma_wait3A_879, %dma_wait3A_880] : memref<128x1500x256xf32, #tpu.memory_space<hbm>> -> memref<1x16x128xf32, #tpu.memory_space<hbm>>
        %dma_wait3A_882 = tpu.memref_squeeze %dma_wait3A_881 : memref<1x16x128xf32, #tpu.memory_space<hbm>> -> memref<16x128xf32, #tpu.memory_space<hbm>>
        %dma_wait3A_883 = arith.constant 0 : i32
        %dma_wait3A_884 = arith.constant 0 : i32
        %dma_wait3A_885 = tpu.memref_slice %arg5[%dma_wait3A_874, %dma_wait3A_883, %dma_wait3A_884] : memref<128x1500x256xf32, #tpu.memory_space<hbm>> -> memref<1x16x128xf32, #tpu.memory_space<hbm>>
        %dma_wait3A_886 = tpu.memref_squeeze %dma_wait3A_885 : memref<1x16x128xf32, #tpu.memory_space<hbm>> -> memref<16x128xf32, #tpu.memory_space<hbm>>
        %dma_wait3A_887 = arith.constant 0 : i32
        %dma_wait3A_888 = arith.constant 0 : i32
        %dma_wait3A_889 = tpu.memref_slice %arg8[%dma_wait3A_873, %dma_wait3A_887, %dma_wait3A_888] : memref<8x16x128xf32, #tpu.memory_space<vmem>> -> memref<1x16x128xf32, #tpu.memory_space<vmem>>
        %dma_wait3A_890 = tpu.memref_squeeze %dma_wait3A_889 : memref<1x16x128xf32, #tpu.memory_space<vmem>> -> memref<16x128xf32, #tpu.memory_space<vmem>>
        tpu.wait_dma2 semaphore(%arg12 : memref<!tpu.dma_semaphore, #tpu.memory_space<semaphore_mem>>) src(%dma_wait3A_890 : memref<16x128xf32, #tpu.memory_space<vmem>>) dst(%dma_wait3A_886 : memref<16x128xf32, #tpu.memory_space<hbm>>)
        %dma_wait3A_891 = arith.constant 5 : i32
        %dma_wait3A_892 = arith.constant 0 : i32
        %dma_wait3A_893 = arith.constant 0 : i32
        %dma_wait3A_894 = arith.constant 0 : i32
        %dma_wait3A_895 = tpu.memref_slice %arg8[%dma_wait3A_891, %dma_wait3A_893, %dma_wait3A_894] : memref<8x16x128xf32, #tpu.memory_space<vmem>> -> memref<1x16x128xf32, #tpu.memory_space<vmem>>
        %dma_wait3A_896 = tpu.memref_squeeze %dma_wait3A_895 : memref<1x16x128xf32, #tpu.memory_space<vmem>> -> memref<16x128xf32, #tpu.memory_space<vmem>>
        %dma_wait3A_897 = arith.constant 0 : i32
        %dma_wait3A_898 = arith.constant 0 : i32
        %dma_wait3A_899 = tpu.memref_slice %arg5[%dma_wait3A_892, %dma_wait3A_897, %dma_wait3A_898] : memref<128x1500x256xf32, #tpu.memory_space<hbm>> -> memref<1x16x128xf32, #tpu.memory_space<hbm>>
        %dma_wait3A_900 = tpu.memref_squeeze %dma_wait3A_899 : memref<1x16x128xf32, #tpu.memory_space<hbm>> -> memref<16x128xf32, #tpu.memory_space<hbm>>
        %dma_wait3A_901 = arith.constant 0 : i32
        %dma_wait3A_902 = arith.constant 0 : i32
        %dma_wait3A_903 = tpu.memref_slice %arg5[%dma_wait3A_892, %dma_wait3A_901, %dma_wait3A_902] : memref<128x1500x256xf32, #tpu.memory_space<hbm>> -> memref<1x16x128xf32, #tpu.memory_space<hbm>>
        %dma_wait3A_904 = tpu.memref_squeeze %dma_wait3A_903 : memref<1x16x128xf32, #tpu.memory_space<hbm>> -> memref<16x128xf32, #tpu.memory_space<hbm>>
        %dma_wait3A_905 = arith.constant 0 : i32
        %dma_wait3A_906 = arith.constant 0 : i32
        %dma_wait3A_907 = tpu.memref_slice %arg8[%dma_wait3A_891, %dma_wait3A_905, %dma_wait3A_906] : memref<8x16x128xf32, #tpu.memory_space<vmem>> -> memref<1x16x128xf32, #tpu.memory_space<vmem>>
        %dma_wait3A_908 = tpu.memref_squeeze %dma_wait3A_907 : memref<1x16x128xf32, #tpu.memory_space<vmem>> -> memref<16x128xf32, #tpu.memory_space<vmem>>
        tpu.wait_dma2 semaphore(%arg12 : memref<!tpu.dma_semaphore, #tpu.memory_space<semaphore_mem>>) src(%dma_wait3A_908 : memref<16x128xf32, #tpu.memory_space<vmem>>) dst(%dma_wait3A_904 : memref<16x128xf32, #tpu.memory_space<hbm>>)
        %dma_wait3A_909 = arith.constant 6 : i32
        %dma_wait3A_910 = arith.constant 0 : i32
        %dma_wait3A_911 = arith.constant 0 : i32
        %dma_wait3A_912 = arith.constant 0 : i32
        %dma_wait3A_913 = tpu.memref_slice %arg8[%dma_wait3A_909, %dma_wait3A_911, %dma_wait3A_912] : memref<8x16x128xf32, #tpu.memory_space<vmem>> -> memref<1x16x128xf32, #tpu.memory_space<vmem>>
        %dma_wait3A_914 = tpu.memref_squeeze %dma_wait3A_913 : memref<1x16x128xf32, #tpu.memory_space<vmem>> -> memref<16x128xf32, #tpu.memory_space<vmem>>
        %dma_wait3A_915 = arith.constant 0 : i32
        %dma_wait3A_916 = arith.constant 0 : i32
        %dma_wait3A_917 = tpu.memref_slice %arg5[%dma_wait3A_910, %dma_wait3A_915, %dma_wait3A_916] : memref<128x1500x256xf32, #tpu.memory_space<hbm>> -> memref<1x16x128xf32, #tpu.memory_space<hbm>>
        %dma_wait3A_918 = tpu.memref_squeeze %dma_wait3A_917 : memref<1x16x128xf32, #tpu.memory_space<hbm>> -> memref<16x128xf32, #tpu.memory_space<hbm>>
        %dma_wait3A_919 = arith.constant 0 : i32
        %dma_wait3A_920 = arith.constant 0 : i32
        %dma_wait3A_921 = tpu.memref_slice %arg5[%dma_wait3A_910, %dma_wait3A_919, %dma_wait3A_920] : memref<128x1500x256xf32, #tpu.memory_space<hbm>> -> memref<1x16x128xf32, #tpu.memory_space<hbm>>
        %dma_wait3A_922 = tpu.memref_squeeze %dma_wait3A_921 : memref<1x16x128xf32, #tpu.memory_space<hbm>> -> memref<16x128xf32, #tpu.memory_space<hbm>>
        %dma_wait3A_923 = arith.constant 0 : i32
        %dma_wait3A_924 = arith.constant 0 : i32
        %dma_wait3A_925 = tpu.memref_slice %arg8[%dma_wait3A_909, %dma_wait3A_923, %dma_wait3A_924] : memref<8x16x128xf32, #tpu.memory_space<vmem>> -> memref<1x16x128xf32, #tpu.memory_space<vmem>>
        %dma_wait3A_926 = tpu.memref_squeeze %dma_wait3A_925 : memref<1x16x128xf32, #tpu.memory_space<vmem>> -> memref<16x128xf32, #tpu.memory_space<vmem>>
        tpu.wait_dma2 semaphore(%arg12 : memref<!tpu.dma_semaphore, #tpu.memory_space<semaphore_mem>>) src(%dma_wait3A_926 : memref<16x128xf32, #tpu.memory_space<vmem>>) dst(%dma_wait3A_922 : memref<16x128xf32, #tpu.memory_space<hbm>>)
        %dma_wait3A_927 = arith.constant 7 : i32
        %dma_wait3A_928 = arith.constant 0 : i32
        %dma_wait3A_929 = arith.constant 0 : i32
        %dma_wait3A_930 = arith.constant 0 : i32
        %dma_wait3A_931 = tpu.memref_slice %arg8[%dma_wait3A_927, %dma_wait3A_929, %dma_wait3A_930] : memref<8x16x128xf32, #tpu.memory_space<vmem>> -> memref<1x16x128xf32, #tpu.memory_space<vmem>>
        %dma_wait3A_932 = tpu.memref_squeeze %dma_wait3A_931 : memref<1x16x128xf32, #tpu.memory_space<vmem>> -> memref<16x128xf32, #tpu.memory_space<vmem>>
        %dma_wait3A_933 = arith.constant 0 : i32
        %dma_wait3A_934 = arith.constant 0 : i32
        %dma_wait3A_935 = tpu.memref_slice %arg5[%dma_wait3A_928, %dma_wait3A_933, %dma_wait3A_934] : memref<128x1500x256xf32, #tpu.memory_space<hbm>> -> memref<1x16x128xf32, #tpu.memory_space<hbm>>
        %dma_wait3A_936 = tpu.memref_squeeze %dma_wait3A_935 : memref<1x16x128xf32, #tpu.memory_space<hbm>> -> memref<16x128xf32, #tpu.memory_space<hbm>>
        %dma_wait3A_937 = arith.constant 0 : i32
        %dma_wait3A_938 = arith.constant 0 : i32
        %dma_wait3A_939 = tpu.memref_slice %arg5[%dma_wait3A_928, %dma_wait3A_937, %dma_wait3A_938] : memref<128x1500x256xf32, #tpu.memory_space<hbm>> -> memref<1x16x128xf32, #tpu.memory_space<hbm>>
        %dma_wait3A_940 = tpu.memref_squeeze %dma_wait3A_939 : memref<1x16x128xf32, #tpu.memory_space<hbm>> -> memref<16x128xf32, #tpu.memory_space<hbm>>
        %dma_wait3A_941 = arith.constant 0 : i32
        %dma_wait3A_942 = arith.constant 0 : i32
        %dma_wait3A_943 = tpu.memref_slice %arg8[%dma_wait3A_927, %dma_wait3A_941, %dma_wait3A_942] : memref<8x16x128xf32, #tpu.memory_space<vmem>> -> memref<1x16x128xf32, #tpu.memory_space<vmem>>
        %dma_wait3A_944 = tpu.memref_squeeze %dma_wait3A_943 : memref<1x16x128xf32, #tpu.memory_space<vmem>> -> memref<16x128xf32, #tpu.memory_space<vmem>>
        tpu.wait_dma2 semaphore(%arg12 : memref<!tpu.dma_semaphore, #tpu.memory_space<semaphore_mem>>) src(%dma_wait3A_944 : memref<16x128xf32, #tpu.memory_space<vmem>>) dst(%dma_wait3A_940 : memref<16x128xf32, #tpu.memory_space<hbm>>)
      } else {
      }
      %add3A_646 = arith.constant 1 : i32
      %add3A_647 = arith.addi %add3A_640, %add3A_646 : i32
      %lt3A_648 = arith.constant 93 : i32
      %lt3A_649 = arith.cmpi slt, %add3A_647, %lt3A_648 : i32
      %convert_element_type3A_650 = arith.extui %lt3A_649 : i1 to i32
      %cond3A_651 = arith.constant 0 : i32
      %cond3A_652 = arith.cmpi ne, %convert_element_type3A_650, %cond3A_651 : i32
      scf.if %cond3A_652 {
        %add3A_801 = arith.constant 1 : i32
        %add3A_802 = arith.addi %add3A_640, %add3A_801 : i32
        %dma_start3A_803 = arith.constant 0 : i32
        %dma_start3A_804 = tpu.memref_slice %arg4[%add3A_802, %dma_start3A_803, %mul3A_2] : memref<93x16x256xf32, #tpu.memory_space<hbm>> -> memref<1x16x128xf32, #tpu.memory_space<hbm>>
        %dma_start3A_805 = tpu.memref_squeeze %dma_start3A_804 : memref<1x16x128xf32, #tpu.memory_space<hbm>> -> memref<16x128xf32, #tpu.memory_space<hbm>>
        %dma_start3A_806 = arith.constant 0 : i32
        %dma_start3A_807 = tpu.memref_slice %arg4[%add3A_802, %dma_start3A_806, %mul3A_2] : memref<93x16x256xf32, #tpu.memory_space<hbm>> -> memref<1x16x128xf32, #tpu.memory_space<hbm>>
        %dma_start3A_808 = tpu.memref_squeeze %dma_start3A_807 : memref<1x16x128xf32, #tpu.memory_space<hbm>> -> memref<16x128xf32, #tpu.memory_space<hbm>>
        tpu.enqueue_dma source(%dma_start3A_808 : memref<16x128xf32, #tpu.memory_space<hbm>>) target(%arg11 : memref<16x128xf32, #tpu.memory_space<vmem>>) target_semaphore(%arg15 : memref<!tpu.dma_semaphore, #tpu.memory_space<semaphore_mem>>)
      } else {
      }
      %dma_wait3A_653 = arith.constant 0 : i32
      %dma_wait3A_654 = arith.constant 0 : i32
      %dma_wait3A_655 = arith.constant 0 : i32
      %dma_wait3A_656 = tpu.memref_slice %arg4[%dma_wait3A_653, %dma_wait3A_654, %dma_wait3A_655] : memref<93x16x256xf32, #tpu.memory_space<hbm>> -> memref<1x16x128xf32, #tpu.memory_space<hbm>>
      %dma_wait3A_657 = tpu.memref_squeeze %dma_wait3A_656 : memref<1x16x128xf32, #tpu.memory_space<hbm>> -> memref<16x128xf32, #tpu.memory_space<hbm>>
      %dma_wait3A_658 = arith.constant 0 : i32
      %dma_wait3A_659 = arith.constant 0 : i32
      %dma_wait3A_660 = tpu.memref_slice %arg4[%dma_wait3A_653, %dma_wait3A_658, %dma_wait3A_659] : memref<93x16x256xf32, #tpu.memory_space<hbm>> -> memref<1x16x128xf32, #tpu.memory_space<hbm>>
      %dma_wait3A_661 = tpu.memref_squeeze %dma_wait3A_660 : memref<1x16x128xf32, #tpu.memory_space<hbm>> -> memref<16x128xf32, #tpu.memory_space<hbm>>
      tpu.wait_dma2 semaphore(%arg14 : memref<!tpu.dma_semaphore, #tpu.memory_space<semaphore_mem>>) src(%dma_wait3A_661 : memref<16x128xf32, #tpu.memory_space<hbm>>) dst(%arg10 : memref<16x128xf32, #tpu.memory_space<vmem>>)
      %parallel_loop3A_662 = arith.constant 0 : i32
      %parallel_loop3A_663 = arith.constant 128 : i32
      %parallel_loop3A_664 = arith.constant 1 : i32
      scf.for %parallel_loop3A_801 = %parallel_loop3A_662 to %parallel_loop3A_663 step %parallel_loop3A_664  : i32 {
        %parallel_loop3A_802 = arith.constant 8 : i32
        %parallel_loop3A_803 = arith.divsi %parallel_loop3A_801, %parallel_loop3A_802 : i32
        %parallel_loop3A_804 = arith.constant 0 : i32
        %parallel_loop3A_805 = arith.cmpi sgt, %parallel_loop3A_801, %parallel_loop3A_804 : i32
        %parallel_loop3A_806 = arith.extui %parallel_loop3A_805 : i1 to i32
        %parallel_loop3A_807 = arith.constant 0 : i32
        %parallel_loop3A_808 = arith.cmpi slt, %parallel_loop3A_801, %parallel_loop3A_807 : i32
        %parallel_loop3A_809 = arith.extui %parallel_loop3A_808 : i1 to i32
        %parallel_loop3A_810 = arith.subi %parallel_loop3A_806, %parallel_loop3A_809 : i32
        %parallel_loop3A_811 = arith.constant 0 : i32
        %parallel_loop3A_812 = arith.cmpi sgt, %parallel_loop3A_802, %parallel_loop3A_811 : i32
        %parallel_loop3A_813 = arith.extui %parallel_loop3A_812 : i1 to i32
        %parallel_loop3A_814 = arith.constant 0 : i32
        %parallel_loop3A_815 = arith.cmpi slt, %parallel_loop3A_802, %parallel_loop3A_814 : i32
        %parallel_loop3A_816 = arith.extui %parallel_loop3A_815 : i1 to i32
        %parallel_loop3A_817 = arith.subi %parallel_loop3A_813, %parallel_loop3A_816 : i32
        %parallel_loop3A_818 = arith.cmpi ne, %parallel_loop3A_810, %parallel_loop3A_817 : i32
        %parallel_loop3A_819 = arith.remsi %parallel_loop3A_801, %parallel_loop3A_802 : i32
        %parallel_loop3A_820 = arith.constant 0 : i32
        %parallel_loop3A_821 = arith.cmpi ne, %parallel_loop3A_819, %parallel_loop3A_820 : i32
        %parallel_loop3A_822 = arith.andi %parallel_loop3A_818, %parallel_loop3A_821 : i1
        %parallel_loop3A_823 = arith.constant 1 : i32
        %parallel_loop3A_824 = arith.subi %parallel_loop3A_803, %parallel_loop3A_823 : i32
        %parallel_loop3A_825 = arith.select %parallel_loop3A_822, %parallel_loop3A_824, %parallel_loop3A_803 : i32
        %parallel_loop3A_826 = arith.constant 8 : i32
        %parallel_loop3A_827 = arith.constant 0 : i32
        %parallel_loop3A_828 = arith.cmpi eq, %parallel_loop3A_826, %parallel_loop3A_827 : i32
        %parallel_loop3A_829 = arith.constant 1 : i32
        %parallel_loop3A_830 = arith.select %parallel_loop3A_828, %parallel_loop3A_829, %parallel_loop3A_826 : i32
        %parallel_loop3A_831 = arith.remsi %parallel_loop3A_801, %parallel_loop3A_830 : i32
        %parallel_loop3A_832 = arith.constant 0 : i32
        %parallel_loop3A_833 = arith.cmpi ne, %parallel_loop3A_831, %parallel_loop3A_832 : i32
        %parallel_loop3A_834 = arith.constant 0 : i32
        %parallel_loop3A_835 = arith.cmpi slt, %parallel_loop3A_831, %parallel_loop3A_834 : i32
        %parallel_loop3A_836 = arith.constant 0 : i32
        %parallel_loop3A_837 = arith.cmpi slt, %parallel_loop3A_830, %parallel_loop3A_836 : i32
        %parallel_loop3A_838 = arith.xori %parallel_loop3A_835, %parallel_loop3A_837 : i1
        %parallel_loop3A_839 = arith.andi %parallel_loop3A_838, %parallel_loop3A_833 : i1
        %parallel_loop3A_840 = arith.addi %parallel_loop3A_831, %parallel_loop3A_830 : i32
        %parallel_loop3A_841 = arith.select %parallel_loop3A_839, %parallel_loop3A_840, %parallel_loop3A_831 : i32
        %parallel_loop3A_842 = vector.broadcast %parallel_loop3A_825 : i32 to vector<16xi32>
        %parallel_loop3A_843 = arith.constant 16 : i32
        %parallel_loop3A_844 = arith.muli %add3A_640, %parallel_loop3A_843 : i32
        %parallel_loop3A_845 = arith.index_cast %parallel_loop3A_841 : i32 to index
        %parallel_loop3A_846 = arith.index_cast %parallel_loop3A_844 : i32 to index
        %parallel_loop3A_847 = tpu.vector_load %arg6[%parallel_loop3A_845, %parallel_loop3A_846] {strides = array<i32>} : memref<8x1536xi32, #tpu.memory_space<vmem>>, vector<16xi32>,
        %parallel_loop3A_848 = vector.shape_cast %parallel_loop3A_842 : vector<16xi32> to vector<16x1xi32>
        %parallel_loop3A_849 = vector.shape_cast %parallel_loop3A_848 : vector<16x1xi32> to vector<16xi32>
        %parallel_loop3A_850 = tpu.dynamic_gather %parallel_loop3A_847[%parallel_loop3A_849] in [0] : vector<16xi32>, vector<16xi32> -> vector<16xi32>
        %parallel_loop3A_851 = tpu.vector_load_idx %arg7[%parallel_loop3A_850, %add3A_4] : memref<256x128xf32, #tpu.memory_space<vmem>>[vector<16xi32>, vector<16xi32>], vector<16xf32>,
        %parallel_loop3A_852 = arith.index_cast %parallel_loop3A_825 : i32 to index
        %parallel_loop3A_853 = arith.constant 0 : index
        %parallel_loop3A_854 = tpu.vector_load %arg10[%parallel_loop3A_852, %parallel_loop3A_853] {strides = array<i32>} : memref<16x128xf32, #tpu.memory_space<vmem>>, vector<16xf32>,
        %parallel_loop3A_855 = arith.constant 1.600000e+01 : f32
        %parallel_loop3A_856 = vector.broadcast %parallel_loop3A_855 : f32 to vector<16xf32>
        %parallel_loop3A_857 = arith.mulf %parallel_loop3A_851, %parallel_loop3A_856 : vector<16xf32>
        %parallel_loop3A_858 = arith.addf %parallel_loop3A_857, %parallel_loop3A_854 : vector<16xf32>
        %parallel_loop3A_859 = arith.index_cast %parallel_loop3A_841 : i32 to index
        %parallel_loop3A_860 = arith.index_cast %parallel_loop3A_825 : i32 to index
        %parallel_loop3A_861 = arith.constant 0 : index
        %parallel_loop3A_862 = tpu.vector_load %arg8[%parallel_loop3A_859, %parallel_loop3A_860, %parallel_loop3A_861] {strides = array<i32>} : memref<8x16x128xf32, #tpu.memory_space<vmem>>, vector<16xf32>,
        tpu.vector_store %arg8[%parallel_loop3A_859, %parallel_loop3A_860, %parallel_loop3A_861], %parallel_loop3A_858 {strides = array<i32>} : memref<8x16x128xf32, #tpu.memory_space<vmem>>, vector<16xf32>,
        %parallel_loop3A_863 = tpu.vector_load_idx %arg7[%parallel_loop3A_850, %add3A_7] : memref<256x128xf32, #tpu.memory_space<vmem>>[vector<16xi32>, vector<16xi32>], vector<16xf32>,
        %parallel_loop3A_864 = arith.index_cast %parallel_loop3A_825 : i32 to index
        %parallel_loop3A_865 = arith.constant 16 : index
        %parallel_loop3A_866 = tpu.vector_load %arg10[%parallel_loop3A_864, %parallel_loop3A_865] {strides = array<i32>} : memref<16x128xf32, #tpu.memory_space<vmem>>, vector<16xf32>,
        %parallel_loop3A_867 = arith.constant 1.600000e+01 : f32
        %parallel_loop3A_868 = vector.broadcast %parallel_loop3A_867 : f32 to vector<16xf32>
        %parallel_loop3A_869 = arith.mulf %parallel_loop3A_863, %parallel_loop3A_868 : vector<16xf32>
        %parallel_loop3A_870 = arith.addf %parallel_loop3A_869, %parallel_loop3A_866 : vector<16xf32>
        %parallel_loop3A_871 = arith.index_cast %parallel_loop3A_841 : i32 to index
        %parallel_loop3A_872 = arith.index_cast %parallel_loop3A_825 : i32 to index
        %parallel_loop3A_873 = arith.constant 16 : index
        %parallel_loop3A_874 = tpu.vector_load %arg8[%parallel_loop3A_871, %parallel_loop3A_872, %parallel_loop3A_873] {strides = array<i32>} : memref<8x16x128xf32, #tpu.memory_space<vmem>>, vector<16xf32>,
        tpu.vector_store %arg8[%parallel_loop3A_871, %parallel_loop3A_872, %parallel_loop3A_873], %parallel_loop3A_870 {strides = array<i32>} : memref<8x16x128xf32, #tpu.memory_space<vmem>>, vector<16xf32>,
        %parallel_loop3A_875 = tpu.vector_load_idx %arg7[%parallel_loop3A_850, %add3A_10] : memref<256x128xf32, #tpu.memory_space<vmem>>[vector<16xi32>, vector<16xi32>], vector<16xf32>,
        %parallel_loop3A_876 = arith.index_cast %parallel_loop3A_825 : i32 to index
        %parallel_loop3A_877 = arith.constant 32 : index
        %parallel_loop3A_878 = tpu.vector_load %arg10[%parallel_loop3A_876, %parallel_loop3A_877] {strides = array<i32>} : memref<16x128xf32, #tpu.memory_space<vmem>>, vector<16xf32>,
        %parallel_loop3A_879 = arith.constant 1.600000e+01 : f32
        %parallel_loop3A_880 = vector.broadcast %parallel_loop3A_879 : f32 to vector<16xf32>
        %parallel_loop3A_881 = arith.mulf %parallel_loop3A_875, %parallel_loop3A_880 : vector<16xf32>
        %parallel_loop3A_882 = arith.addf %parallel_loop3A_881, %parallel_loop3A_878 : vector<16xf32>
        %parallel_loop3A_883 = arith.index_cast %parallel_loop3A_841 : i32 to index
        %parallel_loop3A_884 = arith.index_cast %parallel_loop3A_825 : i32 to index
        %parallel_loop3A_885 = arith.constant 32 : index
        %parallel_loop3A_886 = tpu.vector_load %arg8[%parallel_loop3A_883, %parallel_loop3A_884, %parallel_loop3A_885] {strides = array<i32>} : memref<8x16x128xf32, #tpu.memory_space<vmem>>, vector<16xf32>,
        tpu.vector_store %arg8[%parallel_loop3A_883, %parallel_loop3A_884, %parallel_loop3A_885], %parallel_loop3A_882 {strides = array<i32>} : memref<8x16x128xf32, #tpu.memory_space<vmem>>, vector<16xf32>,
        %parallel_loop3A_887 = tpu.vector_load_idx %arg7[%parallel_loop3A_850, %add3A_13] : memref<256x128xf32, #tpu.memory_space<vmem>>[vector<16xi32>, vector<16xi32>], vector<16xf32>,
        %parallel_loop3A_888 = arith.index_cast %parallel_loop3A_825 : i32 to index
        %parallel_loop3A_889 = arith.constant 48 : index
        %parallel_loop3A_890 = tpu.vector_load %arg10[%parallel_loop3A_888, %parallel_loop3A_889] {strides = array<i32>} : memref<16x128xf32, #tpu.memory_space<vmem>>, vector<16xf32>,
        %parallel_loop3A_891 = arith.constant 1.600000e+01 : f32
        %parallel_loop3A_892 = vector.broadcast %parallel_loop3A_891 : f32 to vector<16xf32>
        %parallel_loop3A_893 = arith.mulf %parallel_loop3A_887, %parallel_loop3A_892 : vector<16xf32>
        %parallel_loop3A_894 = arith.addf %parallel_loop3A_893, %parallel_loop3A_890 : vector<16xf32>
        %parallel_loop3A_895 = arith.index_cast %parallel_loop3A_841 : i32 to index
        %parallel_loop3A_896 = arith.index_cast %parallel_loop3A_825 : i32 to index
        %parallel_loop3A_897 = arith.constant 48 : index
        %parallel_loop3A_898 = tpu.vector_load %arg8[%parallel_loop3A_895, %parallel_loop3A_896, %parallel_loop3A_897] {strides = array<i32>} : memref<8x16x128xf32, #tpu.memory_space<vmem>>, vector<16xf32>,
        tpu.vector_store %arg8[%parallel_loop3A_895, %parallel_loop3A_896, %parallel_loop3A_897], %parallel_loop3A_894 {strides = array<i32>} : memref<8x16x128xf32, #tpu.memory_space<vmem>>, vector<16xf32>,
        %parallel_loop3A_899 = tpu.vector_load_idx %arg7[%parallel_loop3A_850, %add3A_16] : memref<256x128xf32, #tpu.memory_space<vmem>>[vector<16xi32>, vector<16xi32>], vector<16xf32>,
        %parallel_loop3A_900 = arith.index_cast %parallel_loop3A_825 : i32 to index
        %parallel_loop3A_901 = arith.constant 64 : index
        %parallel_loop3A_902 = tpu.vector_load %arg10[%parallel_loop3A_900, %parallel_loop3A_901] {strides = array<i32>} : memref<16x128xf32, #tpu.memory_space<vmem>>, vector<16xf32>,
        %parallel_loop3A_903 = arith.constant 1.600000e+01 : f32
        %parallel_loop3A_904 = vector.broadcast %parallel_loop3A_903 : f32 to vector<16xf32>
        %parallel_loop3A_905 = arith.mulf %parallel_loop3A_899, %parallel_loop3A_904 : vector<16xf32>
        %parallel_loop3A_906 = arith.addf %parallel_loop3A_905, %parallel_loop3A_902 : vector<16xf32>
        %parallel_loop3A_907 = arith.index_cast %parallel_loop3A_841 : i32 to index
        %parallel_loop3A_908 = arith.index_cast %parallel_loop3A_825 : i32 to index
        %parallel_loop3A_909 = arith.constant 64 : index
        %parallel_loop3A_910 = tpu.vector_load %arg8[%parallel_loop3A_907, %parallel_loop3A_908, %parallel_loop3A_909] {strides = array<i32>} : memref<8x16x128xf32, #tpu.memory_space<vmem>>, vector<16xf32>,
        tpu.vector_store %arg8[%parallel_loop3A_907, %parallel_loop3A_908, %parallel_loop3A_909], %parallel_loop3A_906 {strides = array<i32>} : memref<8x16x128xf32, #tpu.memory_space<vmem>>, vector<16xf32>,
        %parallel_loop3A_911 = tpu.vector_load_idx %arg7[%parallel_loop3A_850, %add3A_19] : memref<256x128xf32, #tpu.memory_space<vmem>>[vector<16xi32>, vector<16xi32>], vector<16xf32>,
        %parallel_loop3A_912 = arith.index_cast %parallel_loop3A_825 : i32 to index
        %parallel_loop3A_913 = arith.constant 80 : index
        %parallel_loop3A_914 = tpu.vector_load %arg10[%parallel_loop3A_912, %parallel_loop3A_913] {strides = array<i32>} : memref<16x128xf32, #tpu.memory_space<vmem>>, vector<16xf32>,
        %parallel_loop3A_915 = arith.constant 1.600000e+01 : f32
        %parallel_loop3A_916 = vector.broadcast %parallel_loop3A_915 : f32 to vector<16xf32>
        %parallel_loop3A_917 = arith.mulf %parallel_loop3A_911, %parallel_loop3A_916 : vector<16xf32>
        %parallel_loop3A_918 = arith.addf %parallel_loop3A_917, %parallel_loop3A_914 : vector<16xf32>
        %parallel_loop3A_919 = arith.index_cast %parallel_loop3A_841 : i32 to index
        %parallel_loop3A_920 = arith.index_cast %parallel_loop3A_825 : i32 to index
        %parallel_loop3A_921 = arith.constant 80 : index
        %parallel_loop3A_922 = tpu.vector_load %arg8[%parallel_loop3A_919, %parallel_loop3A_920, %parallel_loop3A_921] {strides = array<i32>} : memref<8x16x128xf32, #tpu.memory_space<vmem>>, vector<16xf32>,
        tpu.vector_store %arg8[%parallel_loop3A_919, %parallel_loop3A_920, %parallel_loop3A_921], %parallel_loop3A_918 {strides = array<i32>} : memref<8x16x128xf32, #tpu.memory_space<vmem>>, vector<16xf32>,
        %parallel_loop3A_923 = tpu.vector_load_idx %arg7[%parallel_loop3A_850, %add3A_22] : memref<256x128xf32, #tpu.memory_space<vmem>>[vector<16xi32>, vector<16xi32>], vector<16xf32>,
        %parallel_loop3A_924 = arith.index_cast %parallel_loop3A_825 : i32 to index
        %parallel_loop3A_925 = arith.constant 96 : index
        %parallel_loop3A_926 = tpu.vector_load %arg10[%parallel_loop3A_924, %parallel_loop3A_925] {strides = array<i32>} : memref<16x128xf32, #tpu.memory_space<vmem>>, vector<16xf32>,
        %parallel_loop3A_927 = arith.constant 1.600000e+01 : f32
        %parallel_loop3A_928 = vector.broadcast %parallel_loop3A_927 : f32 to vector<16xf32>
        %parallel_loop3A_929 = arith.mulf %parallel_loop3A_923, %parallel_loop3A_928 : vector<16xf32>
        %parallel_loop3A_930 = arith.addf %parallel_loop3A_929, %parallel_loop3A_926 : vector<16xf32>
        %parallel_loop3A_931 = arith.index_cast %parallel_loop3A_841 : i32 to index
        %parallel_loop3A_932 = arith.index_cast %parallel_loop3A_825 : i32 to index
        %parallel_loop3A_933 = arith.constant 96 : index
        %parallel_loop3A_934 = tpu.vector_load %arg8[%parallel_loop3A_931, %parallel_loop3A_932, %parallel_loop3A_933] {strides = array<i32>} : memref<8x16x128xf32, #tpu.memory_space<vmem>>, vector<16xf32>,
        tpu.vector_store %arg8[%parallel_loop3A_931, %parallel_loop3A_932, %parallel_loop3A_933], %parallel_loop3A_930 {strides = array<i32>} : memref<8x16x128xf32, #tpu.memory_space<vmem>>, vector<16xf32>,
        %parallel_loop3A_935 = tpu.vector_load_idx %arg7[%parallel_loop3A_850, %add3A_25] : memref<256x128xf32, #tpu.memory_space<vmem>>[vector<16xi32>, vector<16xi32>], vector<16xf32>,
        %parallel_loop3A_936 = arith.index_cast %parallel_loop3A_825 : i32 to index
        %parallel_loop3A_937 = arith.constant 112 : index
        %parallel_loop3A_938 = tpu.vector_load %arg10[%parallel_loop3A_936, %parallel_loop3A_937] {strides = array<i32>} : memref<16x128xf32, #tpu.memory_space<vmem>>, vector<16xf32>,
        %parallel_loop3A_939 = arith.constant 1.600000e+01 : f32
        %parallel_loop3A_940 = vector.broadcast %parallel_loop3A_939 : f32 to vector<16xf32>
        %parallel_loop3A_941 = arith.mulf %parallel_loop3A_935, %parallel_loop3A_940 : vector<16xf32>
        %parallel_loop3A_942 = arith.addf %parallel_loop3A_941, %parallel_loop3A_938 : vector<16xf32>
        %parallel_loop3A_943 = arith.index_cast %parallel_loop3A_841 : i32 to index
        %parallel_loop3A_944 = arith.index_cast %parallel_loop3A_825 : i32 to index
        %parallel_loop3A_945 = arith.constant 112 : index
        %parallel_loop3A_946 = tpu.vector_load %arg8[%parallel_loop3A_943, %parallel_loop3A_944, %parallel_loop3A_945] {strides = array<i32>} : memref<8x16x128xf32, #tpu.memory_space<vmem>>, vector<16xf32>,
        tpu.vector_store %arg8[%parallel_loop3A_943, %parallel_loop3A_944, %parallel_loop3A_945], %parallel_loop3A_942 {strides = array<i32>} : memref<8x16x128xf32, #tpu.memory_space<vmem>>, vector<16xf32>,
      } {sc.loop_unroll_factor = 1 : i64, sc.parallel_access}
      %add3A_665 = arith.constant 0 : i32
      %add3A_666 = arith.addi %mul3A_0, %add3A_665 : i32
      %mul3A_667 = arith.constant 16 : i32
      %mul3A_668 = arith.muli %add3A_640, %mul3A_667 : i32
      %dma_start3A_669 = arith.constant 0 : i32
      %dma_start3A_670 = arith.constant 0 : i32
      %dma_start3A_671 = arith.constant 0 : i32
      %dma_start3A_672 = tpu.memref_slice %arg8[%dma_start3A_669, %dma_start3A_670, %dma_start3A_671] : memref<8x16x128xf32, #tpu.memory_space<vmem>> -> memref<1x16x128xf32, #tpu.memory_space<vmem>>
      %dma_start3A_673 = tpu.memref_squeeze %dma_start3A_672 : memref<1x16x128xf32, #tpu.memory_space<vmem>> -> memref<16x128xf32, #tpu.memory_space<vmem>>
      %dma_start3A_674 = tpu.memref_slice %arg5[%add3A_666, %mul3A_668, %mul3A_2] : memref<128x1500x256xf32, #tpu.memory_space<hbm>> -> memref<1x16x128xf32, #tpu.memory_space<hbm>>
      %dma_start3A_675 = tpu.memref_squeeze %dma_start3A_674 : memref<1x16x128xf32, #tpu.memory_space<hbm>> -> memref<16x128xf32, #tpu.memory_space<hbm>>
      %dma_start3A_676 = tpu.memref_slice %arg5[%add3A_666, %mul3A_668, %mul3A_2] : memref<128x1500x256xf32, #tpu.memory_space<hbm>> -> memref<1x16x128xf32, #tpu.memory_space<hbm>>
      %dma_start3A_677 = tpu.memref_squeeze %dma_start3A_676 : memref<1x16x128xf32, #tpu.memory_space<hbm>> -> memref<16x128xf32, #tpu.memory_space<hbm>>
      %dma_start3A_678 = arith.constant 0 : i32
      %dma_start3A_679 = arith.constant 0 : i32
      %dma_start3A_680 = tpu.memref_slice %arg8[%dma_start3A_669, %dma_start3A_678, %dma_start3A_679] : memref<8x16x128xf32, #tpu.memory_space<vmem>> -> memref<1x16x128xf32, #tpu.memory_space<vmem>>
      %dma_start3A_681 = tpu.memref_squeeze %dma_start3A_680 : memref<1x16x128xf32, #tpu.memory_space<vmem>> -> memref<16x128xf32, #tpu.memory_space<vmem>>
      tpu.enqueue_dma source(%dma_start3A_681 : memref<16x128xf32, #tpu.memory_space<vmem>>) target(%dma_start3A_677 : memref<16x128xf32, #tpu.memory_space<hbm>>) target_semaphore(%arg12 : memref<!tpu.dma_semaphore, #tpu.memory_space<semaphore_mem>>)
      %add3A_682 = arith.constant 1 : i32
      %add3A_683 = arith.addi %mul3A_0, %add3A_682 : i32
      %mul3A_684 = arith.constant 16 : i32
      %mul3A_685 = arith.muli %add3A_640, %mul3A_684 : i32
      %dma_start3A_686 = arith.constant 1 : i32
      %dma_start3A_687 = arith.constant 0 : i32
      %dma_start3A_688 = arith.constant 0 : i32
      %dma_start3A_689 = tpu.memref_slice %arg8[%dma_start3A_686, %dma_start3A_687, %dma_start3A_688] : memref<8x16x128xf32, #tpu.memory_space<vmem>> -> memref<1x16x128xf32, #tpu.memory_space<vmem>>
      %dma_start3A_690 = tpu.memref_squeeze %dma_start3A_689 : memref<1x16x128xf32, #tpu.memory_space<vmem>> -> memref<16x128xf32, #tpu.memory_space<vmem>>
      %dma_start3A_691 = tpu.memref_slice %arg5[%add3A_683, %mul3A_685, %mul3A_2] : memref<128x1500x256xf32, #tpu.memory_space<hbm>> -> memref<1x16x128xf32, #tpu.memory_space<hbm>>
      %dma_start3A_692 = tpu.memref_squeeze %dma_start3A_691 : memref<1x16x128xf32, #tpu.memory_space<hbm>> -> memref<16x128xf32, #tpu.memory_space<hbm>>
      %dma_start3A_693 = tpu.memref_slice %arg5[%add3A_683, %mul3A_685, %mul3A_2] : memref<128x1500x256xf32, #tpu.memory_space<hbm>> -> memref<1x16x128xf32, #tpu.memory_space<hbm>>
      %dma_start3A_694 = tpu.memref_squeeze %dma_start3A_693 : memref<1x16x128xf32, #tpu.memory_space<hbm>> -> memref<16x128xf32, #tpu.memory_space<hbm>>
      %dma_start3A_695 = arith.constant 0 : i32
      %dma_start3A_696 = arith.constant 0 : i32
      %dma_start3A_697 = tpu.memref_slice %arg8[%dma_start3A_686, %dma_start3A_695, %dma_start3A_696] : memref<8x16x128xf32, #tpu.memory_space<vmem>> -> memref<1x16x128xf32, #tpu.memory_space<vmem>>
      %dma_start3A_698 = tpu.memref_squeeze %dma_start3A_697 : memref<1x16x128xf32, #tpu.memory_space<vmem>> -> memref<16x128xf32, #tpu.memory_space<vmem>>
      tpu.enqueue_dma source(%dma_start3A_698 : memref<16x128xf32, #tpu.memory_space<vmem>>) target(%dma_start3A_694 : memref<16x128xf32, #tpu.memory_space<hbm>>) target_semaphore(%arg12 : memref<!tpu.dma_semaphore, #tpu.memory_space<semaphore_mem>>)
      %add3A_699 = arith.constant 2 : i32
      %add3A_700 = arith.addi %mul3A_0, %add3A_699 : i32
      %mul3A_701 = arith.constant 16 : i32
      %mul3A_702 = arith.muli %add3A_640, %mul3A_701 : i32
      %dma_start3A_703 = arith.constant 2 : i32
      %dma_start3A_704 = arith.constant 0 : i32
      %dma_start3A_705 = arith.constant 0 : i32
      %dma_start3A_706 = tpu.memref_slice %arg8[%dma_start3A_703, %dma_start3A_704, %dma_start3A_705] : memref<8x16x128xf32, #tpu.memory_space<vmem>> -> memref<1x16x128xf32, #tpu.memory_space<vmem>>
      %dma_start3A_707 = tpu.memref_squeeze %dma_start3A_706 : memref<1x16x128xf32, #tpu.memory_space<vmem>> -> memref<16x128xf32, #tpu.memory_space<vmem>>
      %dma_start3A_708 = tpu.memref_slice %arg5[%add3A_700, %mul3A_702, %mul3A_2] : memref<128x1500x256xf32, #tpu.memory_space<hbm>> -> memref<1x16x128xf32, #tpu.memory_space<hbm>>
      %dma_start3A_709 = tpu.memref_squeeze %dma_start3A_708 : memref<1x16x128xf32, #tpu.memory_space<hbm>> -> memref<16x128xf32, #tpu.memory_space<hbm>>
      %dma_start3A_710 = tpu.memref_slice %arg5[%add3A_700, %mul3A_702, %mul3A_2] : memref<128x1500x256xf32, #tpu.memory_space<hbm>> -> memref<1x16x128xf32, #tpu.memory_space<hbm>>
      %dma_start3A_711 = tpu.memref_squeeze %dma_start3A_710 : memref<1x16x128xf32, #tpu.memory_space<hbm>> -> memref<16x128xf32, #tpu.memory_space<hbm>>
      %dma_start3A_712 = arith.constant 0 : i32
      %dma_start3A_713 = arith.constant 0 : i32
      %dma_start3A_714 = tpu.memref_slice %arg8[%dma_start3A_703, %dma_start3A_712, %dma_start3A_713] : memref<8x16x128xf32, #tpu.memory_space<vmem>> -> memref<1x16x128xf32, #tpu.memory_space<vmem>>
      %dma_start3A_715 = tpu.memref_squeeze %dma_start3A_714 : memref<1x16x128xf32, #tpu.memory_space<vmem>> -> memref<16x128xf32, #tpu.memory_space<vmem>>
      tpu.enqueue_dma source(%dma_start3A_715 : memref<16x128xf32, #tpu.memory_space<vmem>>) target(%dma_start3A_711 : memref<16x128xf32, #tpu.memory_space<hbm>>) target_semaphore(%arg12 : memref<!tpu.dma_semaphore, #tpu.memory_space<semaphore_mem>>)
      %add3A_716 = arith.constant 3 : i32
      %add3A_717 = arith.addi %mul3A_0, %add3A_716 : i32
      %mul3A_718 = arith.constant 16 : i32
      %mul3A_719 = arith.muli %add3A_640, %mul3A_718 : i32
      %dma_start3A_720 = arith.constant 3 : i32
      %dma_start3A_721 = arith.constant 0 : i32
      %dma_start3A_722 = arith.constant 0 : i32
      %dma_start3A_723 = tpu.memref_slice %arg8[%dma_start3A_720, %dma_start3A_721, %dma_start3A_722] : memref<8x16x128xf32, #tpu.memory_space<vmem>> -> memref<1x16x128xf32, #tpu.memory_space<vmem>>
      %dma_start3A_724 = tpu.memref_squeeze %dma_start3A_723 : memref<1x16x128xf32, #tpu.memory_space<vmem>> -> memref<16x128xf32, #tpu.memory_space<vmem>>
      %dma_start3A_725 = tpu.memref_slice %arg5[%add3A_717, %mul3A_719, %mul3A_2] : memref<128x1500x256xf32, #tpu.memory_space<hbm>> -> memref<1x16x128xf32, #tpu.memory_space<hbm>>
      %dma_start3A_726 = tpu.memref_squeeze %dma_start3A_725 : memref<1x16x128xf32, #tpu.memory_space<hbm>> -> memref<16x128xf32, #tpu.memory_space<hbm>>
      %dma_start3A_727 = tpu.memref_slice %arg5[%add3A_717, %mul3A_719, %mul3A_2] : memref<128x1500x256xf32, #tpu.memory_space<hbm>> -> memref<1x16x128xf32, #tpu.memory_space<hbm>>
      %dma_start3A_728 = tpu.memref_squeeze %dma_start3A_727 : memref<1x16x128xf32, #tpu.memory_space<hbm>> -> memref<16x128xf32, #tpu.memory_space<hbm>>
      %dma_start3A_729 = arith.constant 0 : i32
      %dma_start3A_730 = arith.constant 0 : i32
      %dma_start3A_731 = tpu.memref_slice %arg8[%dma_start3A_720, %dma_start3A_729, %dma_start3A_730] : memref<8x16x128xf32, #tpu.memory_space<vmem>> -> memref<1x16x128xf32, #tpu.memory_space<vmem>>
      %dma_start3A_732 = tpu.memref_squeeze %dma_start3A_731 : memref<1x16x128xf32, #tpu.memory_space<vmem>> -> memref<16x128xf32, #tpu.memory_space<vmem>>
      tpu.enqueue_dma source(%dma_start3A_732 : memref<16x128xf32, #tpu.memory_space<vmem>>) target(%dma_start3A_728 : memref<16x128xf32, #tpu.memory_space<hbm>>) target_semaphore(%arg12 : memref<!tpu.dma_semaphore, #tpu.memory_space<semaphore_mem>>)
      %add3A_733 = arith.constant 4 : i32
      %add3A_734 = arith.addi %mul3A_0, %add3A_733 : i32
      %mul3A_735 = arith.constant 16 : i32
      %mul3A_736 = arith.muli %add3A_640, %mul3A_735 : i32
      %dma_start3A_737 = arith.constant 4 : i32
      %dma_start3A_738 = arith.constant 0 : i32
      %dma_start3A_739 = arith.constant 0 : i32
      %dma_start3A_740 = tpu.memref_slice %arg8[%dma_start3A_737, %dma_start3A_738, %dma_start3A_739] : memref<8x16x128xf32, #tpu.memory_space<vmem>> -> memref<1x16x128xf32, #tpu.memory_space<vmem>>
      %dma_start3A_741 = tpu.memref_squeeze %dma_start3A_740 : memref<1x16x128xf32, #tpu.memory_space<vmem>> -> memref<16x128xf32, #tpu.memory_space<vmem>>
      %dma_start3A_742 = tpu.memref_slice %arg5[%add3A_734, %mul3A_736, %mul3A_2] : memref<128x1500x256xf32, #tpu.memory_space<hbm>> -> memref<1x16x128xf32, #tpu.memory_space<hbm>>
      %dma_start3A_743 = tpu.memref_squeeze %dma_start3A_742 : memref<1x16x128xf32, #tpu.memory_space<hbm>> -> memref<16x128xf32, #tpu.memory_space<hbm>>
      %dma_start3A_744 = tpu.memref_slice %arg5[%add3A_734, %mul3A_736, %mul3A_2] : memref<128x1500x256xf32, #tpu.memory_space<hbm>> -> memref<1x16x128xf32, #tpu.memory_space<hbm>>
      %dma_start3A_745 = tpu.memref_squeeze %dma_start3A_744 : memref<1x16x128xf32, #tpu.memory_space<hbm>> -> memref<16x128xf32, #tpu.memory_space<hbm>>
      %dma_start3A_746 = arith.constant 0 : i32
      %dma_start3A_747 = arith.constant 0 : i32
      %dma_start3A_748 = tpu.memref_slice %arg8[%dma_start3A_737, %dma_start3A_746, %dma_start3A_747] : memref<8x16x128xf32, #tpu.memory_space<vmem>> -> memref<1x16x128xf32, #tpu.memory_space<vmem>>
      %dma_start3A_749 = tpu.memref_squeeze %dma_start3A_748 : memref<1x16x128xf32, #tpu.memory_space<vmem>> -> memref<16x128xf32, #tpu.memory_space<vmem>>
      tpu.enqueue_dma source(%dma_start3A_749 : memref<16x128xf32, #tpu.memory_space<vmem>>) target(%dma_start3A_745 : memref<16x128xf32, #tpu.memory_space<hbm>>) target_semaphore(%arg12 : memref<!tpu.dma_semaphore, #tpu.memory_space<semaphore_mem>>)
      %add3A_750 = arith.constant 5 : i32
      %add3A_751 = arith.addi %mul3A_0, %add3A_750 : i32
      %mul3A_752 = arith.constant 16 : i32
      %mul3A_753 = arith.muli %add3A_640, %mul3A_752 : i32
      %dma_start3A_754 = arith.constant 5 : i32
      %dma_start3A_755 = arith.constant 0 : i32
      %dma_start3A_756 = arith.constant 0 : i32
      %dma_start3A_757 = tpu.memref_slice %arg8[%dma_start3A_754, %dma_start3A_755, %dma_start3A_756] : memref<8x16x128xf32, #tpu.memory_space<vmem>> -> memref<1x16x128xf32, #tpu.memory_space<vmem>>
      %dma_start3A_758 = tpu.memref_squeeze %dma_start3A_757 : memref<1x16x128xf32, #tpu.memory_space<vmem>> -> memref<16x128xf32, #tpu.memory_space<vmem>>
      %dma_start3A_759 = tpu.memref_slice %arg5[%add3A_751, %mul3A_753, %mul3A_2] : memref<128x1500x256xf32, #tpu.memory_space<hbm>> -> memref<1x16x128xf32, #tpu.memory_space<hbm>>
      %dma_start3A_760 = tpu.memref_squeeze %dma_start3A_759 : memref<1x16x128xf32, #tpu.memory_space<hbm>> -> memref<16x128xf32, #tpu.memory_space<hbm>>
      %dma_start3A_761 = tpu.memref_slice %arg5[%add3A_751, %mul3A_753, %mul3A_2] : memref<128x1500x256xf32, #tpu.memory_space<hbm>> -> memref<1x16x128xf32, #tpu.memory_space<hbm>>
      %dma_start3A_762 = tpu.memref_squeeze %dma_start3A_761 : memref<1x16x128xf32, #tpu.memory_space<hbm>> -> memref<16x128xf32, #tpu.memory_space<hbm>>
      %dma_start3A_763 = arith.constant 0 : i32
      %dma_start3A_764 = arith.constant 0 : i32
      %dma_start3A_765 = tpu.memref_slice %arg8[%dma_start3A_754, %dma_start3A_763, %dma_start3A_764] : memref<8x16x128xf32, #tpu.memory_space<vmem>> -> memref<1x16x128xf32, #tpu.memory_space<vmem>>
      %dma_start3A_766 = tpu.memref_squeeze %dma_start3A_765 : memref<1x16x128xf32, #tpu.memory_space<vmem>> -> memref<16x128xf32, #tpu.memory_space<vmem>>
      tpu.enqueue_dma source(%dma_start3A_766 : memref<16x128xf32, #tpu.memory_space<vmem>>) target(%dma_start3A_762 : memref<16x128xf32, #tpu.memory_space<hbm>>) target_semaphore(%arg12 : memref<!tpu.dma_semaphore, #tpu.memory_space<semaphore_mem>>)
      %add3A_767 = arith.constant 6 : i32
      %add3A_768 = arith.addi %mul3A_0, %add3A_767 : i32
      %mul3A_769 = arith.constant 16 : i32
      %mul3A_770 = arith.muli %add3A_640, %mul3A_769 : i32
      %dma_start3A_771 = arith.constant 6 : i32
      %dma_start3A_772 = arith.constant 0 : i32
      %dma_start3A_773 = arith.constant 0 : i32
      %dma_start3A_774 = tpu.memref_slice %arg8[%dma_start3A_771, %dma_start3A_772, %dma_start3A_773] : memref<8x16x128xf32, #tpu.memory_space<vmem>> -> memref<1x16x128xf32, #tpu.memory_space<vmem>>
      %dma_start3A_775 = tpu.memref_squeeze %dma_start3A_774 : memref<1x16x128xf32, #tpu.memory_space<vmem>> -> memref<16x128xf32, #tpu.memory_space<vmem>>
      %dma_start3A_776 = tpu.memref_slice %arg5[%add3A_768, %mul3A_770, %mul3A_2] : memref<128x1500x256xf32, #tpu.memory_space<hbm>> -> memref<1x16x128xf32, #tpu.memory_space<hbm>>
      %dma_start3A_777 = tpu.memref_squeeze %dma_start3A_776 : memref<1x16x128xf32, #tpu.memory_space<hbm>> -> memref<16x128xf32, #tpu.memory_space<hbm>>
      %dma_start3A_778 = tpu.memref_slice %arg5[%add3A_768, %mul3A_770, %mul3A_2] : memref<128x1500x256xf32, #tpu.memory_space<hbm>> -> memref<1x16x128xf32, #tpu.memory_space<hbm>>
      %dma_start3A_779 = tpu.memref_squeeze %dma_start3A_778 : memref<1x16x128xf32, #tpu.memory_space<hbm>> -> memref<16x128xf32, #tpu.memory_space<hbm>>
      %dma_start3A_780 = arith.constant 0 : i32
      %dma_start3A_781 = arith.constant 0 : i32
      %dma_start3A_782 = tpu.memref_slice %arg8[%dma_start3A_771, %dma_start3A_780, %dma_start3A_781] : memref<8x16x128xf32, #tpu.memory_space<vmem>> -> memref<1x16x128xf32, #tpu.memory_space<vmem>>
      %dma_start3A_783 = tpu.memref_squeeze %dma_start3A_782 : memref<1x16x128xf32, #tpu.memory_space<vmem>> -> memref<16x128xf32, #tpu.memory_space<vmem>>
      tpu.enqueue_dma source(%dma_start3A_783 : memref<16x128xf32, #tpu.memory_space<vmem>>) target(%dma_start3A_779 : memref<16x128xf32, #tpu.memory_space<hbm>>) target_semaphore(%arg12 : memref<!tpu.dma_semaphore, #tpu.memory_space<semaphore_mem>>)
      %add3A_784 = arith.constant 7 : i32
      %add3A_785 = arith.addi %mul3A_0, %add3A_784 : i32
      %mul3A_786 = arith.constant 16 : i32
      %mul3A_787 = arith.muli %add3A_640, %mul3A_786 : i32
      %dma_start3A_788 = arith.constant 7 : i32
      %dma_start3A_789 = arith.constant 0 : i32
      %dma_start3A_790 = arith.constant 0 : i32
      %dma_start3A_791 = tpu.memref_slice %arg8[%dma_start3A_788, %dma_start3A_789, %dma_start3A_790] : memref<8x16x128xf32, #tpu.memory_space<vmem>> -> memref<1x16x128xf32, #tpu.memory_space<vmem>>
      %dma_start3A_792 = tpu.memref_squeeze %dma_start3A_791 : memref<1x16x128xf32, #tpu.memory_space<vmem>> -> memref<16x128xf32, #tpu.memory_space<vmem>>
      %dma_start3A_793 = tpu.memref_slice %arg5[%add3A_785, %mul3A_787, %mul3A_2] : memref<128x1500x256xf32, #tpu.memory_space<hbm>> -> memref<1x16x128xf32, #tpu.memory_space<hbm>>
      %dma_start3A_794 = tpu.memref_squeeze %dma_start3A_793 : memref<1x16x128xf32, #tpu.memory_space<hbm>> -> memref<16x128xf32, #tpu.memory_space<hbm>>
      %dma_start3A_795 = tpu.memref_slice %arg5[%add3A_785, %mul3A_787, %mul3A_2] : memref<128x1500x256xf32, #tpu.memory_space<hbm>> -> memref<1x16x128xf32, #tpu.memory_space<hbm>>
      %dma_start3A_796 = tpu.memref_squeeze %dma_start3A_795 : memref<1x16x128xf32, #tpu.memory_space<hbm>> -> memref<16x128xf32, #tpu.memory_space<hbm>>
      %dma_start3A_797 = arith.constant 0 : i32
      %dma_start3A_798 = arith.constant 0 : i32
      %dma_start3A_799 = tpu.memref_slice %arg8[%dma_start3A_788, %dma_start3A_797, %dma_start3A_798] : memref<8x16x128xf32, #tpu.memory_space<vmem>> -> memref<1x16x128xf32, #tpu.memory_space<vmem>>
      %dma_start3A_800 = tpu.memref_squeeze %dma_start3A_799 : memref<1x16x128xf32, #tpu.memory_space<vmem>> -> memref<16x128xf32, #tpu.memory_space<vmem>>
      tpu.enqueue_dma source(%dma_start3A_800 : memref<16x128xf32, #tpu.memory_space<vmem>>) target(%dma_start3A_796 : memref<16x128xf32, #tpu.memory_space<hbm>>) target_semaphore(%arg12 : memref<!tpu.dma_semaphore, #tpu.memory_space<semaphore_mem>>)
    }
    %scan3A_189 = arith.constant 46 : i32
    %dma_wait3A_190 = arith.constant 0 : i32
    %dma_wait3A_191 = arith.constant 0 : i32
    %dma_wait3A_192 = arith.constant 0 : i32
    %dma_wait3A_193 = arith.constant 0 : i32
    %dma_wait3A_194 = tpu.memref_slice %arg9[%dma_wait3A_190, %dma_wait3A_192, %dma_wait3A_193] : memref<8x16x128xf32, #tpu.memory_space<vmem>> -> memref<1x16x128xf32, #tpu.memory_space<vmem>>
    %dma_wait3A_195 = tpu.memref_squeeze %dma_wait3A_194 : memref<1x16x128xf32, #tpu.memory_space<vmem>> -> memref<16x128xf32, #tpu.memory_space<vmem>>
    %dma_wait3A_196 = arith.constant 0 : i32
    %dma_wait3A_197 = arith.constant 0 : i32
    %dma_wait3A_198 = tpu.memref_slice %arg5[%dma_wait3A_191, %dma_wait3A_196, %dma_wait3A_197] : memref<128x1500x256xf32, #tpu.memory_space<hbm>> -> memref<1x16x128xf32, #tpu.memory_space<hbm>>
    %dma_wait3A_199 = tpu.memref_squeeze %dma_wait3A_198 : memref<1x16x128xf32, #tpu.memory_space<hbm>> -> memref<16x128xf32, #tpu.memory_space<hbm>>
    %dma_wait3A_200 = arith.constant 0 : i32
    %dma_wait3A_201 = arith.constant 0 : i32
    %dma_wait3A_202 = tpu.memref_slice %arg5[%dma_wait3A_191, %dma_wait3A_200, %dma_wait3A_201] : memref<128x1500x256xf32, #tpu.memory_space<hbm>> -> memref<1x16x128xf32, #tpu.memory_space<hbm>>
    %dma_wait3A_203 = tpu.memref_squeeze %dma_wait3A_202 : memref<1x16x128xf32, #tpu.memory_space<hbm>> -> memref<16x128xf32, #tpu.memory_space<hbm>>
    %dma_wait3A_204 = arith.constant 0 : i32
    %dma_wait3A_205 = arith.constant 0 : i32
    %dma_wait3A_206 = tpu.memref_slice %arg9[%dma_wait3A_190, %dma_wait3A_204, %dma_wait3A_205] : memref<8x16x128xf32, #tpu.memory_space<vmem>> -> memref<1x16x128xf32, #tpu.memory_space<vmem>>
    %dma_wait3A_207 = tpu.memref_squeeze %dma_wait3A_206 : memref<1x16x128xf32, #tpu.memory_space<vmem>> -> memref<16x128xf32, #tpu.memory_space<vmem>>
    tpu.wait_dma2 semaphore(%arg13 : memref<!tpu.dma_semaphore, #tpu.memory_space<semaphore_mem>>) src(%dma_wait3A_207 : memref<16x128xf32, #tpu.memory_space<vmem>>) dst(%dma_wait3A_203 : memref<16x128xf32, #tpu.memory_space<hbm>>)
    %dma_wait3A_208 = arith.constant 1 : i32
    %dma_wait3A_209 = arith.constant 0 : i32
    %dma_wait3A_210 = arith.constant 0 : i32
    %dma_wait3A_211 = arith.constant 0 : i32
    %dma_wait3A_212 = tpu.memref_slice %arg9[%dma_wait3A_208, %dma_wait3A_210, %dma_wait3A_211] : memref<8x16x128xf32, #tpu.memory_space<vmem>> -> memref<1x16x128xf32, #tpu.memory_space<vmem>>
    %dma_wait3A_213 = tpu.memref_squeeze %dma_wait3A_212 : memref<1x16x128xf32, #tpu.memory_space<vmem>> -> memref<16x128xf32, #tpu.memory_space<vmem>>
    %dma_wait3A_214 = arith.constant 0 : i32
    %dma_wait3A_215 = arith.constant 0 : i32
    %dma_wait3A_216 = tpu.memref_slice %arg5[%dma_wait3A_209, %dma_wait3A_214, %dma_wait3A_215] : memref<128x1500x256xf32, #tpu.memory_space<hbm>> -> memref<1x16x128xf32, #tpu.memory_space<hbm>>
    %dma_wait3A_217 = tpu.memref_squeeze %dma_wait3A_216 : memref<1x16x128xf32, #tpu.memory_space<hbm>> -> memref<16x128xf32, #tpu.memory_space<hbm>>
    %dma_wait3A_218 = arith.constant 0 : i32
    %dma_wait3A_219 = arith.constant 0 : i32
    %dma_wait3A_220 = tpu.memref_slice %arg5[%dma_wait3A_209, %dma_wait3A_218, %dma_wait3A_219] : memref<128x1500x256xf32, #tpu.memory_space<hbm>> -> memref<1x16x128xf32, #tpu.memory_space<hbm>>
    %dma_wait3A_221 = tpu.memref_squeeze %dma_wait3A_220 : memref<1x16x128xf32, #tpu.memory_space<hbm>> -> memref<16x128xf32, #tpu.memory_space<hbm>>
    %dma_wait3A_222 = arith.constant 0 : i32
    %dma_wait3A_223 = arith.constant 0 : i32
    %dma_wait3A_224 = tpu.memref_slice %arg9[%dma_wait3A_208, %dma_wait3A_222, %dma_wait3A_223] : memref<8x16x128xf32, #tpu.memory_space<vmem>> -> memref<1x16x128xf32, #tpu.memory_space<vmem>>
    %dma_wait3A_225 = tpu.memref_squeeze %dma_wait3A_224 : memref<1x16x128xf32, #tpu.memory_space<vmem>> -> memref<16x128xf32, #tpu.memory_space<vmem>>
    tpu.wait_dma2 semaphore(%arg13 : memref<!tpu.dma_semaphore, #tpu.memory_space<semaphore_mem>>) src(%dma_wait3A_225 : memref<16x128xf32, #tpu.memory_space<vmem>>) dst(%dma_wait3A_221 : memref<16x128xf32, #tpu.memory_space<hbm>>)
    %dma_wait3A_226 = arith.constant 2 : i32
    %dma_wait3A_227 = arith.constant 0 : i32
    %dma_wait3A_228 = arith.constant 0 : i32
    %dma_wait3A_229 = arith.constant 0 : i32
    %dma_wait3A_230 = tpu.memref_slice %arg9[%dma_wait3A_226, %dma_wait3A_228, %dma_wait3A_229] : memref<8x16x128xf32, #tpu.memory_space<vmem>> -> memref<1x16x128xf32, #tpu.memory_space<vmem>>
    %dma_wait3A_231 = tpu.memref_squeeze %dma_wait3A_230 : memref<1x16x128xf32, #tpu.memory_space<vmem>> -> memref<16x128xf32, #tpu.memory_space<vmem>>
    %dma_wait3A_232 = arith.constant 0 : i32
    %dma_wait3A_233 = arith.constant 0 : i32
    %dma_wait3A_234 = tpu.memref_slice %arg5[%dma_wait3A_227, %dma_wait3A_232, %dma_wait3A_233] : memref<128x1500x256xf32, #tpu.memory_space<hbm>> -> memref<1x16x128xf32, #tpu.memory_space<hbm>>
    %dma_wait3A_235 = tpu.memref_squeeze %dma_wait3A_234 : memref<1x16x128xf32, #tpu.memory_space<hbm>> -> memref<16x128xf32, #tpu.memory_space<hbm>>
    %dma_wait3A_236 = arith.constant 0 : i32
    %dma_wait3A_237 = arith.constant 0 : i32
    %dma_wait3A_238 = tpu.memref_slice %arg5[%dma_wait3A_227, %dma_wait3A_236, %dma_wait3A_237] : memref<128x1500x256xf32, #tpu.memory_space<hbm>> -> memref<1x16x128xf32, #tpu.memory_space<hbm>>
    %dma_wait3A_239 = tpu.memref_squeeze %dma_wait3A_238 : memref<1x16x128xf32, #tpu.memory_space<hbm>> -> memref<16x128xf32, #tpu.memory_space<hbm>>
    %dma_wait3A_240 = arith.constant 0 : i32
    %dma_wait3A_241 = arith.constant 0 : i32
    %dma_wait3A_242 = tpu.memref_slice %arg9[%dma_wait3A_226, %dma_wait3A_240, %dma_wait3A_241] : memref<8x16x128xf32, #tpu.memory_space<vmem>> -> memref<1x16x128xf32, #tpu.memory_space<vmem>>
    %dma_wait3A_243 = tpu.memref_squeeze %dma_wait3A_242 : memref<1x16x128xf32, #tpu.memory_space<vmem>> -> memref<16x128xf32, #tpu.memory_space<vmem>>
    tpu.wait_dma2 semaphore(%arg13 : memref<!tpu.dma_semaphore, #tpu.memory_space<semaphore_mem>>) src(%dma_wait3A_243 : memref<16x128xf32, #tpu.memory_space<vmem>>) dst(%dma_wait3A_239 : memref<16x128xf32, #tpu.memory_space<hbm>>)
    %dma_wait3A_244 = arith.constant 3 : i32
    %dma_wait3A_245 = arith.constant 0 : i32
    %dma_wait3A_246 = arith.constant 0 : i32
    %dma_wait3A_247 = arith.constant 0 : i32
    %dma_wait3A_248 = tpu.memref_slice %arg9[%dma_wait3A_244, %dma_wait3A_246, %dma_wait3A_247] : memref<8x16x128xf32, #tpu.memory_space<vmem>> -> memref<1x16x128xf32, #tpu.memory_space<vmem>>
    %dma_wait3A_249 = tpu.memref_squeeze %dma_wait3A_248 : memref<1x16x128xf32, #tpu.memory_space<vmem>> -> memref<16x128xf32, #tpu.memory_space<vmem>>
    %dma_wait3A_250 = arith.constant 0 : i32
    %dma_wait3A_251 = arith.constant 0 : i32
    %dma_wait3A_252 = tpu.memref_slice %arg5[%dma_wait3A_245, %dma_wait3A_250, %dma_wait3A_251] : memref<128x1500x256xf32, #tpu.memory_space<hbm>> -> memref<1x16x128xf32, #tpu.memory_space<hbm>>
    %dma_wait3A_253 = tpu.memref_squeeze %dma_wait3A_252 : memref<1x16x128xf32, #tpu.memory_space<hbm>> -> memref<16x128xf32, #tpu.memory_space<hbm>>
    %dma_wait3A_254 = arith.constant 0 : i32
    %dma_wait3A_255 = arith.constant 0 : i32
    %dma_wait3A_256 = tpu.memref_slice %arg5[%dma_wait3A_245, %dma_wait3A_254, %dma_wait3A_255] : memref<128x1500x256xf32, #tpu.memory_space<hbm>> -> memref<1x16x128xf32, #tpu.memory_space<hbm>>
    %dma_wait3A_257 = tpu.memref_squeeze %dma_wait3A_256 : memref<1x16x128xf32, #tpu.memory_space<hbm>> -> memref<16x128xf32, #tpu.memory_space<hbm>>
    %dma_wait3A_258 = arith.constant 0 : i32
    %dma_wait3A_259 = arith.constant 0 : i32
    %dma_wait3A_260 = tpu.memref_slice %arg9[%dma_wait3A_244, %dma_wait3A_258, %dma_wait3A_259] : memref<8x16x128xf32, #tpu.memory_space<vmem>> -> memref<1x16x128xf32, #tpu.memory_space<vmem>>
    %dma_wait3A_261 = tpu.memref_squeeze %dma_wait3A_260 : memref<1x16x128xf32, #tpu.memory_space<vmem>> -> memref<16x128xf32, #tpu.memory_space<vmem>>
    tpu.wait_dma2 semaphore(%arg13 : memref<!tpu.dma_semaphore, #tpu.memory_space<semaphore_mem>>) src(%dma_wait3A_261 : memref<16x128xf32, #tpu.memory_space<vmem>>) dst(%dma_wait3A_257 : memref<16x128xf32, #tpu.memory_space<hbm>>)
    %dma_wait3A_262 = arith.constant 4 : i32
    %dma_wait3A_263 = arith.constant 0 : i32
    %dma_wait3A_264 = arith.constant 0 : i32
    %dma_wait3A_265 = arith.constant 0 : i32
    %dma_wait3A_266 = tpu.memref_slice %arg9[%dma_wait3A_262, %dma_wait3A_264, %dma_wait3A_265] : memref<8x16x128xf32, #tpu.memory_space<vmem>> -> memref<1x16x128xf32, #tpu.memory_space<vmem>>
    %dma_wait3A_267 = tpu.memref_squeeze %dma_wait3A_266 : memref<1x16x128xf32, #tpu.memory_space<vmem>> -> memref<16x128xf32, #tpu.memory_space<vmem>>
    %dma_wait3A_268 = arith.constant 0 : i32
    %dma_wait3A_269 = arith.constant 0 : i32
    %dma_wait3A_270 = tpu.memref_slice %arg5[%dma_wait3A_263, %dma_wait3A_268, %dma_wait3A_269] : memref<128x1500x256xf32, #tpu.memory_space<hbm>> -> memref<1x16x128xf32, #tpu.memory_space<hbm>>
    %dma_wait3A_271 = tpu.memref_squeeze %dma_wait3A_270 : memref<1x16x128xf32, #tpu.memory_space<hbm>> -> memref<16x128xf32, #tpu.memory_space<hbm>>
    %dma_wait3A_272 = arith.constant 0 : i32
    %dma_wait3A_273 = arith.constant 0 : i32
    %dma_wait3A_274 = tpu.memref_slice %arg5[%dma_wait3A_263, %dma_wait3A_272, %dma_wait3A_273] : memref<128x1500x256xf32, #tpu.memory_space<hbm>> -> memref<1x16x128xf32, #tpu.memory_space<hbm>>
    %dma_wait3A_275 = tpu.memref_squeeze %dma_wait3A_274 : memref<1x16x128xf32, #tpu.memory_space<hbm>> -> memref<16x128xf32, #tpu.memory_space<hbm>>
    %dma_wait3A_276 = arith.constant 0 : i32
    %dma_wait3A_277 = arith.constant 0 : i32
    %dma_wait3A_278 = tpu.memref_slice %arg9[%dma_wait3A_262, %dma_wait3A_276, %dma_wait3A_277] : memref<8x16x128xf32, #tpu.memory_space<vmem>> -> memref<1x16x128xf32, #tpu.memory_space<vmem>>
    %dma_wait3A_279 = tpu.memref_squeeze %dma_wait3A_278 : memref<1x16x128xf32, #tpu.memory_space<vmem>> -> memref<16x128xf32, #tpu.memory_space<vmem>>
    tpu.wait_dma2 semaphore(%arg13 : memref<!tpu.dma_semaphore, #tpu.memory_space<semaphore_mem>>) src(%dma_wait3A_279 : memref<16x128xf32, #tpu.memory_space<vmem>>) dst(%dma_wait3A_275 : memref<16x128xf32, #tpu.memory_space<hbm>>)
    %dma_wait3A_280 = arith.constant 5 : i32
    %dma_wait3A_281 = arith.constant 0 : i32
    %dma_wait3A_282 = arith.constant 0 : i32
    %dma_wait3A_283 = arith.constant 0 : i32
    %dma_wait3A_284 = tpu.memref_slice %arg9[%dma_wait3A_280, %dma_wait3A_282, %dma_wait3A_283] : memref<8x16x128xf32, #tpu.memory_space<vmem>> -> memref<1x16x128xf32, #tpu.memory_space<vmem>>
    %dma_wait3A_285 = tpu.memref_squeeze %dma_wait3A_284 : memref<1x16x128xf32, #tpu.memory_space<vmem>> -> memref<16x128xf32, #tpu.memory_space<vmem>>
    %dma_wait3A_286 = arith.constant 0 : i32
    %dma_wait3A_287 = arith.constant 0 : i32
    %dma_wait3A_288 = tpu.memref_slice %arg5[%dma_wait3A_281, %dma_wait3A_286, %dma_wait3A_287] : memref<128x1500x256xf32, #tpu.memory_space<hbm>> -> memref<1x16x128xf32, #tpu.memory_space<hbm>>
    %dma_wait3A_289 = tpu.memref_squeeze %dma_wait3A_288 : memref<1x16x128xf32, #tpu.memory_space<hbm>> -> memref<16x128xf32, #tpu.memory_space<hbm>>
    %dma_wait3A_290 = arith.constant 0 : i32
    %dma_wait3A_291 = arith.constant 0 : i32
    %dma_wait3A_292 = tpu.memref_slice %arg5[%dma_wait3A_281, %dma_wait3A_290, %dma_wait3A_291] : memref<128x1500x256xf32, #tpu.memory_space<hbm>> -> memref<1x16x128xf32, #tpu.memory_space<hbm>>
    %dma_wait3A_293 = tpu.memref_squeeze %dma_wait3A_292 : memref<1x16x128xf32, #tpu.memory_space<hbm>> -> memref<16x128xf32, #tpu.memory_space<hbm>>
    %dma_wait3A_294 = arith.constant 0 : i32
    %dma_wait3A_295 = arith.constant 0 : i32
    %dma_wait3A_296 = tpu.memref_slice %arg9[%dma_wait3A_280, %dma_wait3A_294, %dma_wait3A_295] : memref<8x16x128xf32, #tpu.memory_space<vmem>> -> memref<1x16x128xf32, #tpu.memory_space<vmem>>
    %dma_wait3A_297 = tpu.memref_squeeze %dma_wait3A_296 : memref<1x16x128xf32, #tpu.memory_space<vmem>> -> memref<16x128xf32, #tpu.memory_space<vmem>>
    tpu.wait_dma2 semaphore(%arg13 : memref<!tpu.dma_semaphore, #tpu.memory_space<semaphore_mem>>) src(%dma_wait3A_297 : memref<16x128xf32, #tpu.memory_space<vmem>>) dst(%dma_wait3A_293 : memref<16x128xf32, #tpu.memory_space<hbm>>)
    %dma_wait3A_298 = arith.constant 6 : i32
    %dma_wait3A_299 = arith.constant 0 : i32
    %dma_wait3A_300 = arith.constant 0 : i32
    %dma_wait3A_301 = arith.constant 0 : i32
    %dma_wait3A_302 = tpu.memref_slice %arg9[%dma_wait3A_298, %dma_wait3A_300, %dma_wait3A_301] : memref<8x16x128xf32, #tpu.memory_space<vmem>> -> memref<1x16x128xf32, #tpu.memory_space<vmem>>
    %dma_wait3A_303 = tpu.memref_squeeze %dma_wait3A_302 : memref<1x16x128xf32, #tpu.memory_space<vmem>> -> memref<16x128xf32, #tpu.memory_space<vmem>>
    %dma_wait3A_304 = arith.constant 0 : i32
    %dma_wait3A_305 = arith.constant 0 : i32
    %dma_wait3A_306 = tpu.memref_slice %arg5[%dma_wait3A_299, %dma_wait3A_304, %dma_wait3A_305] : memref<128x1500x256xf32, #tpu.memory_space<hbm>> -> memref<1x16x128xf32, #tpu.memory_space<hbm>>
    %dma_wait3A_307 = tpu.memref_squeeze %dma_wait3A_306 : memref<1x16x128xf32, #tpu.memory_space<hbm>> -> memref<16x128xf32, #tpu.memory_space<hbm>>
    %dma_wait3A_308 = arith.constant 0 : i32
    %dma_wait3A_309 = arith.constant 0 : i32
    %dma_wait3A_310 = tpu.memref_slice %arg5[%dma_wait3A_299, %dma_wait3A_308, %dma_wait3A_309] : memref<128x1500x256xf32, #tpu.memory_space<hbm>> -> memref<1x16x128xf32, #tpu.memory_space<hbm>>
    %dma_wait3A_311 = tpu.memref_squeeze %dma_wait3A_310 : memref<1x16x128xf32, #tpu.memory_space<hbm>> -> memref<16x128xf32, #tpu.memory_space<hbm>>
    %dma_wait3A_312 = arith.constant 0 : i32
    %dma_wait3A_313 = arith.constant 0 : i32
    %dma_wait3A_314 = tpu.memref_slice %arg9[%dma_wait3A_298, %dma_wait3A_312, %dma_wait3A_313] : memref<8x16x128xf32, #tpu.memory_space<vmem>> -> memref<1x16x128xf32, #tpu.memory_space<vmem>>
    %dma_wait3A_315 = tpu.memref_squeeze %dma_wait3A_314 : memref<1x16x128xf32, #tpu.memory_space<vmem>> -> memref<16x128xf32, #tpu.memory_space<vmem>>
    tpu.wait_dma2 semaphore(%arg13 : memref<!tpu.dma_semaphore, #tpu.memory_space<semaphore_mem>>) src(%dma_wait3A_315 : memref<16x128xf32, #tpu.memory_space<vmem>>) dst(%dma_wait3A_311 : memref<16x128xf32, #tpu.memory_space<hbm>>)
    %dma_wait3A_316 = arith.constant 7 : i32
    %dma_wait3A_317 = arith.constant 0 : i32
    %dma_wait3A_318 = arith.constant 0 : i32
    %dma_wait3A_319 = arith.constant 0 : i32
    %dma_wait3A_320 = tpu.memref_slice %arg9[%dma_wait3A_316, %dma_wait3A_318, %dma_wait3A_319] : memref<8x16x128xf32, #tpu.memory_space<vmem>> -> memref<1x16x128xf32, #tpu.memory_space<vmem>>
    %dma_wait3A_321 = tpu.memref_squeeze %dma_wait3A_320 : memref<1x16x128xf32, #tpu.memory_space<vmem>> -> memref<16x128xf32, #tpu.memory_space<vmem>>
    %dma_wait3A_322 = arith.constant 0 : i32
    %dma_wait3A_323 = arith.constant 0 : i32
    %dma_wait3A_324 = tpu.memref_slice %arg5[%dma_wait3A_317, %dma_wait3A_322, %dma_wait3A_323] : memref<128x1500x256xf32, #tpu.memory_space<hbm>> -> memref<1x16x128xf32, #tpu.memory_space<hbm>>
    %dma_wait3A_325 = tpu.memref_squeeze %dma_wait3A_324 : memref<1x16x128xf32, #tpu.memory_space<hbm>> -> memref<16x128xf32, #tpu.memory_space<hbm>>
    %dma_wait3A_326 = arith.constant 0 : i32
    %dma_wait3A_327 = arith.constant 0 : i32
    %dma_wait3A_328 = tpu.memref_slice %arg5[%dma_wait3A_317, %dma_wait3A_326, %dma_wait3A_327] : memref<128x1500x256xf32, #tpu.memory_space<hbm>> -> memref<1x16x128xf32, #tpu.memory_space<hbm>>
    %dma_wait3A_329 = tpu.memref_squeeze %dma_wait3A_328 : memref<1x16x128xf32, #tpu.memory_space<hbm>> -> memref<16x128xf32, #tpu.memory_space<hbm>>
    %dma_wait3A_330 = arith.constant 0 : i32
    %dma_wait3A_331 = arith.constant 0 : i32
    %dma_wait3A_332 = tpu.memref_slice %arg9[%dma_wait3A_316, %dma_wait3A_330, %dma_wait3A_331] : memref<8x16x128xf32, #tpu.memory_space<vmem>> -> memref<1x16x128xf32, #tpu.memory_space<vmem>>
    %dma_wait3A_333 = tpu.memref_squeeze %dma_wait3A_332 : memref<1x16x128xf32, #tpu.memory_space<vmem>> -> memref<16x128xf32, #tpu.memory_space<vmem>>
    tpu.wait_dma2 semaphore(%arg13 : memref<!tpu.dma_semaphore, #tpu.memory_space<semaphore_mem>>) src(%dma_wait3A_333 : memref<16x128xf32, #tpu.memory_space<vmem>>) dst(%dma_wait3A_329 : memref<16x128xf32, #tpu.memory_space<hbm>>)
    %dma_wait3A_334 = arith.constant 0 : i32
    %dma_wait3A_335 = arith.constant 0 : i32
    %dma_wait3A_336 = arith.constant 0 : i32
    %dma_wait3A_337 = arith.constant 0 : i32
    %dma_wait3A_338 = tpu.memref_slice %arg8[%dma_wait3A_334, %dma_wait3A_336, %dma_wait3A_337] : memref<8x16x128xf32, #tpu.memory_space<vmem>> -> memref<1x16x128xf32, #tpu.memory_space<vmem>>
    %dma_wait3A_339 = tpu.memref_squeeze %dma_wait3A_338 : memref<1x16x128xf32, #tpu.memory_space<vmem>> -> memref<16x128xf32, #tpu.memory_space<vmem>>
    %dma_wait3A_340 = arith.constant 0 : i32
    %dma_wait3A_341 = arith.constant 0 : i32
    %dma_wait3A_342 = tpu.memref_slice %arg5[%dma_wait3A_335, %dma_wait3A_340, %dma_wait3A_341] : memref<128x1500x256xf32, #tpu.memory_space<hbm>> -> memref<1x16x128xf32, #tpu.memory_space<hbm>>
    %dma_wait3A_343 = tpu.memref_squeeze %dma_wait3A_342 : memref<1x16x128xf32, #tpu.memory_space<hbm>> -> memref<16x128xf32, #tpu.memory_space<hbm>>
    %dma_wait3A_344 = arith.constant 0 : i32
    %dma_wait3A_345 = arith.constant 0 : i32
    %dma_wait3A_346 = tpu.memref_slice %arg5[%dma_wait3A_335, %dma_wait3A_344, %dma_wait3A_345] : memref<128x1500x256xf32, #tpu.memory_space<hbm>> -> memref<1x16x128xf32, #tpu.memory_space<hbm>>
    %dma_wait3A_347 = tpu.memref_squeeze %dma_wait3A_346 : memref<1x16x128xf32, #tpu.memory_space<hbm>> -> memref<16x128xf32, #tpu.memory_space<hbm>>
    %dma_wait3A_348 = arith.constant 0 : i32
    %dma_wait3A_349 = arith.constant 0 : i32
    %dma_wait3A_350 = tpu.memref_slice %arg8[%dma_wait3A_334, %dma_wait3A_348, %dma_wait3A_349] : memref<8x16x128xf32, #tpu.memory_space<vmem>> -> memref<1x16x128xf32, #tpu.memory_space<vmem>>
    %dma_wait3A_351 = tpu.memref_squeeze %dma_wait3A_350 : memref<1x16x128xf32, #tpu.memory_space<vmem>> -> memref<16x128xf32, #tpu.memory_space<vmem>>
    tpu.wait_dma2 semaphore(%arg12 : memref<!tpu.dma_semaphore, #tpu.memory_space<semaphore_mem>>) src(%dma_wait3A_351 : memref<16x128xf32, #tpu.memory_space<vmem>>) dst(%dma_wait3A_347 : memref<16x128xf32, #tpu.memory_space<hbm>>)
    %dma_wait3A_352 = arith.constant 1 : i32
    %dma_wait3A_353 = arith.constant 0 : i32
    %dma_wait3A_354 = arith.constant 0 : i32
    %dma_wait3A_355 = arith.constant 0 : i32
    %dma_wait3A_356 = tpu.memref_slice %arg8[%dma_wait3A_352, %dma_wait3A_354, %dma_wait3A_355] : memref<8x16x128xf32, #tpu.memory_space<vmem>> -> memref<1x16x128xf32, #tpu.memory_space<vmem>>
    %dma_wait3A_357 = tpu.memref_squeeze %dma_wait3A_356 : memref<1x16x128xf32, #tpu.memory_space<vmem>> -> memref<16x128xf32, #tpu.memory_space<vmem>>
    %dma_wait3A_358 = arith.constant 0 : i32
    %dma_wait3A_359 = arith.constant 0 : i32
    %dma_wait3A_360 = tpu.memref_slice %arg5[%dma_wait3A_353, %dma_wait3A_358, %dma_wait3A_359] : memref<128x1500x256xf32, #tpu.memory_space<hbm>> -> memref<1x16x128xf32, #tpu.memory_space<hbm>>
    %dma_wait3A_361 = tpu.memref_squeeze %dma_wait3A_360 : memref<1x16x128xf32, #tpu.memory_space<hbm>> -> memref<16x128xf32, #tpu.memory_space<hbm>>
    %dma_wait3A_362 = arith.constant 0 : i32
    %dma_wait3A_363 = arith.constant 0 : i32
    %dma_wait3A_364 = tpu.memref_slice %arg5[%dma_wait3A_353, %dma_wait3A_362, %dma_wait3A_363] : memref<128x1500x256xf32, #tpu.memory_space<hbm>> -> memref<1x16x128xf32, #tpu.memory_space<hbm>>
    %dma_wait3A_365 = tpu.memref_squeeze %dma_wait3A_364 : memref<1x16x128xf32, #tpu.memory_space<hbm>> -> memref<16x128xf32, #tpu.memory_space<hbm>>
    %dma_wait3A_366 = arith.constant 0 : i32
    %dma_wait3A_367 = arith.constant 0 : i32
    %dma_wait3A_368 = tpu.memref_slice %arg8[%dma_wait3A_352, %dma_wait3A_366, %dma_wait3A_367] : memref<8x16x128xf32, #tpu.memory_space<vmem>> -> memref<1x16x128xf32, #tpu.memory_space<vmem>>
    %dma_wait3A_369 = tpu.memref_squeeze %dma_wait3A_368 : memref<1x16x128xf32, #tpu.memory_space<vmem>> -> memref<16x128xf32, #tpu.memory_space<vmem>>
    tpu.wait_dma2 semaphore(%arg12 : memref<!tpu.dma_semaphore, #tpu.memory_space<semaphore_mem>>) src(%dma_wait3A_369 : memref<16x128xf32, #tpu.memory_space<vmem>>) dst(%dma_wait3A_365 : memref<16x128xf32, #tpu.memory_space<hbm>>)
    %dma_wait3A_370 = arith.constant 2 : i32
    %dma_wait3A_371 = arith.constant 0 : i32
    %dma_wait3A_372 = arith.constant 0 : i32
    %dma_wait3A_373 = arith.constant 0 : i32
    %dma_wait3A_374 = tpu.memref_slice %arg8[%dma_wait3A_370, %dma_wait3A_372, %dma_wait3A_373] : memref<8x16x128xf32, #tpu.memory_space<vmem>> -> memref<1x16x128xf32, #tpu.memory_space<vmem>>
    %dma_wait3A_375 = tpu.memref_squeeze %dma_wait3A_374 : memref<1x16x128xf32, #tpu.memory_space<vmem>> -> memref<16x128xf32, #tpu.memory_space<vmem>>
    %dma_wait3A_376 = arith.constant 0 : i32
    %dma_wait3A_377 = arith.constant 0 : i32
    %dma_wait3A_378 = tpu.memref_slice %arg5[%dma_wait3A_371, %dma_wait3A_376, %dma_wait3A_377] : memref<128x1500x256xf32, #tpu.memory_space<hbm>> -> memref<1x16x128xf32, #tpu.memory_space<hbm>>
    %dma_wait3A_379 = tpu.memref_squeeze %dma_wait3A_378 : memref<1x16x128xf32, #tpu.memory_space<hbm>> -> memref<16x128xf32, #tpu.memory_space<hbm>>
    %dma_wait3A_380 = arith.constant 0 : i32
    %dma_wait3A_381 = arith.constant 0 : i32
    %dma_wait3A_382 = tpu.memref_slice %arg5[%dma_wait3A_371, %dma_wait3A_380, %dma_wait3A_381] : memref<128x1500x256xf32, #tpu.memory_space<hbm>> -> memref<1x16x128xf32, #tpu.memory_space<hbm>>
    %dma_wait3A_383 = tpu.memref_squeeze %dma_wait3A_382 : memref<1x16x128xf32, #tpu.memory_space<hbm>> -> memref<16x128xf32, #tpu.memory_space<hbm>>
    %dma_wait3A_384 = arith.constant 0 : i32
    %dma_wait3A_385 = arith.constant 0 : i32
    %dma_wait3A_386 = tpu.memref_slice %arg8[%dma_wait3A_370, %dma_wait3A_384, %dma_wait3A_385] : memref<8x16x128xf32, #tpu.memory_space<vmem>> -> memref<1x16x128xf32, #tpu.memory_space<vmem>>
    %dma_wait3A_387 = tpu.memref_squeeze %dma_wait3A_386 : memref<1x16x128xf32, #tpu.memory_space<vmem>> -> memref<16x128xf32, #tpu.memory_space<vmem>>
    tpu.wait_dma2 semaphore(%arg12 : memref<!tpu.dma_semaphore, #tpu.memory_space<semaphore_mem>>) src(%dma_wait3A_387 : memref<16x128xf32, #tpu.memory_space<vmem>>) dst(%dma_wait3A_383 : memref<16x128xf32, #tpu.memory_space<hbm>>)
    %dma_wait3A_388 = arith.constant 3 : i32
    %dma_wait3A_389 = arith.constant 0 : i32
    %dma_wait3A_390 = arith.constant 0 : i32
    %dma_wait3A_391 = arith.constant 0 : i32
    %dma_wait3A_392 = tpu.memref_slice %arg8[%dma_wait3A_388, %dma_wait3A_390, %dma_wait3A_391] : memref<8x16x128xf32, #tpu.memory_space<vmem>> -> memref<1x16x128xf32, #tpu.memory_space<vmem>>
    %dma_wait3A_393 = tpu.memref_squeeze %dma_wait3A_392 : memref<1x16x128xf32, #tpu.memory_space<vmem>> -> memref<16x128xf32, #tpu.memory_space<vmem>>
    %dma_wait3A_394 = arith.constant 0 : i32
    %dma_wait3A_395 = arith.constant 0 : i32
    %dma_wait3A_396 = tpu.memref_slice %arg5[%dma_wait3A_389, %dma_wait3A_394, %dma_wait3A_395] : memref<128x1500x256xf32, #tpu.memory_space<hbm>> -> memref<1x16x128xf32, #tpu.memory_space<hbm>>
    %dma_wait3A_397 = tpu.memref_squeeze %dma_wait3A_396 : memref<1x16x128xf32, #tpu.memory_space<hbm>> -> memref<16x128xf32, #tpu.memory_space<hbm>>
    %dma_wait3A_398 = arith.constant 0 : i32
    %dma_wait3A_399 = arith.constant 0 : i32
    %dma_wait3A_400 = tpu.memref_slice %arg5[%dma_wait3A_389, %dma_wait3A_398, %dma_wait3A_399] : memref<128x1500x256xf32, #tpu.memory_space<hbm>> -> memref<1x16x128xf32, #tpu.memory_space<hbm>>
    %dma_wait3A_401 = tpu.memref_squeeze %dma_wait3A_400 : memref<1x16x128xf32, #tpu.memory_space<hbm>> -> memref<16x128xf32, #tpu.memory_space<hbm>>
    %dma_wait3A_402 = arith.constant 0 : i32
    %dma_wait3A_403 = arith.constant 0 : i32
    %dma_wait3A_404 = tpu.memref_slice %arg8[%dma_wait3A_388, %dma_wait3A_402, %dma_wait3A_403] : memref<8x16x128xf32, #tpu.memory_space<vmem>> -> memref<1x16x128xf32, #tpu.memory_space<vmem>>
    %dma_wait3A_405 = tpu.memref_squeeze %dma_wait3A_404 : memref<1x16x128xf32, #tpu.memory_space<vmem>> -> memref<16x128xf32, #tpu.memory_space<vmem>>
    tpu.wait_dma2 semaphore(%arg12 : memref<!tpu.dma_semaphore, #tpu.memory_space<semaphore_mem>>) src(%dma_wait3A_405 : memref<16x128xf32, #tpu.memory_space<vmem>>) dst(%dma_wait3A_401 : memref<16x128xf32, #tpu.memory_space<hbm>>)
    %dma_wait3A_406 = arith.constant 4 : i32
    %dma_wait3A_407 = arith.constant 0 : i32
    %dma_wait3A_408 = arith.constant 0 : i32
    %dma_wait3A_409 = arith.constant 0 : i32
    %dma_wait3A_410 = tpu.memref_slice %arg8[%dma_wait3A_406, %dma_wait3A_408, %dma_wait3A_409] : memref<8x16x128xf32, #tpu.memory_space<vmem>> -> memref<1x16x128xf32, #tpu.memory_space<vmem>>
    %dma_wait3A_411 = tpu.memref_squeeze %dma_wait3A_410 : memref<1x16x128xf32, #tpu.memory_space<vmem>> -> memref<16x128xf32, #tpu.memory_space<vmem>>
    %dma_wait3A_412 = arith.constant 0 : i32
    %dma_wait3A_413 = arith.constant 0 : i32
    %dma_wait3A_414 = tpu.memref_slice %arg5[%dma_wait3A_407, %dma_wait3A_412, %dma_wait3A_413] : memref<128x1500x256xf32, #tpu.memory_space<hbm>> -> memref<1x16x128xf32, #tpu.memory_space<hbm>>
    %dma_wait3A_415 = tpu.memref_squeeze %dma_wait3A_414 : memref<1x16x128xf32, #tpu.memory_space<hbm>> -> memref<16x128xf32, #tpu.memory_space<hbm>>
    %dma_wait3A_416 = arith.constant 0 : i32
    %dma_wait3A_417 = arith.constant 0 : i32
    %dma_wait3A_418 = tpu.memref_slice %arg5[%dma_wait3A_407, %dma_wait3A_416, %dma_wait3A_417] : memref<128x1500x256xf32, #tpu.memory_space<hbm>> -> memref<1x16x128xf32, #tpu.memory_space<hbm>>
    %dma_wait3A_419 = tpu.memref_squeeze %dma_wait3A_418 : memref<1x16x128xf32, #tpu.memory_space<hbm>> -> memref<16x128xf32, #tpu.memory_space<hbm>>
    %dma_wait3A_420 = arith.constant 0 : i32
    %dma_wait3A_421 = arith.constant 0 : i32
    %dma_wait3A_422 = tpu.memref_slice %arg8[%dma_wait3A_406, %dma_wait3A_420, %dma_wait3A_421] : memref<8x16x128xf32, #tpu.memory_space<vmem>> -> memref<1x16x128xf32, #tpu.memory_space<vmem>>
    %dma_wait3A_423 = tpu.memref_squeeze %dma_wait3A_422 : memref<1x16x128xf32, #tpu.memory_space<vmem>> -> memref<16x128xf32, #tpu.memory_space<vmem>>
    tpu.wait_dma2 semaphore(%arg12 : memref<!tpu.dma_semaphore, #tpu.memory_space<semaphore_mem>>) src(%dma_wait3A_423 : memref<16x128xf32, #tpu.memory_space<vmem>>) dst(%dma_wait3A_419 : memref<16x128xf32, #tpu.memory_space<hbm>>)
    %dma_wait3A_424 = arith.constant 5 : i32
    %dma_wait3A_425 = arith.constant 0 : i32
    %dma_wait3A_426 = arith.constant 0 : i32
    %dma_wait3A_427 = arith.constant 0 : i32
    %dma_wait3A_428 = tpu.memref_slice %arg8[%dma_wait3A_424, %dma_wait3A_426, %dma_wait3A_427] : memref<8x16x128xf32, #tpu.memory_space<vmem>> -> memref<1x16x128xf32, #tpu.memory_space<vmem>>
    %dma_wait3A_429 = tpu.memref_squeeze %dma_wait3A_428 : memref<1x16x128xf32, #tpu.memory_space<vmem>> -> memref<16x128xf32, #tpu.memory_space<vmem>>
    %dma_wait3A_430 = arith.constant 0 : i32
    %dma_wait3A_431 = arith.constant 0 : i32
    %dma_wait3A_432 = tpu.memref_slice %arg5[%dma_wait3A_425, %dma_wait3A_430, %dma_wait3A_431] : memref<128x1500x256xf32, #tpu.memory_space<hbm>> -> memref<1x16x128xf32, #tpu.memory_space<hbm>>
    %dma_wait3A_433 = tpu.memref_squeeze %dma_wait3A_432 : memref<1x16x128xf32, #tpu.memory_space<hbm>> -> memref<16x128xf32, #tpu.memory_space<hbm>>
    %dma_wait3A_434 = arith.constant 0 : i32
    %dma_wait3A_435 = arith.constant 0 : i32
    %dma_wait3A_436 = tpu.memref_slice %arg5[%dma_wait3A_425, %dma_wait3A_434, %dma_wait3A_435] : memref<128x1500x256xf32, #tpu.memory_space<hbm>> -> memref<1x16x128xf32, #tpu.memory_space<hbm>>
    %dma_wait3A_437 = tpu.memref_squeeze %dma_wait3A_436 : memref<1x16x128xf32, #tpu.memory_space<hbm>> -> memref<16x128xf32, #tpu.memory_space<hbm>>
    %dma_wait3A_438 = arith.constant 0 : i32
    %dma_wait3A_439 = arith.constant 0 : i32
    %dma_wait3A_440 = tpu.memref_slice %arg8[%dma_wait3A_424, %dma_wait3A_438, %dma_wait3A_439] : memref<8x16x128xf32, #tpu.memory_space<vmem>> -> memref<1x16x128xf32, #tpu.memory_space<vmem>>
    %dma_wait3A_441 = tpu.memref_squeeze %dma_wait3A_440 : memref<1x16x128xf32, #tpu.memory_space<vmem>> -> memref<16x128xf32, #tpu.memory_space<vmem>>
    tpu.wait_dma2 semaphore(%arg12 : memref<!tpu.dma_semaphore, #tpu.memory_space<semaphore_mem>>) src(%dma_wait3A_441 : memref<16x128xf32, #tpu.memory_space<vmem>>) dst(%dma_wait3A_437 : memref<16x128xf32, #tpu.memory_space<hbm>>)
    %dma_wait3A_442 = arith.constant 6 : i32
    %dma_wait3A_443 = arith.constant 0 : i32
    %dma_wait3A_444 = arith.constant 0 : i32
    %dma_wait3A_445 = arith.constant 0 : i32
    %dma_wait3A_446 = tpu.memref_slice %arg8[%dma_wait3A_442, %dma_wait3A_444, %dma_wait3A_445] : memref<8x16x128xf32, #tpu.memory_space<vmem>> -> memref<1x16x128xf32, #tpu.memory_space<vmem>>
    %dma_wait3A_447 = tpu.memref_squeeze %dma_wait3A_446 : memref<1x16x128xf32, #tpu.memory_space<vmem>> -> memref<16x128xf32, #tpu.memory_space<vmem>>
    %dma_wait3A_448 = arith.constant 0 : i32
    %dma_wait3A_449 = arith.constant 0 : i32
    %dma_wait3A_450 = tpu.memref_slice %arg5[%dma_wait3A_443, %dma_wait3A_448, %dma_wait3A_449] : memref<128x1500x256xf32, #tpu.memory_space<hbm>> -> memref<1x16x128xf32, #tpu.memory_space<hbm>>
    %dma_wait3A_451 = tpu.memref_squeeze %dma_wait3A_450 : memref<1x16x128xf32, #tpu.memory_space<hbm>> -> memref<16x128xf32, #tpu.memory_space<hbm>>
    %dma_wait3A_452 = arith.constant 0 : i32
    %dma_wait3A_453 = arith.constant 0 : i32
    %dma_wait3A_454 = tpu.memref_slice %arg5[%dma_wait3A_443, %dma_wait3A_452, %dma_wait3A_453] : memref<128x1500x256xf32, #tpu.memory_space<hbm>> -> memref<1x16x128xf32, #tpu.memory_space<hbm>>
    %dma_wait3A_455 = tpu.memref_squeeze %dma_wait3A_454 : memref<1x16x128xf32, #tpu.memory_space<hbm>> -> memref<16x128xf32, #tpu.memory_space<hbm>>
    %dma_wait3A_456 = arith.constant 0 : i32
    %dma_wait3A_457 = arith.constant 0 : i32
    %dma_wait3A_458 = tpu.memref_slice %arg8[%dma_wait3A_442, %dma_wait3A_456, %dma_wait3A_457] : memref<8x16x128xf32, #tpu.memory_space<vmem>> -> memref<1x16x128xf32, #tpu.memory_space<vmem>>
    %dma_wait3A_459 = tpu.memref_squeeze %dma_wait3A_458 : memref<1x16x128xf32, #tpu.memory_space<vmem>> -> memref<16x128xf32, #tpu.memory_space<vmem>>
    tpu.wait_dma2 semaphore(%arg12 : memref<!tpu.dma_semaphore, #tpu.memory_space<semaphore_mem>>) src(%dma_wait3A_459 : memref<16x128xf32, #tpu.memory_space<vmem>>) dst(%dma_wait3A_455 : memref<16x128xf32, #tpu.memory_space<hbm>>)
    %dma_wait3A_460 = arith.constant 7 : i32
    %dma_wait3A_461 = arith.constant 0 : i32
    %dma_wait3A_462 = arith.constant 0 : i32
    %dma_wait3A_463 = arith.constant 0 : i32
    %dma_wait3A_464 = tpu.memref_slice %arg8[%dma_wait3A_460, %dma_wait3A_462, %dma_wait3A_463] : memref<8x16x128xf32, #tpu.memory_space<vmem>> -> memref<1x16x128xf32, #tpu.memory_space<vmem>>
    %dma_wait3A_465 = tpu.memref_squeeze %dma_wait3A_464 : memref<1x16x128xf32, #tpu.memory_space<vmem>> -> memref<16x128xf32, #tpu.memory_space<vmem>>
    %dma_wait3A_466 = arith.constant 0 : i32
    %dma_wait3A_467 = arith.constant 0 : i32
    %dma_wait3A_468 = tpu.memref_slice %arg5[%dma_wait3A_461, %dma_wait3A_466, %dma_wait3A_467] : memref<128x1500x256xf32, #tpu.memory_space<hbm>> -> memref<1x16x128xf32, #tpu.memory_space<hbm>>
    %dma_wait3A_469 = tpu.memref_squeeze %dma_wait3A_468 : memref<1x16x128xf32, #tpu.memory_space<hbm>> -> memref<16x128xf32, #tpu.memory_space<hbm>>
    %dma_wait3A_470 = arith.constant 0 : i32
    %dma_wait3A_471 = arith.constant 0 : i32
    %dma_wait3A_472 = tpu.memref_slice %arg5[%dma_wait3A_461, %dma_wait3A_470, %dma_wait3A_471] : memref<128x1500x256xf32, #tpu.memory_space<hbm>> -> memref<1x16x128xf32, #tpu.memory_space<hbm>>
    %dma_wait3A_473 = tpu.memref_squeeze %dma_wait3A_472 : memref<1x16x128xf32, #tpu.memory_space<hbm>> -> memref<16x128xf32, #tpu.memory_space<hbm>>
    %dma_wait3A_474 = arith.constant 0 : i32
    %dma_wait3A_475 = arith.constant 0 : i32
    %dma_wait3A_476 = tpu.memref_slice %arg8[%dma_wait3A_460, %dma_wait3A_474, %dma_wait3A_475] : memref<8x16x128xf32, #tpu.memory_space<vmem>> -> memref<1x16x128xf32, #tpu.memory_space<vmem>>
    %dma_wait3A_477 = tpu.memref_squeeze %dma_wait3A_476 : memref<1x16x128xf32, #tpu.memory_space<vmem>> -> memref<16x128xf32, #tpu.memory_space<vmem>>
    tpu.wait_dma2 semaphore(%arg12 : memref<!tpu.dma_semaphore, #tpu.memory_space<semaphore_mem>>) src(%dma_wait3A_477 : memref<16x128xf32, #tpu.memory_space<vmem>>) dst(%dma_wait3A_473 : memref<16x128xf32, #tpu.memory_space<hbm>>)
    return
  }
}

module attributes {stable_mosaic.version = 14 : i64} {
  func.func @_tc_tail_body(%arg0: memref<1x1536xi32, #tpu.memory_space<vmem>>, %arg1: memref<256x256xf32, #tpu.memory_space<vmem>>, %arg2: memref<12x256xf32, #tpu.memory_space<vmem>>, %arg3: memref<128x1500x256xf32, #tpu.memory_space<any>>, %arg4: memref<128x1500x256xf32, #tpu.memory_space<any>>, %arg5: memref<128x12x256xf32, #tpu.memory_space<vmem>>, %arg6: memref<!tpu.dma_semaphore, #tpu.memory_space<semaphore_mem>>) attributes {dimension_semantics = [], scalar_prefetch = 0 : i64, scratch_operands = 2 : i64, tpu.core_type = #tpu.core_type<tc>} {
    %get3A = arith.constant 0 : index
    %get3A_0 = arith.constant 0 : index
    %get3A_1 = vector.load %arg1[%get3A, %get3A_0] : memref<256x256xf32, #tpu.memory_space<vmem>>, vector<256x256xf32>
    %get3A_2 = arith.constant 0 : index
    %get3A_3 = arith.constant 0 : index
    %get3A_4 = vector.load %arg2[%get3A_2, %get3A_3] : memref<12x256xf32, #tpu.memory_space<vmem>>, vector<12x256xf32>
    %get3A_5 = arith.constant 0 : index
    %get3A_6 = arith.constant 0 : index
    %get3A_7 = vector.load %arg0[%get3A_5, %get3A_6] : memref<1x1536xi32, #tpu.memory_space<vmem>>, vector<1x1536xi32>
    %get3A_8 = vector.shape_cast %get3A_7 : vector<1x1536xi32> to vector<1536xi32>
    %broadcast_in_dim3A = vector.shape_cast %get3A_8 : vector<1536xi32> to vector<1536x1xi32>
    %iota3A = tpu.iota {dimensions = array<i32: 1>} : vector<1536x256xi32>
    %eq3A = vector.broadcast %broadcast_in_dim3A : vector<1536x1xi32> to vector<1536x256xi32>
    %eq3A_9 = arith.cmpi eq, %eq3A, %iota3A : vector<1536x256xi32>
    %convert_element_type3A = arith.extui %eq3A_9 : vector<1536x256xi1> to vector<1536x256xi32>
    %convert_element_type3A_10 = arith.sitofp %convert_element_type3A : vector<1536x256xi32> to vector<1536x256xf32>
    %dot_general3A = arith.constant dense<0.000000e+00> : vector<1536x256xf32>
    %dot_general3A_11 = tpu.matmul %convert_element_type3A_10, %get3A_1, %dot_general3A {dimension_numbers = #tpu.dot_dimension_numbers<[1], [0], [0], [1], [0, 0, 1, 1], [], []>, precision = #tpu.contract_precision<fp32>, transpose_lhs_hint = false} : vector<1536x256xf32>, vector<256x256xf32>, vector<1536x256xf32> -> vector<1536x256xf32>
    %mul3A = arith.constant 1.600000e+01 : f32
    %mul3A_12 = vector.broadcast %mul3A : f32 to vector<1536x256xf32>
    %mul3A_13 = arith.mulf %dot_general3A_11, %mul3A_12 : vector<1536x256xf32>
    %tile3A = tpu.concatenate %get3A_4, %get3A_4, %get3A_4, %get3A_4, %get3A_4, %get3A_4, %get3A_4, %get3A_4, %get3A_4, %get3A_4, %get3A_4, %get3A_4, %get3A_4, %get3A_4, %get3A_4, %get3A_4, %get3A_4, %get3A_4, %get3A_4, %get3A_4, %get3A_4, %get3A_4, %get3A_4, %get3A_4, %get3A_4, %get3A_4, %get3A_4, %get3A_4, %get3A_4, %get3A_4, %get3A_4, %get3A_4, %get3A_4, %get3A_4, %get3A_4, %get3A_4, %get3A_4, %get3A_4, %get3A_4, %get3A_4, %get3A_4, %get3A_4, %get3A_4, %get3A_4, %get3A_4, %get3A_4, %get3A_4, %get3A_4, %get3A_4, %get3A_4, %get3A_4, %get3A_4, %get3A_4, %get3A_4, %get3A_4, %get3A_4, %get3A_4, %get3A_4, %get3A_4, %get3A_4, %get3A_4, %get3A_4, %get3A_4, %get3A_4, %get3A_4, %get3A_4, %get3A_4, %get3A_4, %get3A_4, %get3A_4, %get3A_4, %get3A_4, %get3A_4, %get3A_4, %get3A_4, %get3A_4, %get3A_4, %get3A_4, %get3A_4, %get3A_4, %get3A_4, %get3A_4, %get3A_4, %get3A_4, %get3A_4, %get3A_4, %get3A_4, %get3A_4, %get3A_4, %get3A_4, %get3A_4, %get3A_4, %get3A_4, %get3A_4, %get3A_4, %get3A_4, %get3A_4, %get3A_4, %get3A_4, %get3A_4, %get3A_4, %get3A_4, %get3A_4, %get3A_4, %get3A_4, %get3A_4, %get3A_4, %get3A_4, %get3A_4, %get3A_4, %get3A_4, %get3A_4, %get3A_4, %get3A_4, %get3A_4, %get3A_4, %get3A_4, %get3A_4, %get3A_4, %get3A_4, %get3A_4, %get3A_4, %get3A_4, %get3A_4, %get3A_4, %get3A_4, %get3A_4, %get3A_4 in 0 : vector<12x256xf32>, vector<12x256xf32>, vector<12x256xf32>, vector<12x256xf32>, vector<12x256xf32>, vector<12x256xf32>, vector<12x256xf32>, vector<12x256xf32>, vector<12x256xf32>, vector<12x256xf32>, vector<12x256xf32>, vector<12x256xf32>, vector<12x256xf32>, vector<12x256xf32>, vector<12x256xf32>, vector<12x256xf32>, vector<12x256xf32>, vector<12x256xf32>, vector<12x256xf32>, vector<12x256xf32>, vector<12x256xf32>, vector<12x256xf32>, vector<12x256xf32>, vector<12x256xf32>, vector<12x256xf32>, vector<12x256xf32>, vector<12x256xf32>, vector<12x256xf32>, vector<12x256xf32>, vector<12x256xf32>, vector<12x256xf32>, vector<12x256xf32>, vector<12x256xf32>, vector<12x256xf32>, vector<12x256xf32>, vector<12x256xf32>, vector<12x256xf32>, vector<12x256xf32>, vector<12x256xf32>, vector<12x256xf32>, vector<12x256xf32>, vector<12x256xf32>, vector<12x256xf32>, vector<12x256xf32>, vector<12x256xf32>, vector<12x256xf32>, vector<12x256xf32>, vector<12x256xf32>, vector<12x256xf32>, vector<12x256xf32>, vector<12x256xf32>, vector<12x256xf32>, vector<12x256xf32>, vector<12x256xf32>, vector<12x256xf32>, vector<12x256xf32>, vector<12x256xf32>, vector<12x256xf32>, vector<12x256xf32>, vector<12x256xf32>, vector<12x256xf32>, vector<12x256xf32>, vector<12x256xf32>, vector<12x256xf32>, vector<12x256xf32>, vector<12x256xf32>, vector<12x256xf32>, vector<12x256xf32>, vector<12x256xf32>, vector<12x256xf32>, vector<12x256xf32>, vector<12x256xf32>, vector<12x256xf32>, vector<12x256xf32>, vector<12x256xf32>, vector<12x256xf32>, vector<12x256xf32>, vector<12x256xf32>, vector<12x256xf32>, vector<12x256xf32>, vector<12x256xf32>, vector<12x256xf32>, vector<12x256xf32>, vector<12x256xf32>, vector<12x256xf32>, vector<12x256xf32>, vector<12x256xf32>, vector<12x256xf32>, vector<12x256xf32>, vector<12x256xf32>, vector<12x256xf32>, vector<12x256xf32>, vector<12x256xf32>, vector<12x256xf32>, vector<12x256xf32>, vector<12x256xf32>, vector<12x256xf32>, vector<12x256xf32>, vector<12x256xf32>, vector<12x256xf32>, vector<12x256xf32>, vector<12x256xf32>, vector<12x256xf32>, vector<12x256xf32>, vector<12x256xf32>, vector<12x256xf32>, vector<12x256xf32>, vector<12x256xf32>, vector<12x256xf32>, vector<12x256xf32>, vector<12x256xf32>, vector<12x256xf32>, vector<12x256xf32>, vector<12x256xf32>, vector<12x256xf32>, vector<12x256xf32>, vector<12x256xf32>, vector<12x256xf32>, vector<12x256xf32>, vector<12x256xf32>, vector<12x256xf32>, vector<12x256xf32>, vector<12x256xf32>, vector<12x256xf32>, vector<12x256xf32>, vector<12x256xf32>, vector<12x256xf32>, vector<12x256xf32> -> vector<1536x256xf32>
    %add3A = arith.addf %mul3A_13, %tile3A : vector<1536x256xf32>
    %reshape3A = vector.shape_cast %add3A : vector<1536x256xf32> to vector<128x12x256xf32>
    %swap3A = arith.constant 0 : index
    %swap3A_14 = arith.constant 0 : index
    %swap3A_15 = arith.constant 0 : index
    %swap3A_16 = vector.load %arg5[%swap3A, %swap3A_14, %swap3A_15] : memref<128x12x256xf32, #tpu.memory_space<vmem>>, vector<128x12x256xf32>
    tpu.vector_store %arg5[%swap3A, %swap3A_14, %swap3A_15], %reshape3A {strides = array<i32>} : memref<128x12x256xf32, #tpu.memory_space<vmem>>, vector<128x12x256xf32>,
    %dma_start3A = arith.constant 0 : i32
    %dma_start3A_17 = arith.constant 1488 : i32
    %dma_start3A_18 = arith.constant 0 : i32
    %dma_start3A_19 = tpu.memref_slice %arg4[%dma_start3A, %dma_start3A_17, %dma_start3A_18] : memref<128x1500x256xf32, #tpu.memory_space<any>> -> memref<128x12x256xf32, #tpu.memory_space<any>>
    tpu.enqueue_dma source(%arg5 : memref<128x12x256xf32, #tpu.memory_space<vmem>>) target(%dma_start3A_19 : memref<128x12x256xf32, #tpu.memory_space<any>>) target_semaphore(%arg6 : memref<!tpu.dma_semaphore, #tpu.memory_space<semaphore_mem>>)
    %dma_wait3A = arith.constant 0 : i32
    %dma_wait3A_20 = arith.constant 1488 : i32
    %dma_wait3A_21 = arith.constant 0 : i32
    %dma_wait3A_22 = tpu.memref_slice %arg4[%dma_wait3A, %dma_wait3A_20, %dma_wait3A_21] : memref<128x1500x256xf32, #tpu.memory_space<any>> -> memref<128x12x256xf32, #tpu.memory_space<any>>
    tpu.wait_dma2 semaphore(%arg6 : memref<!tpu.dma_semaphore, #tpu.memory_space<semaphore_mem>>) src(%arg5 : memref<128x12x256xf32, #tpu.memory_space<vmem>>) dst(%dma_wait3A_22 : memref<128x12x256xf32, #tpu.memory_space<any>>)
    return
  }
}

</mosaic_0001>

<sc_bundles>
// kernel: _impl.4.cloned.1.call-start
scs
__scs_entry_jumppad:
0x0: {  	(pc) =	sbr.rel $0x88, $3  }
0x1: {  	(tag) =	ssettag $0x0;
	lr =	simm.s32 $0x1  }
0x2: {  	[smem:$0x3F9F] =	sst lr;
	_ =	strace $0xD0000000  }
0x3: {  	_ = 	snop  }
0x4: {  	_ = 	snop  }
0x5: {  	_ = 	snop  }
0x6: {  	_ = 	snop  }
0x7: {  	_ = 	snop  }
__scs_overlays_trampoline_lowered:
0x8: {  	[smem:$0x3FAE] =	sst s0  }
0x9: {  	[smem:$0x3FAF] =	sst s1  }
0xa: {  	[smem:$0x3FB0] =	sst s2  }
0xb: {  	[smem:$0x3FB1] =	sst s3  }
0xc: {  	[smem:$0x3FB2] =	sst s4  }
0xd: {  	[smem:$0x3FB3] =	sst s5  }
0xe: {  	[smem:$0x3FB4] =	sst s6  }
0xf: {  	[smem:$0x3FB5] =	sst s7  }
0x10: {  	[smem:$0x3FB6] =	sst s8  }
0x11: {  	[smem:$0x3FB7] =	sst s9;
	s0 =	simm.s32 @!p0 $0x0  }
0x12: {  	s1 =	sld [smem:$0x3F9D];
	s0 =	simm.s32 @p0 $0x1  }
0x13: {  	[smem:$0x3FB8] =	sst s0;
	s0 =	simm.s32 @!p1 $0x0  }
0x14: {  	s2 =	sld [smem:$0x3F9C];
	s0 =	simm.s32 @p1 $0x1  }
0x15: {  	[smem:$0x3FB9] =	sst s0;
	s0 =	simm.s32 @!p2 $0x0  }
0x16: {  	s3 =	sld [smem:$0x3FDB];
	s0 =	simm.s32 @p2 $0x1  }
0x17: {  	s4 =	simm.s32 $0x1BF5;
	[smem:$0x3FBB] =	sst s0  }
0x18: {  	s0 =	sld [smem:$0x3F9E];
	_ =	swait.ge [sflag:s4], $0x0  }
0x19: {  	s7 =	sld [smem:$0x3F9F]  }
0x1a: {  	s8 =	sadd.s32 $0xFFFFE003, lr  }
0x1b: {  	s9 =	sadd.s32 $0xFFFFFEF7, lr;
	s5 =	simm.s32 $0xFFFFFFFF;
	p2 =	slt.u32 s8, $0xFFFFF086  }
0x1c: {  	p1 =	slt.u32 s9, $0xF7A;
	s5 =	simm.s32 @!p2 $0x0  }
0x1d: {  	s5 =	simm.s32 @p1 $0x1;
	p0 =	seq.s32 s7, s2  }
0x1e: {  	s7 =	smul.u32 @!p0 $0xF7A, s2;
	p2 =	seq.s32 @!p0 s5, $0x0  }
0x1f: {  	s9 =	smul.u32 $0xF7A, s1;
	s8 =	simm.s32 @!p0 $0x1BF5;
	p2 =	por !p2, p0  }
0x20: {  	[sflag:s8] =	ssyncset.s32 @!p0 $0xFFFFF086;
	s6 =	sadd.s32 @!p0 s3, s7;
	s7 =	simm.s32 @!p0 $0x108  }
0x21: {  	s3 =	sadd.s32 s3, s9;
	s6 =	sadd.s32 @!p0 $0x88, s6;
	s7 =	simm.s32 @p2 $0x1082  }
0x22: {  	[simem:s7], [sflag:s8] =	dma.local @!p0 [hbm:s6], $0xF7A  }
0x23: {  	s9 =	sor.u32 $0xD0000000, s2;
	s6 =	simm.s32 $0x108;
	_ =	swait.ge @!p0 [sflag:s8], $0x0  }
0x24: {  	s3 =	sadd.s32 $0x88, s3;
	s6 =	simm.s32 @!p1 $0x1082;
	[sflag:s4] =	ssyncset.s32 $0xFFFFF086  }
0x25: {  	[simem:s6], [sflag:s4] =	dma.local [hbm:s3], $0xF7A  }
0x26: {  	[smem:$0x3F9F] =	sst s1;
	(tag) =	ssettag s2;
	_ =	strace s9  }
0x27: {  	s1 =	sld [smem:$0x3FAF]  }
0x28: {  	s2 =	sld [smem:$0x3FB0]  }
0x29: {  	s4 =	sld [smem:$0x3FB2]  }
0x2a: {  	p0 =	seq.s32 s5, $0x0;
	s5 =	sld [smem:$0x3FB3]  }
0x2b: {  	s6 =	sld [smem:$0x3FB4]  }
0x2c: {  	s7 =	sld [smem:$0x3FB5]  }
0x2d: {  	s3 =	simm.s32 $0x108;
	s8 =	sld [smem:$0x3FB6]  }
0x2e: {  	s3 =	simm.s32 @!p0 $0x1082;
	s9 =	sld [smem:$0x3FB7]  }
0x2f: {  	lr =	sadd.s32 s0, s3;
	s0 =	sld [smem:$0x3FAE]  }
0x30: {  	s3 =	sld [smem:$0x3FB1]  }
0x31: {  	[smem:$0x3FBA] =	sst s10  }
0x32: {  	s10 =	sld [smem:$0x3FB8];
	_ =	sdelay $0x3  }
0x33: {  	p0 =	seq.s32 s10, $0x1;
	s10 =	sld [smem:$0x3FBA];
	_ =	sdelay $0x3  }
0x34: {  	[smem:$0x3FBA] =	sst s10  }
0x35: {  	s10 =	sld [smem:$0x3FB9];
	_ =	sdelay $0x3  }
0x36: {  	p1 =	seq.s32 s10, $0x1;
	s10 =	sld [smem:$0x3FBA];
	_ =	sdelay $0x3  }
0x37: {  	[smem:$0x3FBA] =	sst s10  }
0x38: {  	s10 =	sld [smem:$0x3FBB]  }
0x39: {  	_ = 	snop;
	(pc) =	sbr.ind lr, $3  }
0x3a: {  	_ = 	snop  }
0x3b: {  	_ = 	snop  }
0x3c: {  	p2 =	seq.s32 s10, $0x1;
	s10 =	sld [smem:$0x3FBA]  }
0x3d: {  	_ =	shalt  }
0x3e: {  	_ =	shalt  }
0x3f: {  	_ =	shalt  }
0x40: {  	_ =	shalt  }
0x41: {  	_ =	shalt  }
0x42: {  	_ =	shalt  }
0x43: {  	_ =	shalt  }
0x44: {  	_ =	shalt  }
0x45: {  	_ =	shalt  }
0x46: {  	_ =	shalt  }
0x47: {  	_ =	shalt  }
0x48: {  	_ =	shalt  }
0x49: {  	_ =	shalt  }
0x4a: {  	_ =	shalt  }
0x4b: {  	_ =	shalt  }
0x4c: {  	_ =	shalt  }
0x4d: {  	_ =	shalt  }
0x4e: {  	_ =	shalt  }
0x4f: {  	_ =	shalt  }
0x50: {  	_ =	shalt  }
0x51: {  	_ =	shalt  }
0x52: {  	_ =	shalt  }
0x53: {  	_ =	shalt  }
0x54: {  	_ =	shalt  }
0x55: {  	_ =	shalt  }
0x56: {  	_ =	shalt  }
0x57: {  	_ =	shalt  }
0x58: {  	_ =	shalt  }
0x59: {  	_ =	shalt  }
0x5a: {  	_ =	shalt  }
0x5b: {  	_ =	shalt  }
0x5c: {  	_ =	shalt  }
0x5d: {  	_ =	shalt  }
0x5e: {  	_ =	shalt  }
0x5f: {  	_ =	shalt  }
0x60: {  	_ =	shalt  }
0x61: {  	_ =	shalt  }
0x62: {  	_ =	shalt  }
0x63: {  	_ =	shalt  }
0x64: {  	_ =	shalt  }
0x65: {  	_ =	shalt  }
0x66: {  	_ =	shalt  }
0x67: {  	_ =	shalt  }
0x68: {  	_ =	shalt  }
0x69: {  	_ =	shalt  }
0x6a: {  	_ =	shalt  }
0x6b: {  	_ =	shalt  }
0x6c: {  	_ =	shalt  }
0x6d: {  	_ =	shalt  }
0x6e: {  	_ =	shalt  }
0x6f: {  	_ =	shalt  }
0x70: {  	_ =	shalt  }
0x71: {  	_ =	shalt  }
0x72: {  	_ =	shalt  }
0x73: {  	_ =	shalt  }
0x74: {  	_ =	shalt  }
0x75: {  	_ =	shalt  }
0x76: {  	_ =	shalt  }
0x77: {  	_ =	shalt  }
0x78: {  	_ =	shalt  }
0x79: {  	_ =	shalt  }
0x7a: {  	_ =	shalt  }
0x7b: {  	_ =	shalt  }
0x7c: {  	_ =	shalt  }
0x7d: {  	_ =	shalt  }
0x7e: {  	_ =	shalt  }
0x7f: {  	_ =	shalt  }
0x80: {  	_ =	shalt  }
0x81: {  	_ =	shalt  }
0x82: {  	_ =	shalt  }
0x83: {  	_ =	shalt  }
0x84: {  	_ =	shalt  }
0x85: {  	_ =	shalt  }
0x86: {  	_ =	shalt  }
0x87: {  	_ =	shalt  }
.Lfunc_end0:
.L_simem_size_0:
called_computation_lowered:
.L_overlay_start_0:
0x88: {  	s2 =	sld [smem:$0x3FD9]  }
0x89: {  	s3 =	sld [smem:$0x3FFE];
	_ =	sdelay $0x1  }
0x8a: {  	s1 =	srdreg.scid  }
0x8b: {  	s0 =	sand.u32 $0x1, s1  }
0x8c: {  	s17 =	sshll.u32 s0, $0xA;
	s2 =	sadd.s32 s3, s2  }
0x8d: {  	s2 =	sadd.s32 s2, s17  }
0x8e: {  	[smem:$0x3FC6] =	sst s2  }
0x8f: {  	_ = 	snop  }
0x90: {  	s2 =	sld [smem:$0x3FC8]  }
0x91: {  	s18 =	sld [smem:$0x3FD0];
	(tm) =	ssettm $0x1  }
0x92: {  	s4 =	sld [smem:$0x3FFB];
	_ =	sdelay $0x3  }
0x93: {  	_ =	strace s4  }
0x94: {  	s4 =	sld [smem:$0x3FFC];
	_ =	sdelay $0x3  }
0x95: {  	_ =	strace s4  }
0x96: {  	s4 =	sld [smem:$0x3FFD];
	_ =	sdelay $0x3  }
0x97: {  	_ =	strace s4  }
0x98: {  	_ =	strace $0x8FFFFFFF  }
0x99: {  	s19 =	sld [smem:$0x3FDB];
	_ =	sdelay $0x1  }
0x9a: {  	s5 =	simm.s32 $_scs_section_size  }
0x9b: {  	s6 =	simm.s32 $_size__tile_overlayer_lowered;
	s7 =	simm.s32 $_tile_overlayer_lowered  }
0x9c: {  	s22 =	simm.s32 $0x1BFF;
	s21 =	sshll.u32 s7, $0x1;
	s4 =	sadd.s32 s5, s19  }
0x9d: {  	s8 =	simm.s32 $0x0;
	s20 =	sshll.u32 s6, $0x1;
	s6 =	sadd.s32 s21, s4  }
0x9e: {  	[timem:s8], [sflag:s22] =	dma.local [hbm:s6], s20  }
0x9f: {  	_ =	swait.ge [sflag:s22], s20  }
0xa0: {  	s5 =	ssub.s32 $0x0, s20;
	[sflag:s22] =	ssyncset.done $0x0  }
0xa1: {  	[sflag:s22] =	ssyncadd.s32 s5;
	_ =	sdelay $0x1  }
0xa2: {  	s23 =	simm.s32 $0x1B8B  }
0xa3: {  	_ =	swait.ge [sflag:s23], $0x1  }
0xa4: {  	[sflag:s23] =	ssyncset.done $0x0  }
0xa5: {  	s25 =	simm.s32 $0x1B8E;
	s24 =	sld [smem:$0x3FFE];
	[sflag:s23] =	ssyncadd.s32 $0xFFFFFFFF  }
0xa6: {  	s26 =	simm.s32 $execute0_lowered;
	[smem:$0x3FD2] =	sst s25  }
0xa7: {  	s6 =	sshll.u32 s26, $0x1;
	_ =	strace $0x80000046;
	[dreg:$0x1] =	wrdreg $0xFFFFFFFF  }
0xa8: {  	s28 =	simm.s32 $_size_execute0_lowered;
	s4 =	sadd.s32 s4, s6;
	[dreg:$0x0] =	wrdreg $0x0  }
0xa9: {  	s6 =	sshll.u32 s28, $0x1;
	[dreg:$0x2] =	wrdreg s4  }
0xaa: {  	[dreg:$0x3] =	wrdreg s6  }
0xab: {  	[dreg:$0x4] =	wrdreg $0xC0  }
0xac: {  	_ =	task [dreg:s8], $0x5FFFF  }
0xad: {  	[dreg:$0x1] =	wrdreg $0xFFFFFFFF  }
0xae: {  	[dreg:$0x0] =	wrdreg $0x60  }
0xaf: {  	[dreg:$0x2] =	wrdreg s24  }
0xb0: {  	[dreg:$0x3] =	wrdreg s2  }
0xb1: {  	[dreg:$0x4] =	wrdreg s18  }
0xb2: {  	[dreg:$0x5] =	wrdreg $0x9  }
0xb3: {  	_ =	task.clear_ibuf [dreg:s8], $0x6FFFF;
	_ =	strace $0x90000046  }
0xb4: {  	s29 =	simm.s32 $0x9;
	_ =	strace $0x80000048  }
0xb5: {  	_ =	swait.ge [sflag:s29], $0x1  }
0xb6: {  	[sflag:s29] =	ssyncadd.s32 $0xFFFFFFFF  }
0xb7: {  	_ =	strace $0x90000048  }
0xb8: {  	_ =	sfence  }
0xb9: {  	s30 =	sld [smem:$0x0];
	_ =	sdelay $0x2  }
0xba: {  	s31 =	sshll.u32 s1, $0xD;
	s1 =	sshrl.u32 s1, $0x2  }
0xbb: {  	s3 =	sand.u32 $0x4000, s31;
	s1 =	sadd.s32 s1, s30  }
0xbc: {  	s0 =	sor.u32 s3, s0;
	s1 =	sshll.u32 s1, $0x11  }
0xbd: {  	s0 =	sor.u32 s1, s0  }
0xbe: {  	s0 =	sadd.s32 $0x8F2B, s0  }
0xbf: {  	[sflag:s0] =	ssyncadd.remote.s32 $0x1  }
0xc0: {  	_ =	sfence.sel $0xFFFF  }
0xc1: {  	[dreg:$0x0] =	wrdreg $0xFFFFFFFF;
	(pc) =	sbr.abs _section_cstart, $3  }
0xc2: {  	[dreg:$0x1] =	wrdreg $0xFFFFFFFF  }
0xc3: {  	_ =	task.clear_ibuf [dreg:s8], $0x2FFFF;
	_ =	strace $0x9FFFFFFF  }
0xc4: {  	(tm) =	ssettm $0x7FFFFFFF  }
0xc5: {  	_ =	shalt  }
tec
execute0_lowered:
.L_overlay_start_1:
0x0: {  	(tag) =	ssettag $0x1  }
0x1: {  	s0 =	rddreg [dreg:$0x0]  }
0x2: {  	s1 =	rddreg [dreg:$0x1]  }
0x3: {  	s8 =	rddreg [dreg:$0x2];
	s3 =	simm.s32 $0x0  }
0x4: {  	s5 =	stileid.u32;
	s2 =	srdreg.scid;
	s30 =	simm.s32 $0x400  }
0x5: {  	s31 =	simm.s32 $0x800;
	[smem:$0x7FF] =	sst s3;
	s28 =	smul.u32 $0x600, s5  }
0x6: {  	s2 =	sand.u32 $0x1, s2;
	s6 =	smul.u32 $0x2F0000, s5;
	s5 =	sadd.s32 $0x6C00, s0  }
0x7: {  	_ =	strace $0x80000047;
	s4 =	ssub.s32 $0x2, s2;
	s9 =	sshll.u32 s2, $0xA  }
0x8: {  	s2 =	sshll.u32 s2, $0x7;
	s3 =	sadd.s32 s28, s0;
	s7 =	sshrl.u32 s4, $0x1  }
0x9: {  	s1 =	sadd.s32 s1, s2;
	s12 =	sadd.s32 s8, s2;
	[dreg:$0x4] =	wrdreg s9  }
0xa: {  	s29 =	ssub.s32 s4, s7;
	s7 =	sor.u32 s9, s6;
	[dreg:$0x6] =	wrdreg s1  }
0xb: {  	s3 =	sadd.s32 $0xC00, s3;
	[dreg:$0x7] =	wrdreg s12;
	s28 =	sadd.s32 $0x200, s12  }
0xc: {  	[dreg:$0x5] =	wrdreg s3;
	s10 =	sadd.s32 $0x5E000, s7;
	s11 =	sshrl.u32 s7, $0x3  }
0xd: {  	s16 =	sadd.s32 $0xBC000, s7;
	s17 =	sadd.s32 $0x11A000, s7;
	s18 =	sadd.s32 $0x178000, s7  }
0xe: {  	s22 =	sadd.s32 $0x1D6000, s7;
	s23 =	sadd.s32 $0x234000, s7;
	s13 =	smov.u32 s7  }
0xf: {  	s24 =	sadd.s32 $0x292000, s7;
	s0 =	smax.u32 s29, $0x1;
	[dreg:$0x12] =	wrdreg s28  }
0x10: {  	s29 =	sor.u32 $0x3000, s9;
	[dreg:$0xd] =	wrdreg s10;
	s3 =	sshrl.u32 s10, $0x3  }
0x11: {  	s1 =	sadd.s32 s5, s11;
	s14 =	smov.u32 s16;
	s2 =	sshrl.u32 s17, $0x3  }
0x12: {  	s19 =	smov.u32 s18;
	s6 =	smov.u32 s24;
	[dreg:$0x11] =	wrdreg s0  }
0x13: {  	[dreg:$0x13] =	wrdreg s29;
	s0 =	simm.s32 $0x3000;
	s10 =	simm.s32 $0x1  }
0x14: {  	[dreg:$0x8] =	wrdreg s1;
	s15 =	sadd.s32 s5, s3;
	s1 =	sshrl.u32 s16, $0x3  }
0x15: {  	s3 =	sshrl.u32 s18, $0x3;
	s20 =	sadd.s32 s5, s2;
	[dreg:$0x9] =	wrdreg s15  }
0x16: {  	s2 =	sshrl.u32 s23, $0x3;
	s1 =	sadd.s32 s5, s1;
	[dreg:$0xb] =	wrdreg s20  }
0x17: {  	s15 =	smov.u32 s17;
	s21 =	sadd.s32 s5, s3;
	[dreg:$0xa] =	wrdreg s1  }
0x18: {  	v0 =	vlaneseq.u32;
	s3 =	sshrl.u32 s24, $0x3;
	s25 =	sadd.s32 s5, s2;
	[dreg:$0xc] =	wrdreg s21  }
0x19: {  	v1 =	vor.u32 $0x10, v0;
	s1 =	sshrl.u32 s22, $0x3;
	[dreg:$0xf] =	wrdreg s25;
	s26 =	sadd.s32 s5, s3  }
0x1a: {  	v2 =	vor.u32 $0x20, v0;
	v3 =	vor.u32 $0x30, v0;
	v4 =	vor.u32 $0x40, v0;
	s20 =	smov.u32 s22;
	s1 =	sadd.s32 s5, s1;
	[dreg:$0x10] =	wrdreg s26  }
0x1b: {  	v5 =	vor.u32 $0x50, v0;
	v6 =	vor.u32 $0x60, v0;
	v7 =	vor.u32 $0x70, v0;
	s2 =	simm.s32 $0x0;
	s21 =	smov.u32 s23;
	[dreg:$0xe] =	wrdreg s1  }
.LBB2_1:
0x1c: {  	[dreg:$0x14] =	wrdreg s2  }
0x1d: {  	s1 =	simm.s32 $0x0;
	s28 =	rddreg [dreg:$0x5];
	s3 =	simm.s32 $0x5  }
0x1e: {  	[tilespmem:s1], [sflag:$0x5] =	stream.linear.gather [hbm4b:s28+s1], $0x3000, $0x38;
	[tilespmem:$0x14000] =	vst v63  }
0x1f: {  	_ =	swait.ge [sflag:s3], $0x3000  }
0x20: {  	[sflag:s3] =	ssyncset.done $0x0  }
0x21: {  	s29 =	rddreg [dreg:$0x6];
	[sflag:s3] =	ssyncadd.s32 $0xFFFFD000  }
0x22: {  	[tilespmem:s0], [sflag:$0x5] =	stream.strided.gather [hbm4b:s29+s30], $0x8000, s31, s30, $0x38;
	[tilespmem:$0x14000] =	vst v63  }
0x23: {  	_ =	swait.ge [sflag:s3], $0x8000  }
0x24: {  	[sflag:s3] =	ssyncset.done $0x0  }
0x25: {  	s4 =	simm.s32 $0x13000;
	[sflag:s3] =	ssyncadd.s32 $0xFFFF8000;
	s3 =	rddreg [dreg:$0x7]  }
0x26: {  	[tilespmem:s4], [sflag:$0x3] =	stream.strided.gather [hbm4b:s3+s30], $0x800, s31, s30, $0x38;
	[tilespmem:$0x14000] =	vst v63  }
0x27: {  	s8 =	simm.s32 $0x13800;
	s9 =	simm.s32 $0x3;
	s7 =	rddreg [dreg:$0x12]  }
0x28: {  	[tilespmem:s8], [sflag:$0x4] =	stream.strided.gather [hbm4b:s7+s30], $0x800, s31, s30, $0x38;
	[tilespmem:$0x14000] =	vst v63  }
0x29: {  	_ =	swait.ge [sflag:s9], $0x800  }
0x2a: {  	s1 =	sand.u32 $0x7, s1;
	[sflag:s9] =	ssyncset.done $0x0  }
0x2b: {  	s11 =	sshll.u32 s1, $0x7;
	[sflag:s9] =	ssyncadd.s32 $0xFFFFF800  }
0x2c: {  	v8 =	vld [tilespmem:s11+$0x0];
	_ =	sdelay $0x2  }
0x2d: {  	s12 =	simm.s32 $0x0  }
0x2e: {  	v9 =	vmov s12  }
0x2f: {  	v8 =	vperm.xlane v8, v9;
	_ =	sdelay $0x1  }
0x30: {  	v8 =	vshll.u32 v8, $0x7  }
0x31: {  	v9 =	vor.u32 v0, v8;
	_ =	sdelay $0x4  }
0x32: {  	s16 =	simm.s32 $0x1;
	v9 =	vld.idx.msk [tilespmem:v9+s0+$0x0], $0xffff  }
0x33: {  	s2 =	sand.u32 $0x7, s16;
	s9 =	simm.s32 $0x0  }
0x34: {  	s17 =	sshll.u32 s2, $0x7;
	v10 =	vld [tilespmem:s9+$0x13000]  }
0x35: {  	v11 =	vld [tilespmem:s17+$0x0];
	_ =	sdelay $0x1  }
0x36: {  	v12 =	vor.u32 v1, v8;
	v9 =	vmul.f32 $1.600000000e+01, v9  }
0x37: {  	s18 =	simm.s32 $0x0  }
0x38: {  	v13 =	vmov s18;
	s1 =	sshll.u32 s1, $0xB;
	v9 =	vadd.f32 v10, v9  }
0x39: {  	s1 =	sadd.s32 $0x0, s1;
	v10 =	vperm.xlane v11, v13  }
0x3a: {  	[tilespmem:s1+$0xB000] =	vst v9  }
0x3b: {  	v9 =	vshll.u32 v10, $0x7;
	v10 =	vld.idx.msk [tilespmem:v12+s0+$0x0], $0xffff  }
0x3c: {  	v11 =	vor.u32 v0, v9  }
0x3d: {  	v12 =	vld [tilespmem:s9+$0x13010];
	_ =	sdelay $0x2  }
0x3e: {  	s22 =	simm.s32 $0x2;
	v13 =	vor.u32 v2, v8;
	v10 =	vmul.f32 $1.600000000e+01, v10  }
0x3f: {  	s3 =	sand.u32 $0x7, s22;
	s11 =	simm.s32 $0x0;
	v11 =	vld.idx.msk [tilespmem:v11+s0+$0x0], $0xffff  }
0x40: {  	s4 =	sshll.u32 s3, $0x7;
	v14 =	vld [tilespmem:s11+$0x13000];
	v10 =	vadd.f32 v12, v10  }
0x41: {  	v12 =	vld [tilespmem:s4+$0x0]  }
0x42: {  	[tilespmem:s1+$0xB010] =	vst v10  }
0x43: {  	v13 =	vld.idx.msk [tilespmem:v13+s0+$0x0], $0xffff  }
0x44: {  	s23 =	simm.s32 $0x0;
	v10 =	vmul.f32 $1.600000000e+01, v11;
	v11 =	vor.u32 v1, v9  }
0x45: {  	v15 =	vmov s23;
	v16 =	vld [tilespmem:s9+$0x13020]  }
0x46: {  	s2 =	sshll.u32 s2, $0xB;
	v10 =	vadd.f32 v14, v10;
	v12 =	vperm.xlane v12, v15  }
0x47: {  	s7 =	sadd.s32 $0x0, s2  }
0x48: {  	[tilespmem:s7+$0xB000] =	vst v10;
	v10 =	vshll.u32 v12, $0x7;
	v12 =	vmul.f32 $1.600000000e+01, v13;
	v13 =	vor.u32 v3, v8  }
0x49: {  	v11 =	vld.idx.msk [tilespmem:v11+s0+$0x0], $0xffff;
	v14 =	vor.u32 v0, v10  }
0x4a: {  	v12 =	vadd.f32 v16, v12  }
0x4b: {  	v15 =	vld [tilespmem:s11+$0x13010]  }
0x4c: {  	[tilespmem:s1+$0xB020] =	vst v12  }
0x4d: {  	v12 =	vld.idx.msk [tilespmem:v13+s0+$0x0], $0xffff  }
0x4e: {  	s24 =	simm.s32 $0x3;
	v13 =	vld.idx.msk [tilespmem:v14+s0+$0x0], $0xffff;
	v11 =	vmul.f32 $1.600000000e+01, v11;
	v14 =	vor.u32 v2, v9  }
0x4f: {  	s16 =	simm.s32 $0x0;
	s2 =	sand.u32 $0x7, s24;
	v16 =	vld [tilespmem:s9+$0x13030]  }
0x50: {  	s25 =	sshll.u32 s2, $0x7;
	v17 =	vld [tilespmem:s16+$0x13000];
	v11 =	vadd.f32 v15, v11  }
0x51: {  	v15 =	vld [tilespmem:s25+$0x0]  }
0x52: {  	[tilespmem:s7+$0xB010] =	vst v11;
	v11 =	vmul.f32 $1.600000000e+01, v12;
	v12 =	vor.u32 v4, v8  }
0x53: {  	v18 =	vor.u32 v1, v10;
	v14 =	vld.idx.msk [tilespmem:v14+s0+$0x0], $0xffff;
	v13 =	vmul.f32 $1.600000000e+01, v13  }
0x54: {  	s26 =	simm.s32 $0x0;
	v11 =	vadd.f32 v16, v11  }
0x55: {  	s3 =	sshll.u32 s3, $0xB;
	v16 =	vmov s26;
	v13 =	vadd.f32 v17, v13;
	v17 =	vld [tilespmem:s11+$0x13020]  }
0x56: {  	s12 =	sadd.s32 $0x0, s3;
	v15 =	vperm.xlane v15, v16;
	[tilespmem:s1+$0xB030] =	vst v11  }
0x57: {  	[tilespmem:s12+$0xB000] =	vst v13;
	v12 =	vld.idx.msk [tilespmem:v12+s0+$0x0], $0xffff  }
0x58: {  	v11 =	vshll.u32 v15, $0x7;
	v13 =	vld.idx.msk [tilespmem:v18+s0+$0x0], $0xffff;
	v14 =	vmul.f32 $1.600000000e+01, v14;
	v15 =	vor.u32 v3, v9  }
0x59: {  	v18 =	vld [tilespmem:s9+$0x13040];
	v16 =	vor.u32 v0, v11  }
0x5a: {  	v14 =	vadd.f32 v17, v14;
	v17 =	vld [tilespmem:s16+$0x13010];
	_ =	sdelay $0x1  }
0x5b: {  	[tilespmem:s7+$0xB020] =	vst v14  }
0x5c: {  	v14 =	vor.u32 v5, v8;
	v12 =	vmul.f32 $1.600000000e+01, v12;
	v15 =	vld.idx.msk [tilespmem:v15+s0+$0x0], $0xffff;
	v13 =	vmul.f32 $1.600000000e+01, v13  }
0x5d: {  	s28 =	simm.s32 $0x4;
	v20 =	vor.u32 v2, v10;
	v16 =	vld.idx.msk [tilespmem:v16+s0+$0x0], $0xffff  }
0x5e: {  	s17 =	simm.s32 $0x0;
	s4 =	sand.u32 $0x7, s28;
	v12 =	vadd.f32 v18, v12;
	v13 =	vadd.f32 v17, v13;
	v17 =	vld [tilespmem:s11+$0x13030]  }
0x5f: {  	v19 =	vld [tilespmem:s17+$0x13000];
	s3 =	sshll.u32 s4, $0x7  }
0x60: {  	v18 =	vld [tilespmem:s3+$0x0];
	[tilespmem:s1+$0xB040] =	vst v12  }
0x61: {  	[tilespmem:s12+$0xB010] =	vst v13;
	v12 =	vld.idx.msk [tilespmem:v14+s0+$0x0], $0xffff;
	v14 =	vmul.f32 $1.600000000e+01, v15;
	v15 =	vor.u32 v4, v9  }
0x62: {  	v13 =	vld.idx.msk [tilespmem:v20+s0+$0x0], $0xffff;
	v20 =	vor.u32 v1, v11;
	v16 =	vmul.f32 $1.600000000e+01, v16  }
0x63: {  	s29 =	simm.s32 $0x0;
	v21 =	vld [tilespmem:s9+$0x13050];
	v14 =	vadd.f32 v17, v14  }
0x64: {  	s2 =	sshll.u32 s2, $0xB;
	v22 =	vld [tilespmem:s16+$0x13020];
	v17 =	vmov s29;
	v19 =	vadd.f32 v19, v16  }
0x65: {  	s2 =	sadd.s32 $0x0, s2;
	v17 =	vperm.xlane v18, v17;
	[tilespmem:s7+$0xB030] =	vst v14  }
0x66: {  	v18 =	vor.u32 v6, v8;
	v14 =	vmul.f32 $1.600000000e+01, v12;
	[tilespmem:s2+$0xB000] =	vst v19;
	v15 =	vld.idx.msk [tilespmem:v15+s0+$0x0], $0xffff  }
0x67: {  	v12 =	vshll.u32 v17, $0x7;
	v13 =	vmul.f32 $1.600000000e+01, v13;
	v17 =	vor.u32 v3, v10;
	v19 =	vld.idx.msk [tilespmem:v20+s0+$0x0], $0xffff  }
0x68: {  	s18 =	simm.s32 $0x0;
	v20 =	vor.u32 v0, v12;
	v14 =	vadd.f32 v21, v14;
	v21 =	vld [tilespmem:s11+$0x13040]  }
0x69: {  	v16 =	vld [tilespmem:s18+$0x13000];
	v13 =	vadd.f32 v22, v13  }
0x6a: {  	v23 =	vld [tilespmem:s17+$0x13010];
	[tilespmem:s1+$0xB050] =	vst v14  }
0x6b: {  	[tilespmem:s12+$0xB020] =	vst v13;
	v14 =	vld.idx.msk [tilespmem:v18+s0+$0x0], $0xffff;
	v15 =	vmul.f32 $1.600000000e+01, v15  }
0x6c: {  	v18 =	vld.idx.msk [tilespmem:v17+s0+$0x0], $0xffff;
	v17 =	vor.u32 v5, v9  }
0x6d: {  	s22 =	simm.s32 $0x5;
	v22 =	vld.idx.msk [tilespmem:v20+s0+$0x0], $0xffff;
	v19 =	vmul.f32 $1.600000000e+01, v19;
	v20 =	vadd.f32 v21, v15;
	v21 =	vor.u32 v2, v11  }
0x6e: {  	s24 =	sand.u32 $0x7, s22;
	v13 =	vld [tilespmem:s9+$0x13060]  }
0x6f: {  	s23 =	simm.s32 $0x6;
	s8 =	sshll.u32 s24, $0x7;
	v23 =	vadd.f32 v23, v19;
	v19 =	vld [tilespmem:s16+$0x13030]  }
.LBB2_2:
0x70: {  	p0 =	sne.s32 s23, $0x7F;
	v15 =	vld [tilespmem:s8+$0x0];
	[tilespmem:s7+$0xB040] =	vst v20;
	s3 =	smov.u32 s7;
	s7 =	smov.u32 s12  }
0x71: {  	s8 =	sshrl.u32 s22, $0x3;
	v14 =	vmul.f32 $1.600000000e+01, v14;
	v20 =	vor.u32 v7, v8;
	v8 =	vmovc v9;
	v9 =	vmov v10;
	s12 =	smov.u32 s2;
	s22 =	smov.u32 s23;
	[tilespmem:s2+$0xB010] =	vst v23;
	v17 =	vld.idx.msk [tilespmem:v17+s0+$0x0], $0xffff  }
0x72: {  	v10 =	vmovc v11;
	v11 =	vmov v12;
	s25 =	sshll.u32 s8, $0x7;
	v18 =	vmul.f32 $1.600000000e+01, v18;
	v23 =	vor.u32 v4, v9;
	v21 =	vld.idx.msk [tilespmem:v21+s0+$0x0], $0xffff  }
0x73: {  	v12 =	vmul.f32 $1.600000000e+01, v22;
	v22 =	vor.u32 v1, v11;
	v24 =	vld [tilespmem:s25+$0x13000];
	v13 =	vadd.f32 v13, v14  }
0x74: {  	v14 =	vadd.f32 v19, v18;
	v18 =	vld [tilespmem:s11+$0x13050]  }
0x75: {  	s2 =	sshll.u32 s4, $0xB;
	s4 =	smov.u32 s24;
	v19 =	vmov s8;
	v12 =	vadd.f32 v16, v12;
	v25 =	vld [tilespmem:s17+$0x13020];
	[tilespmem:s1+$0xB060] =	vst v13  }
0x76: {  	s2 =	sadd.s32 s18, s2;
	v13 =	vperm.xlane v15, v19;
	[tilespmem:s7+$0xB030] =	vst v14;
	v15 =	vld.idx.msk [tilespmem:v20+s0+$0x0], $0xffff  }
0x77: {  	v14 =	vmul.f32 $1.600000000e+01, v17;
	v17 =	vor.u32 v6, v8;
	[tilespmem:s2+$0xB000] =	vst v12;
	v19 =	vld.idx.msk [tilespmem:v23+s0+$0x0], $0xffff  }
0x78: {  	v12 =	vshll.u32 v13, $0x7;
	v20 =	vmul.f32 $1.600000000e+01, v21;
	v21 =	vor.u32 v3, v10;
	v13 =	vld.idx.msk [tilespmem:v22+s0+$0x0], $0xffff;
	v16 =	vmovc v24  }
0x79: {  	v22 =	vor.u32 v0, v12;
	v14 =	vadd.f32 v18, v14;
	v23 =	vld [tilespmem:s9+$0x13070];
	s9 =	smov.u32 s11;
	s11 =	smov.u32 s16;
	s16 =	smov.u32 s17  }
0x7a: {  	s17 =	smov.u32 s18;
	s18 =	smov.u32 s25;
	v18 =	vadd.f32 v25, v20;
	v20 =	vld [tilespmem:s11+$0x13040]  }
0x7b: {  	v24 =	vld [tilespmem:s17+$0x13010];
	[tilespmem:s3+$0xB050] =	vst v14  }
.Ltmp0:
0x7c: {  	v15 =	vmul.f32 $1.600000000e+01, v15;
	[tilespmem:s12+$0xB020] =	vst v18;
	v14 =	vld.idx.msk [tilespmem:v17+s0+$0x0], $0xffff;
	(pc) =	sbr.rel @p0 .LBB2_2-.Ltmp0, $4  }
0x7d: {  	v19 =	vmul.f32 $1.600000000e+01, v19;
	v17 =	vor.u32 v5, v9;
	v18 =	vld.idx.msk [tilespmem:v21+s0+$0x0], $0xffff  }
0x7e: {  	v25 =	vmul.f32 $1.600000000e+01, v13;
	v21 =	vor.u32 v2, v11;
	v22 =	vld.idx.msk [tilespmem:v22+s0+$0x0], $0xffff;
	v15 =	vadd.f32 v23, v15  }
0x7f: {  	s24 =	sand.u32 $0x7, s23;
	v20 =	vadd.f32 v20, v19;
	v13 =	vld [tilespmem:s9+$0x13060]  }
0x80: {  	s23 =	sadd.s32 $0x1, s23;
	s8 =	sshll.u32 s24, $0x7;
	v23 =	vadd.f32 v24, v25;
	v19 =	vld [tilespmem:s16+$0x13030];
	[tilespmem:s1+$0xB070] =	vst v15;
	s1 =	smov.u32 s3  }
0x81: {  	v15 =	vld [tilespmem:s8+$0x0];
	_ =	sdelay $0x2  }
0x82: {  	s3 =	sshrl.u32 s22, $0x3  }
0x83: {  	v24 =	vmov s3  }
0x84: {  	v15 =	vperm.xlane v15, v24;
	_ =	sdelay $0x1  }
0x85: {  	v15 =	vshll.u32 v15, $0x7  }
0x86: {  	v63 =	vor.u32 v0, v15;
	_ =	sdelay $0x4  }
0x87: {  	v24 =	vld.idx.msk [tilespmem:v63+s0+$0x0], $0xffff  }
0x88: {  	s23 =	sshll.u32 s3, $0x7  }
0x89: {  	v25 =	vld [tilespmem:s23+$0x13000];
	_ =	sdelay $0x1  }
0x8a: {  	v26 =	vor.u32 v1, v12;
	v22 =	vmul.f32 $1.600000000e+01, v22  }
0x8b: {  	v27 =	vor.u32 v1, v15;
	v24 =	vmul.f32 $1.600000000e+01, v24  }
0x8c: {  	s28 =	sshll.u32 s4, $0xB;
	v16 =	vadd.f32 v16, v22  }
0x8d: {  	s29 =	sshll.u32 s24, $0xB;
	s4 =	sadd.s32 s18, s28;
	v25 =	vadd.f32 v25, v24  }
0x8e: {  	s3 =	sadd.s32 s23, s29;
	[tilespmem:s4+$0xB000] =	vst v16  }
0x8f: {  	v16 =	vld.idx.msk [tilespmem:v26+s0+$0x0], $0xffff;
	[tilespmem:s3+$0xB000] =	vst v25  }
0x90: {  	v22 =	vld.idx.msk [tilespmem:v27+s0+$0x0], $0xffff  }
0x91: {  	v28 =	vld [tilespmem:s18+$0x13010]  }
0x92: {  	v29 =	vld [tilespmem:s23+$0x13010];
	_ =	sdelay $0x1  }
0x93: {  	v30 =	vor.u32 v2, v12;
	v16 =	vmul.f32 $1.600000000e+01, v16  }
0x94: {  	v31 =	vor.u32 v2, v15;
	v22 =	vmul.f32 $1.600000000e+01, v22  }
0x95: {  	[tilespmem:s2+$0xB010] =	vst v23;
	v16 =	vadd.f32 v28, v16  }
0x96: {  	v21 =	vld.idx.msk [tilespmem:v21+s0+$0x0], $0xffff;
	v22 =	vadd.f32 v29, v22  }
0x97: {  	v32 =	vld [tilespmem:s17+$0x13020];
	[tilespmem:s4+$0xB010] =	vst v16  }
0x98: {  	v23 =	vld.idx.msk [tilespmem:v30+s0+$0x0], $0xffff;
	[tilespmem:s3+$0xB010] =	vst v22  }
0x99: {  	v22 =	vld.idx.msk [tilespmem:v31+s0+$0x0], $0xffff  }
0x9a: {  	v35 =	vld [tilespmem:s18+$0x13020]  }
0x9b: {  	v34 =	vor.u32 v3, v11;
	v33 =	vmul.f32 $1.600000000e+01, v21;
	v36 =	vld [tilespmem:s23+$0x13020];
	_ =	sdelay $0x1  }
0x9c: {  	v38 =	vor.u32 v3, v12;
	v16 =	vadd.f32 v32, v33;
	v37 =	vmul.f32 $1.600000000e+01, v23  }
0x9d: {  	v39 =	vor.u32 v3, v15;
	v22 =	vmul.f32 $1.600000000e+01, v22  }
0x9e: {  	[tilespmem:s2+$0xB020] =	vst v16;
	v21 =	vadd.f32 v35, v37  }
0x9f: {  	v16 =	vld.idx.msk [tilespmem:v34+s0+$0x0], $0xffff;
	v22 =	vadd.f32 v36, v22  }
0xa0: {  	v40 =	vld [tilespmem:s17+$0x13030];
	[tilespmem:s4+$0xB020] =	vst v21  }
0xa1: {  	v23 =	vld.idx.msk [tilespmem:v38+s0+$0x0], $0xffff;
	[tilespmem:s3+$0xB020] =	vst v22  }
0xa2: {  	v41 =	vor.u32 v4, v10;
	v18 =	vmul.f32 $1.600000000e+01, v18;
	v43 =	vld.idx.msk [tilespmem:v39+s0+$0x0], $0xffff  }
0xa3: {  	v44 =	vld [tilespmem:s18+$0x13030]  }
0xa4: {  	v42 =	vor.u32 v4, v11;
	[tilespmem:s7+$0xB040] =	vst v20;
	v18 =	vadd.f32 v19, v18;
	v16 =	vmul.f32 $1.600000000e+01, v16;
	v45 =	vld [tilespmem:s23+$0x13030]  }
0xa5: {  	v17 =	vld.idx.msk [tilespmem:v17+s0+$0x0], $0xffff  }
0xa6: {  	v48 =	vor.u32 v4, v12;
	v52 =	vld [tilespmem:s11+$0x13050];
	[tilespmem:s12+$0xB030] =	vst v18;
	v16 =	vadd.f32 v40, v16;
	v47 =	vmul.f32 $1.600000000e+01, v23  }
0xa7: {  	v46 =	vld.idx.msk [tilespmem:v41+s0+$0x0], $0xffff;
	v50 =	vor.u32 v4, v15;
	v19 =	vmul.f32 $1.600000000e+01, v43  }
0xa8: {  	v49 =	vld [tilespmem:s16+$0x13040];
	[tilespmem:s2+$0xB030] =	vst v16;
	v21 =	vadd.f32 v44, v47  }
0xa9: {  	v16 =	vld.idx.msk [tilespmem:v42+s0+$0x0], $0xffff;
	v18 =	vadd.f32 v45, v19  }
0xaa: {  	v59 =	vor.u32 v6, v9;
	v17 =	vmul.f32 $1.600000000e+01, v17;
	v51 =	vld [tilespmem:s17+$0x13040];
	[tilespmem:s4+$0xB030] =	vst v21  }
0xab: {  	v23 =	vld.idx.msk [tilespmem:v48+s0+$0x0], $0xffff;
	[tilespmem:s3+$0xB030] =	vst v18  }
0xac: {  	v54 =	vor.u32 v5, v10;
	v61 =	vadd.f32 v52, v17;
	v53 =	vmul.f32 $1.600000000e+01, v46;
	v57 =	vld.idx.msk [tilespmem:v50+s0+$0x0], $0xffff  }
0xad: {  	v58 =	vld [tilespmem:s18+$0x13040]  }
0xae: {  	v55 =	vor.u32 v5, v11;
	[tilespmem:s7+$0xB050] =	vst v61;
	v56 =	vadd.f32 v49, v53;
	v16 =	vmul.f32 $1.600000000e+01, v16;
	v60 =	vld [tilespmem:s23+$0x13040]  }
0xaf: {  	v33 =	vld.idx.msk [tilespmem:v59+s0+$0x0], $0xffff  }
0xb0: {  	v28 =	vor.u32 v5, v12;
	[tilespmem:s12+$0xB040] =	vst v56;
	v34 =	vld [tilespmem:s11+$0x13060];
	v16 =	vadd.f32 v51, v16;
	v63 =	vmul.f32 $1.600000000e+01, v23  }
0xb1: {  	v30 =	vor.u32 v5, v15;
	v24 =	vld.idx.msk [tilespmem:v54+s0+$0x0], $0xffff;
	v22 =	vmul.f32 $1.600000000e+01, v57  }
0xb2: {  	v29 =	vld [tilespmem:s16+$0x13050];
	[tilespmem:s2+$0xB040] =	vst v16;
	v31 =	vadd.f32 v58, v63  }
0xb3: {  	v62 =	vld.idx.msk [tilespmem:v55+s0+$0x0], $0xffff;
	v18 =	vadd.f32 v60, v22  }
0xb4: {  	v14 =	vmul.f32 $1.600000000e+01, v14;
	v8 =	vor.u32 v7, v8;
	v32 =	vld [tilespmem:s17+$0x13050];
	[tilespmem:s4+$0xB040] =	vst v31  }
0xb5: {  	v20 =	vmul.f32 $1.600000000e+01, v33;
	v21 =	vld.idx.msk [tilespmem:v28+s0+$0x0], $0xffff;
	[tilespmem:s3+$0xB040] =	vst v18  }
0xb6: {  	v13 =	vadd.f32 v13, v14;
	v35 =	vor.u32 v6, v10;
	v24 =	vmul.f32 $1.600000000e+01, v24;
	v37 =	vld.idx.msk [tilespmem:v30+s0+$0x0], $0xffff  }
0xb7: {  	v20 =	vadd.f32 v34, v20;
	v38 =	vld [tilespmem:s18+$0x13050]  }
0xb8: {  	[tilespmem:s1+$0xB060] =	vst v13;
	v36 =	vor.u32 v6, v11;
	v23 =	vadd.f32 v29, v24;
	v17 =	vmul.f32 $1.600000000e+01, v62;
	v39 =	vld [tilespmem:s23+$0x13050]  }
0xb9: {  	v8 =	vld.idx.msk [tilespmem:v8+s0+$0x0], $0xffff;
	[tilespmem:s7+$0xB060] =	vst v20  }
0xba: {  	v49 =	vld [tilespmem:s11+$0x13070];
	v42 =	vor.u32 v6, v12;
	[tilespmem:s12+$0xB050] =	vst v23;
	v17 =	vadd.f32 v32, v17;
	v41 =	vmul.f32 $1.600000000e+01, v21  }
0xbb: {  	v16 =	vld.idx.msk [tilespmem:v35+s0+$0x0], $0xffff;
	v45 =	vor.u32 v6, v15;
	v44 =	vmul.f32 $1.600000000e+01, v37  }
0xbc: {  	[tilespmem:s2+$0xB050] =	vst v17;
	v43 =	vld [tilespmem:s16+$0x13060];
	v17 =	vadd.f32 v38, v41  }
0xbd: {  	v40 =	vld.idx.msk [tilespmem:v36+s0+$0x0], $0xffff;
	v48 =	vadd.f32 v39, v44  }
0xbe: {  	v46 =	vld [tilespmem:s17+$0x13060];
	[tilespmem:s4+$0xB050] =	vst v17  }
0xbf: {  	v51 =	vor.u32 v7, v9;
	v17 =	vld.idx.msk [tilespmem:v42+s0+$0x0], $0xffff;
	[tilespmem:s3+$0xB050] =	vst v48  }
0xc0: {  	v16 =	vmul.f32 $1.600000000e+01, v16;
	v50 =	vld.idx.msk [tilespmem:v45+s0+$0x0], $0xffff  }
0xc1: {  	v53 =	vor.u32 v7, v10;
	v52 =	vld [tilespmem:s18+$0x13060]  }
0xc2: {  	v16 =	vadd.f32 v43, v16;
	v14 =	vmul.f32 $1.600000000e+01, v40;
	v54 =	vld [tilespmem:s23+$0x13060]  }
0xc3: {  	v56 =	vor.u32 v7, v11;
	v47 =	vld [tilespmem:s9+$0x13070]  }
0xc4: {  	v9 =	vld.idx.msk [tilespmem:v51+s0+$0x0], $0xffff;
	[tilespmem:s12+$0xB060] =	vst v16;
	v13 =	vadd.f32 v46, v14;
	v57 =	vor.u32 v7, v12;
	v17 =	vmul.f32 $1.600000000e+01, v17  }
0xc5: {  	v15 =	vor.u32 v7, v15;
	v55 =	vld [tilespmem:s16+$0x13070];
	v18 =	vmul.f32 $1.600000000e+01, v50  }
0xc6: {  	v10 =	vld.idx.msk [tilespmem:v53+s0+$0x0], $0xffff;
	[tilespmem:s2+$0xB060] =	vst v13;
	v14 =	vadd.f32 v52, v17  }
0xc7: {  	v13 =	vld [tilespmem:s17+$0x13070];
	v16 =	vadd.f32 v54, v18  }
0xc8: {  	v11 =	vld.idx.msk [tilespmem:v56+s0+$0x0], $0xffff;
	[tilespmem:s4+$0xB060] =	vst v14  }
0xc9: {  	v12 =	vld.idx.msk [tilespmem:v57+s0+$0x0], $0xffff;
	[tilespmem:s3+$0xB060] =	vst v16  }
0xca: {  	v8 =	vmul.f32 $1.600000000e+01, v8;
	v58 =	vld.idx.msk [tilespmem:v15+s0+$0x0], $0xffff  }
0xcb: {  	v9 =	vmul.f32 $1.600000000e+01, v9;
	v59 =	vld [tilespmem:s18+$0x13070]  }
0xcc: {  	v8 =	vadd.f32 v47, v8;
	v10 =	vmul.f32 $1.600000000e+01, v10;
	v16 =	vld [tilespmem:s23+$0x13070]  }
0xcd: {  	v9 =	vadd.f32 v49, v9;
	v11 =	vmul.f32 $1.600000000e+01, v11  }
0xce: {  	[tilespmem:s1+$0xB070] =	vst v8;
	v8 =	vadd.f32 v55, v10;
	v60 =	vmul.f32 $1.600000000e+01, v12  }
0xcf: {  	[tilespmem:s7+$0xB070] =	vst v9;
	v61 =	vadd.f32 v13, v11;
	v62 =	vmul.f32 $1.600000000e+01, v58  }
0xd0: {  	[tilespmem:s12+$0xB070] =	vst v8;
	v8 =	vadd.f32 v59, v60  }
0xd1: {  	[tilespmem:s2+$0xB070] =	vst v61;
	v63 =	vadd.f32 v16, v62  }
0xd2: {  	[tilespmem:s4+$0xB070] =	vst v8  }
0xd3: {  	[tilespmem:s3+$0xB070] =	vst v63  }
0xd4: {  	s7 =	simm.s32 $0xB000;
	s1 =	rddreg [dreg:$0x8]  }
0xd5: {  	[hbm4b:s1+s30] =	stream.strided.scatter [tilespmem:s7], [sflag:$0x1], $0x800, s31, s30, $0x38;
	[tilespmem:$0x14000] =	vst v63  }
0xd6: {  	s9 =	simm.s32 $0xB800;
	s8 =	rddreg [dreg:$0x9]  }
0xd7: {  	[hbm4b:s8+s30] =	stream.strided.scatter [tilespmem:s9], [sflag:$0x1], $0x800, s31, s30, $0x38;
	[tilespmem:$0x14000] =	vst v63  }
0xd8: {  	s12 =	simm.s32 $0xC000;
	s11 =	rddreg [dreg:$0xa]  }
0xd9: {  	[hbm4b:s11+s30] =	stream.strided.scatter [tilespmem:s12], [sflag:$0x1], $0x800, s31, s30, $0x38;
	[tilespmem:$0x14000] =	vst v63  }
0xda: {  	s17 =	simm.s32 $0xC800;
	s16 =	rddreg [dreg:$0xb]  }
0xdb: {  	[hbm4b:s16+s30] =	stream.strided.scatter [tilespmem:s17], [sflag:$0x1], $0x800, s31, s30, $0x38;
	[tilespmem:$0x14000] =	vst v63  }
0xdc: {  	s22 =	simm.s32 $0xD000;
	s18 =	rddreg [dreg:$0xc]  }
0xdd: {  	[hbm4b:s18+s30] =	stream.strided.scatter [tilespmem:s22], [sflag:$0x1], $0x800, s31, s30, $0x38;
	[tilespmem:$0x14000] =	vst v63  }
0xde: {  	s24 =	simm.s32 $0xD800;
	s23 =	rddreg [dreg:$0xe]  }
0xdf: {  	[hbm4b:s23+s30] =	stream.strided.scatter [tilespmem:s24], [sflag:$0x1], $0x800, s31, s30, $0x38;
	[tilespmem:$0x14000] =	vst v63  }
0xe0: {  	s26 =	simm.s32 $0xE000;
	s25 =	rddreg [dreg:$0xf]  }
0xe1: {  	[hbm4b:s25+s30] =	stream.strided.scatter [tilespmem:s26], [sflag:$0x1], $0x800, s31, s30, $0x38;
	[tilespmem:$0x14000] =	vst v63  }
0xe2: {  	s29 =	simm.s32 $0xE800;
	s28 =	rddreg [dreg:$0x10];
	s24 =	simm.s32 $0x0  }
0xe3: {  	[hbm4b:s28+s30] =	stream.strided.scatter [tilespmem:s29], [sflag:$0x1], $0x800, s31, s30, $0x38;
	[tilespmem:$0x14000] =	vst v63  }
.LBB2_4:
0xe4: {  	p0 =	seq.s32 s24, $0x0  }
0xe5: {  	s2 =	simm.s32 @!p0 $0x2  }
0xe6: {  	_ =	swait.ge @!p0 [sflag:s2], $0x800  }
0xe7: {  	[sflag:s2] =	ssyncset.done @!p0 $0x0  }
0xe8: {  	[sflag:s2] =	ssyncadd.s32 @!p0 $0xFFFFF800  }
0xe9: {  	_ =	swait.ge @!p0 [sflag:s2], $0x800  }
0xea: {  	[sflag:s2] =	ssyncset.done @!p0 $0x0  }
0xeb: {  	[sflag:s2] =	ssyncadd.s32 @!p0 $0xFFFFF800  }
0xec: {  	_ =	swait.ge @!p0 [sflag:s2], $0x800  }
0xed: {  	[sflag:s2] =	ssyncset.done @!p0 $0x0  }
0xee: {  	[sflag:s2] =	ssyncadd.s32 @!p0 $0xFFFFF800  }
0xef: {  	_ =	swait.ge @!p0 [sflag:s2], $0x800  }
0xf0: {  	[sflag:s2] =	ssyncset.done @!p0 $0x0  }
0xf1: {  	[sflag:s2] =	ssyncadd.s32 @!p0 $0xFFFFF800  }
0xf2: {  	_ =	swait.ge @!p0 [sflag:s2], $0x800  }
0xf3: {  	[sflag:s2] =	ssyncset.done @!p0 $0x0  }
0xf4: {  	[sflag:s2] =	ssyncadd.s32 @!p0 $0xFFFFF800  }
0xf5: {  	_ =	swait.ge @!p0 [sflag:s2], $0x800  }
0xf6: {  	[sflag:s2] =	ssyncset.done @!p0 $0x0  }
0xf7: {  	[sflag:s2] =	ssyncadd.s32 @!p0 $0xFFFFF800  }
0xf8: {  	_ =	swait.ge @!p0 [sflag:s2], $0x800  }
0xf9: {  	s3 =	sshll.u32 s24, $0x1;
	s1 =	sshllo.u32 s24, $0x1;
	[sflag:s2] =	ssyncset.done @!p0 $0x0  }
0xfa: {  	s4 =	sshll.u32 s24, $0x8;
	s26 =	sadd.s32 $0x2, s3;
	[sflag:s2] =	ssyncadd.s32 @!p0 $0xFFFFF800  }
0xfb: {  	s23 =	sshll.u32 s1, $0x4;
	s4 =	sand.u32 $0x3C00, s4;
	_ =	swait.ge @!p0 [sflag:s2], $0x800  }
0xfc: {  	s25 =	sshll.u32 s26, $0xC;
	s7 =	rddreg [dreg:$0x4];
	[sflag:s2] =	ssyncset.done @!p0 $0x0  }
0xfd: {  	s3 =	sand.u32 $0x70, s23;
	s7 =	sor.u32 s7, s25;
	[sflag:s2] =	ssyncadd.s32 @!p0 $0xFFFFF800  }
0xfe: {  	s3 =	sor.u32 s3, s4;
	s7 =	sshrl.u32 s7, $0x3;
	s2 =	rddreg [dreg:$0x2]  }
0xff: {  	s8 =	simm.s32 $0x4;
	v12 =	vmov s3;
	s2 =	sadd.s32 s2, s7;
	s7 =	simm.s32 $0x13000  }
0x100: {  	[tilespmem:s7], [sflag:$0x3] =	stream.strided.gather [hbm4b:s2+s30], $0x800, s31, s30, $0x38;
	[tilespmem:$0x14000] =	vst v63  }
0x101: {  	s9 =	simm.s32 $0x0;
	_ =	swait.ge [sflag:s8], $0x800  }
0x102: {  	s2 =	sand.u32 $0x7, s9;
	[sflag:s8] =	ssyncset.done $0x0  }
0x103: {  	s11 =	sshll.u32 s2, $0x7;
	[sflag:s8] =	ssyncadd.s32 $0xFFFFF800  }
0x104: {  	v8 =	vld.idx.msk [tilespmem:v12+s11+$0x0 ss:$0x1], $0xffff;
	_ =	sdelay $0x2  }
0x105: {  	s12 =	simm.s32 $0x0  }
0x106: {  	v9 =	vmov s12  }
0x107: {  	v8 =	vperm.xlane v8, v9;
	_ =	sdelay $0x1  }
0x108: {  	v13 =	vshll.u32 v8, $0x7  }
0x109: {  	v8 =	vor.u32 v0, v13;
	_ =	sdelay $0x4  }
0x10a: {  	s16 =	simm.s32 $0x1;
	v8 =	vld.idx.msk [tilespmem:v8+s0+$0x0], $0xffff  }
0x10b: {  	s4 =	simm.s32 $0x0;
	s3 =	sand.u32 $0x7, s16  }
0x10c: {  	s17 =	sshll.u32 s3, $0x7;
	v9 =	vld [tilespmem:s4+$0x13800]  }
0x10d: {  	v10 =	vld.idx.msk [tilespmem:v12+s17+$0x0 ss:$0x1], $0xffff;
	_ =	sdelay $0x1  }
0x10e: {  	v11 =	vor.u32 v1, v13;
	v8 =	vmul.f32 $1.600000000e+01, v8  }
0x10f: {  	s18 =	simm.s32 $0x0  }
0x110: {  	v14 =	vmov s18;
	s2 =	sshll.u32 s2, $0xB;
	v8 =	vadd.f32 v9, v8  }
0x111: {  	s7 =	sadd.s32 $0x0, s2;
	v9 =	vperm.xlane v10, v14  }
0x112: {  	[tilespmem:s7+$0xF000] =	vst v8  }
0x113: {  	v9 =	vshll.u32 v9, $0x7;
	v8 =	vld.idx.msk [tilespmem:v11+s0+$0x0], $0xffff  }
0x114: {  	v10 =	vor.u32 v0, v9  }
0x115: {  	v11 =	vld [tilespmem:s4+$0x13810];
	_ =	sdelay $0x2  }
0x116: {  	s22 =	simm.s32 $0x2;
	v14 =	vor.u32 v2, v13;
	v8 =	vmul.f32 $1.600000000e+01, v8  }
0x117: {  	s2 =	sand.u32 $0x7, s22;
	s17 =	simm.s32 $0x0;
	v10 =	vld.idx.msk [tilespmem:v10+s0+$0x0], $0xffff  }
0x118: {  	s8 =	sshll.u32 s2, $0x7;
	v15 =	vld [tilespmem:s17+$0x13800];
	v8 =	vadd.f32 v11, v8  }
0x119: {  	v11 =	vld.idx.msk [tilespmem:v12+s8+$0x0 ss:$0x1], $0xffff  }
0x11a: {  	[tilespmem:s7+$0xF010] =	vst v8  }
0x11b: {  	v14 =	vld.idx.msk [tilespmem:v14+s0+$0x0], $0xffff  }
0x11c: {  	s23 =	simm.s32 $0x0;
	v8 =	vmul.f32 $1.600000000e+01, v10;
	v10 =	vor.u32 v1, v9  }
0x11d: {  	v16 =	vmov s23;
	v17 =	vld [tilespmem:s4+$0x13820]  }
0x11e: {  	s3 =	sshll.u32 s3, $0xB;
	v8 =	vadd.f32 v15, v8;
	v11 =	vperm.xlane v11, v16  }
0x11f: {  	s9 =	sadd.s32 $0x0, s3  }
0x120: {  	[tilespmem:s9+$0xF000] =	vst v8;
	v8 =	vshll.u32 v11, $0x7;
	v11 =	vmul.f32 $1.600000000e+01, v14;
	v14 =	vor.u32 v3, v13  }
0x121: {  	v10 =	vld.idx.msk [tilespmem:v10+s0+$0x0], $0xffff;
	v15 =	vor.u32 v0, v8  }
0x122: {  	v11 =	vadd.f32 v17, v11  }
0x123: {  	v16 =	vld [tilespmem:s17+$0x13810]  }
0x124: {  	[tilespmem:s7+$0xF020] =	vst v11  }
0x125: {  	v11 =	vld.idx.msk [tilespmem:v14+s0+$0x0], $0xffff  }
0x126: {  	s8 =	simm.s32 $0x3;
	v14 =	vld.idx.msk [tilespmem:v15+s0+$0x0], $0xffff;
	v10 =	vmul.f32 $1.600000000e+01, v10;
	v15 =	vor.u32 v2, v9  }
0x127: {  	s12 =	simm.s32 $0x0;
	s3 =	sand.u32 $0x7, s8;
	v17 =	vld [tilespmem:s4+$0x13830]  }
0x128: {  	v18 =	vld [tilespmem:s12+$0x13800];
	s11 =	sshll.u32 s3, $0x7;
	v10 =	vadd.f32 v16, v10  }
0x129: {  	v16 =	vld.idx.msk [tilespmem:v12+s11+$0x0 ss:$0x1], $0xffff  }
0x12a: {  	[tilespmem:s9+$0xF010] =	vst v10;
	v10 =	vmul.f32 $1.600000000e+01, v11;
	v11 =	vor.u32 v4, v13  }
0x12b: {  	v19 =	vor.u32 v1, v8;
	v15 =	vld.idx.msk [tilespmem:v15+s0+$0x0], $0xffff;
	v14 =	vmul.f32 $1.600000000e+01, v14  }
0x12c: {  	s16 =	simm.s32 $0x0;
	v10 =	vadd.f32 v17, v10  }
0x12d: {  	s2 =	sshll.u32 s2, $0xB;
	v17 =	vmov s16;
	v14 =	vadd.f32 v18, v14;
	v18 =	vld [tilespmem:s17+$0x13820]  }
0x12e: {  	s11 =	sadd.s32 $0x0, s2;
	v16 =	vperm.xlane v16, v17;
	[tilespmem:s7+$0xF030] =	vst v10  }
0x12f: {  	[tilespmem:s11+$0xF000] =	vst v14;
	v11 =	vld.idx.msk [tilespmem:v11+s0+$0x0], $0xffff  }
0x130: {  	v10 =	vshll.u32 v16, $0x7;
	v14 =	vld.idx.msk [tilespmem:v19+s0+$0x0], $0xffff;
	v15 =	vmul.f32 $1.600000000e+01, v15;
	v16 =	vor.u32 v3, v9  }
0x131: {  	v19 =	vld [tilespmem:s4+$0x13840];
	v17 =	vor.u32 v0, v10  }
0x132: {  	v15 =	vadd.f32 v18, v15;
	v18 =	vld [tilespmem:s12+$0x13810]  }
0x133: {  	s16 =	simm.s32 $0x0  }
0x134: {  	v20 =	vld [tilespmem:s16+$0x13800];
	[tilespmem:s9+$0xF020] =	vst v15;
	v15 =	vor.u32 v5, v13;
	v11 =	vmul.f32 $1.600000000e+01, v11  }
0x135: {  	s18 =	simm.s32 $0x4;
	v21 =	vor.u32 v2, v8;
	v16 =	vld.idx.msk [tilespmem:v16+s0+$0x0], $0xffff;
	v14 =	vmul.f32 $1.600000000e+01, v14  }
0x136: {  	s2 =	sand.u32 $0x7, s18;
	v17 =	vld.idx.msk [tilespmem:v17+s0+$0x0], $0xffff;
	v11 =	vadd.f32 v19, v11  }
0x137: {  	s22 =	sshll.u32 s2, $0x7;
	v14 =	vadd.f32 v18, v14;
	v18 =	vld [tilespmem:s17+$0x13830]  }
0x138: {  	v19 =	vld.idx.msk [tilespmem:v12+s22+$0x0 ss:$0x1], $0xffff;
	[tilespmem:s7+$0xF040] =	vst v11  }
0x139: {  	[tilespmem:s11+$0xF010] =	vst v14;
	v11 =	vld.idx.msk [tilespmem:v15+s0+$0x0], $0xffff  }
0x13a: {  	v14 =	vld.idx.msk [tilespmem:v21+s0+$0x0], $0xffff;
	v15 =	vmul.f32 $1.600000000e+01, v16;
	v16 =	vor.u32 v4, v9  }
0x13b: {  	s23 =	simm.s32 $0x0;
	s8 =	simm.s32 $0x5;
	v21 =	vor.u32 v1, v10;
	v22 =	vld [tilespmem:s4+$0x13850];
	v17 =	vmul.f32 $1.600000000e+01, v17  }
0x13c: {  	s3 =	sshll.u32 s3, $0xB;
	s28 =	sand.u32 $0x7, s8;
	v23 =	vld [tilespmem:s12+$0x13820];
	v15 =	vadd.f32 v18, v15;
	v18 =	vmov s23  }
0x13d: {  	s18 =	sadd.s32 $0x0, s3;
	s3 =	sshll.u32 s28, $0x7;
	v17 =	vadd.f32 v20, v17;
	v18 =	vperm.xlane v19, v18  }
0x13e: {  	v24 =	vld.idx.msk [tilespmem:v12+s3+$0x0 ss:$0x1], $0xffff;
	v20 =	vor.u32 v6, v13;
	[tilespmem:s9+$0xF030] =	vst v15;
	v15 =	vmul.f32 $1.600000000e+01, v11  }
0x13f: {  	[tilespmem:s18+$0xF000] =	vst v17;
	v16 =	vld.idx.msk [tilespmem:v16+s0+$0x0], $0xffff;
	v11 =	vshll.u32 v18, $0x7;
	v14 =	vmul.f32 $1.600000000e+01, v14;
	v17 =	vor.u32 v3, v8  }
0x140: {  	v18 =	vld.idx.msk [tilespmem:v21+s0+$0x0], $0xffff;
	v21 =	vor.u32 v0, v11;
	v15 =	vadd.f32 v22, v15  }
0x141: {  	v14 =	vadd.f32 v23, v14;
	v22 =	vld [tilespmem:s17+$0x13840]  }
0x142: {  	v23 =	vld [tilespmem:s16+$0x13810];
	[tilespmem:s7+$0xF050] =	vst v15  }
0x143: {  	[tilespmem:s11+$0xF020] =	vst v14;
	v14 =	vld.idx.msk [tilespmem:v20+s0+$0x0], $0xffff  }
0x144: {  	v15 =	vld.idx.msk [tilespmem:v17+s0+$0x0], $0xffff;
	v16 =	vmul.f32 $1.600000000e+01, v16;
	v17 =	vor.u32 v5, v9  }
0x145: {  	v20 =	vld.idx.msk [tilespmem:v21+s0+$0x0], $0xffff;
	v18 =	vmul.f32 $1.600000000e+01, v18;
	v21 =	vor.u32 v2, v10  }
0x146: {  	v16 =	vadd.f32 v22, v16;
	v22 =	vld [tilespmem:s4+$0x13860]  }
0x147: {  	s22 =	simm.s32 $0x0;
	v18 =	vadd.f32 v23, v18;
	v23 =	vld [tilespmem:s12+$0x13830]  }
0x148: {  	v19 =	vld [tilespmem:s22+$0x13800];
	[tilespmem:s9+$0xF040] =	vst v16  }
0x149: {  	v13 =	vor.u32 v7, v13;
	[tilespmem:s18+$0xF010] =	vst v18;
	v16 =	vld.idx.msk [tilespmem:v17+s0+$0x0], $0xffff;
	v14 =	vmul.f32 $1.600000000e+01, v14  }
0x14a: {  	s29 =	simm.s32 $0x0;
	v18 =	vmul.f32 $1.600000000e+01, v15;
	v17 =	vld.idx.msk [tilespmem:v21+s0+$0x0], $0xffff;
	v21 =	vor.u32 v4, v8  }
0x14b: {  	v25 =	vor.u32 v1, v11;
	v15 =	vld [tilespmem:s29+$0x13800];
	v20 =	vmul.f32 $1.600000000e+01, v20;
	v14 =	vadd.f32 v22, v14  }
0x14c: {  	s23 =	simm.s32 $0x0;
	v22 =	vld [tilespmem:s17+$0x13850];
	v18 =	vadd.f32 v23, v18  }
0x14d: {  	s2 =	sshll.u32 s2, $0xB;
	v23 =	vmov s23;
	v19 =	vadd.f32 v19, v20;
	v20 =	vld [tilespmem:s16+$0x13820];
	[tilespmem:s7+$0xF060] =	vst v14  }
0x14e: {  	s2 =	sadd.s32 $0x0, s2;
	v14 =	vperm.xlane v24, v23;
	[tilespmem:s11+$0xF030] =	vst v18;
	v18 =	vld.idx.msk [tilespmem:v13+s0+$0x0], $0xffff  }
0x14f: {  	[tilespmem:s2+$0xF000] =	vst v19;
	v16 =	vmul.f32 $1.600000000e+01, v16;
	v19 =	vld.idx.msk [tilespmem:v21+s0+$0x0], $0xffff;
	v21 =	vor.u32 v6, v9  }
0x150: {  	v23 =	vor.u32 v3, v10;
	v13 =	vshll.u32 v14, $0x7;
	v14 =	vld.idx.msk [tilespmem:v25+s0+$0x0], $0xffff;
	v17 =	vmul.f32 $1.600000000e+01, v17  }
0x151: {  	v25 =	vld [tilespmem:s4+$0x13870];
	v24 =	vor.u32 v0, v13;
	v16 =	vadd.f32 v22, v16  }
0x152: {  	v17 =	vadd.f32 v20, v17;
	v20 =	vld [tilespmem:s12+$0x13840]  }
0x153: {  	v22 =	vld [tilespmem:s22+$0x13810];
	[tilespmem:s9+$0xF050] =	vst v16  }
0x154: {  	[tilespmem:s18+$0xF020] =	vst v17;
	v17 =	vmul.f32 $1.600000000e+01, v18;
	v16 =	vld.idx.msk [tilespmem:v21+s0+$0x0], $0xffff  }
0x155: {  	v18 =	vld.idx.msk [tilespmem:v23+s0+$0x0], $0xffff;
	v26 =	vmul.f32 $1.600000000e+01, v19;
	v19 =	vor.u32 v5, v8  }
0x156: {  	s4 =	simm.s32 $0x6;
	v21 =	vor.u32 v2, v11;
	v23 =	vld.idx.msk [tilespmem:v24+s0+$0x0], $0xffff;
	v24 =	vmul.f32 $1.600000000e+01, v14;
	v14 =	vadd.f32 v25, v17  }
0x157: {  	s23 =	simm.s32 $0x7;
	s3 =	sand.u32 $0x7, s4;
	v17 =	vld [tilespmem:s17+$0x13860];
	v20 =	vadd.f32 v20, v26  }
.LBB2_5:
0x158: {  	p0 =	sne.s32 s23, $0x7F;
	s8 =	sshll.u32 s3, $0x7;
	v22 =	vadd.f32 v22, v24;
	v24 =	vld [tilespmem:s16+$0x13830];
	[tilespmem:s7+$0xF070] =	vst v14;
	s7 =	smov.u32 s9  }
0x159: {  	s9 =	smov.u32 s11;
	v14 =	vld.idx.msk [tilespmem:v12+s8+$0x0 ss:$0x1], $0xffff;
	[tilespmem:s11+$0xF040] =	vst v20;
	s11 =	smov.u32 s18;
	s18 =	smov.u32 s2  }
0x15a: {  	s2 =	sshrl.u32 s4, $0x3;
	v16 =	vmul.f32 $1.600000000e+01, v16;
	v20 =	vor.u32 v7, v9;
	v9 =	vmovc v8;
	v8 =	vmov v10;
	s4 =	smov.u32 s23;
	[tilespmem:s18+$0xF010] =	vst v22;
	v19 =	vld.idx.msk [tilespmem:v19+s0+$0x0], $0xffff  }
0x15b: {  	v10 =	vmovc v11;
	v11 =	vmov v13;
	s8 =	sshll.u32 s2, $0x7;
	v18 =	vmul.f32 $1.600000000e+01, v18;
	v22 =	vor.u32 v4, v8;
	v21 =	vld.idx.msk [tilespmem:v21+s0+$0x0], $0xffff  }
0x15c: {  	v13 =	vmul.f32 $1.600000000e+01, v23;
	v23 =	vor.u32 v1, v11;
	v25 =	vld [tilespmem:s8+$0x13800];
	v16 =	vadd.f32 v17, v16  }
0x15d: {  	v17 =	vadd.f32 v24, v18;
	v18 =	vld [tilespmem:s12+$0x13850]  }
0x15e: {  	v24 =	vmov s2;
	v13 =	vadd.f32 v15, v13;
	s2 =	sshll.u32 s28, $0xB;
	s28 =	smov.u32 s3;
	v26 =	vld [tilespmem:s22+$0x13820];
	[tilespmem:s7+$0xF060] =	vst v16  }
0x15f: {  	v14 =	vperm.xlane v14, v24;
	s2 =	sadd.s32 s29, s2;
	[tilespmem:s11+$0xF030] =	vst v17;
	v17 =	vld.idx.msk [tilespmem:v20+s0+$0x0], $0xffff  }
0x160: {  	v16 =	vmul.f32 $1.600000000e+01, v19;
	v19 =	vor.u32 v6, v9;
	[tilespmem:s2+$0xF000] =	vst v13;
	v20 =	vld.idx.msk [tilespmem:v22+s0+$0x0], $0xffff  }
0x161: {  	v13 =	vshll.u32 v14, $0x7;
	v21 =	vmul.f32 $1.600000000e+01, v21;
	v14 =	vld.idx.msk [tilespmem:v23+s0+$0x0], $0xffff;
	v23 =	vor.u32 v3, v10;
	v15 =	vmovc v25  }
0x162: {  	v24 =	vor.u32 v0, v13;
	v16 =	vadd.f32 v18, v16;
	v25 =	vld [tilespmem:s17+$0x13870];
	s17 =	smov.u32 s12;
	s12 =	smov.u32 s16;
	s16 =	smov.u32 s22  }
0x163: {  	s22 =	smov.u32 s29;
	s29 =	smov.u32 s8;
	v18 =	vadd.f32 v26, v21;
	v26 =	vld [tilespmem:s12+$0x13840]  }
.Ltmp1:
0x164: {  	v22 =	vld [tilespmem:s22+$0x13810];
	[tilespmem:s9+$0xF050] =	vst v16;
	(pc) =	sbr.rel @p0 .LBB2_5-.Ltmp1, $4  }
0x165: {  	v17 =	vmul.f32 $1.600000000e+01, v17;
	[tilespmem:s18+$0xF020] =	vst v18;
	v16 =	vld.idx.msk [tilespmem:v19+s0+$0x0], $0xffff  }
0x166: {  	v20 =	vmul.f32 $1.600000000e+01, v20;
	v19 =	vor.u32 v5, v8;
	v18 =	vld.idx.msk [tilespmem:v23+s0+$0x0], $0xffff  }
0x167: {  	v21 =	vor.u32 v2, v11;
	v23 =	vld.idx.msk [tilespmem:v24+s0+$0x0], $0xffff;
	v24 =	vmul.f32 $1.600000000e+01, v14;
	v14 =	vadd.f32 v25, v17  }
0x168: {  	s23 =	sadd.s32 $0x1, s23;
	s3 =	sand.u32 $0x7, s4;
	v20 =	vadd.f32 v26, v20;
	v17 =	vld [tilespmem:s17+$0x13860]  }
0x169: {  	_ =	sdelay $0x2  }
0x16a: {  	s8 =	sshll.u32 s3, $0x7  }
0x16b: {  	v12 =	vld.idx.msk [tilespmem:v12+s8+$0x0 ss:$0x1], $0xffff;
	_ =	sdelay $0x2  }
0x16c: {  	s4 =	sshrl.u32 s4, $0x3  }
0x16d: {  	v25 =	vmov s4  }
0x16e: {  	v12 =	vperm.xlane v12, v25;
	_ =	sdelay $0x1  }
0x16f: {  	v12 =	vshll.u32 v12, $0x7  }
0x170: {  	v25 =	vor.u32 v0, v12;
	_ =	sdelay $0x4  }
0x171: {  	v25 =	vld.idx.msk [tilespmem:v25+s0+$0x0], $0xffff  }
0x172: {  	s23 =	sshll.u32 s4, $0x7  }
0x173: {  	v26 =	vld [tilespmem:s23+$0x13800]  }
0x174: {  	v27 =	vor.u32 v1, v13;
	v23 =	vmul.f32 $1.600000000e+01, v23;
	_ =	sdelay $0x1  }
0x175: {  	s8 =	sshll.u32 s28, $0xB;
	v15 =	vadd.f32 v15, v23;
	v28 =	vor.u32 v1, v12;
	v25 =	vmul.f32 $1.600000000e+01, v25  }
0x176: {  	s4 =	sadd.s32 s29, s8  }
0x177: {  	s8 =	sshll.u32 s3, $0xB;
	[tilespmem:s4+$0xF000] =	vst v15;
	v23 =	vadd.f32 v26, v25  }
0x178: {  	s28 =	sadd.s32 s23, s8;
	v15 =	vld.idx.msk [tilespmem:v27+s0+$0x0], $0xffff  }
0x179: {  	v25 =	vld [tilespmem:s29+$0x13810];
	[tilespmem:s28+$0xF000] =	vst v23  }
0x17a: {  	v23 =	vld.idx.msk [tilespmem:v28+s0+$0x0], $0xffff;
	_ =	sdelay $0x1  }
0x17b: {  	v26 =	vld [tilespmem:s23+$0x13810]  }
0x17c: {  	v22 =	vadd.f32 v22, v24;
	v24 =	vor.u32 v2, v13;
	v15 =	vmul.f32 $1.600000000e+01, v15;
	_ =	sdelay $0x1  }
0x17d: {  	v27 =	vor.u32 v2, v12;
	v15 =	vadd.f32 v25, v15;
	v23 =	vmul.f32 $1.600000000e+01, v23  }
0x17e: {  	[tilespmem:s2+$0xF010] =	vst v22  }
0x17f: {  	v21 =	vld.idx.msk [tilespmem:v21+s0+$0x0], $0xffff;
	[tilespmem:s4+$0xF010] =	vst v15;
	v22 =	vadd.f32 v26, v23  }
0x180: {  	v15 =	vld.idx.msk [tilespmem:v24+s0+$0x0], $0xffff  }
0x181: {  	v23 =	vld [tilespmem:s22+$0x13820];
	[tilespmem:s28+$0xF010] =	vst v22  }
0x182: {  	v22 =	vld.idx.msk [tilespmem:v27+s0+$0x0], $0xffff  }
0x183: {  	v24 =	vld [tilespmem:s29+$0x13820]  }
0x184: {  	v21 =	vmul.f32 $1.600000000e+01, v21;
	v25 =	vor.u32 v3, v11;
	v26 =	vld [tilespmem:s23+$0x13820];
	_ =	sdelay $0x1  }
0x185: {  	v15 =	vmul.f32 $1.600000000e+01, v15;
	v21 =	vadd.f32 v23, v21;
	v23 =	vor.u32 v3, v13  }
0x186: {  	v27 =	vor.u32 v3, v12;
	v22 =	vmul.f32 $1.600000000e+01, v22  }
0x187: {  	v15 =	vadd.f32 v24, v15;
	[tilespmem:s2+$0xF020] =	vst v21;
	v21 =	vld [tilespmem:s16+$0x13830]  }
0x188: {  	v24 =	vld.idx.msk [tilespmem:v25+s0+$0x0], $0xffff;
	v22 =	vadd.f32 v26, v22  }
0x189: {  	[tilespmem:s4+$0xF020] =	vst v15;
	v25 =	vld [tilespmem:s22+$0x13830]  }
0x18a: {  	v9 =	vor.u32 v7, v9;
	v16 =	vmul.f32 $1.600000000e+01, v16;
	v15 =	vld.idx.msk [tilespmem:v23+s0+$0x0], $0xffff;
	[tilespmem:s28+$0xF020] =	vst v22  }
0x18b: {  	v18 =	vmul.f32 $1.600000000e+01, v18;
	v22 =	vor.u32 v4, v10;
	v23 =	vld.idx.msk [tilespmem:v27+s0+$0x0], $0xffff  }
0x18c: {  	v16 =	vadd.f32 v17, v16;
	v26 =	vld [tilespmem:s29+$0x13830]  }
0x18d: {  	[tilespmem:s11+$0xF040] =	vst v20;
	v18 =	vadd.f32 v21, v18;
	v21 =	vor.u32 v4, v11;
	v20 =	vmul.f32 $1.600000000e+01, v24;
	v24 =	vld [tilespmem:s23+$0x13830]  }
0x18e: {  	v19 =	vld.idx.msk [tilespmem:v19+s0+$0x0], $0xffff;
	[tilespmem:s9+$0xF060] =	vst v16  }
0x18f: {  	v9 =	vld.idx.msk [tilespmem:v9+s0+$0x0], $0xffff;
	[tilespmem:s18+$0xF030] =	vst v18;
	v18 =	vadd.f32 v25, v20;
	v15 =	vmul.f32 $1.600000000e+01, v15;
	v20 =	vor.u32 v4, v13  }
0x190: {  	v25 =	vor.u32 v4, v12;
	v22 =	vld.idx.msk [tilespmem:v22+s0+$0x0], $0xffff;
	v23 =	vmul.f32 $1.600000000e+01, v23  }
0x191: {  	[tilespmem:s2+$0xF030] =	vst v18;
	v15 =	vadd.f32 v26, v15;
	v18 =	vld [tilespmem:s16+$0x13840]  }
0x192: {  	v21 =	vld.idx.msk [tilespmem:v21+s0+$0x0], $0xffff;
	v23 =	vadd.f32 v24, v23  }
0x193: {  	[tilespmem:s4+$0xF030] =	vst v15;
	v24 =	vld [tilespmem:s22+$0x13840]  }
0x194: {  	v15 =	vld.idx.msk [tilespmem:v20+s0+$0x0], $0xffff;
	[tilespmem:s28+$0xF030] =	vst v23  }
0x195: {  	v20 =	vor.u32 v5, v10;
	v17 =	vmul.f32 $1.600000000e+01, v22;
	v22 =	vld.idx.msk [tilespmem:v25+s0+$0x0], $0xffff  }
0x196: {  	v23 =	vld [tilespmem:s29+$0x13840]  }
0x197: {  	v16 =	vadd.f32 v18, v17;
	v17 =	vmul.f32 $1.600000000e+01, v21;
	v18 =	vor.u32 v5, v11;
	v21 =	vld [tilespmem:s23+$0x13840]  }
0x198: {  	v27 =	vld [tilespmem:s12+$0x13850]  }
0x199: {  	v25 =	vld [tilespmem:s17+$0x13870];
	v15 =	vmul.f32 $1.600000000e+01, v15;
	[tilespmem:s18+$0xF040] =	vst v16;
	v16 =	vadd.f32 v24, v17;
	v17 =	vor.u32 v5, v13  }
0x19a: {  	v24 =	vor.u32 v5, v12;
	v20 =	vld.idx.msk [tilespmem:v20+s0+$0x0], $0xffff;
	v22 =	vmul.f32 $1.600000000e+01, v22  }
0x19b: {  	v15 =	vadd.f32 v23, v15;
	[tilespmem:s2+$0xF040] =	vst v16;
	v16 =	vld [tilespmem:s16+$0x13850]  }
0x19c: {  	v18 =	vld.idx.msk [tilespmem:v18+s0+$0x0], $0xffff;
	v21 =	vadd.f32 v21, v22  }
0x19d: {  	v19 =	vmul.f32 $1.600000000e+01, v19;
	v23 =	vld [tilespmem:s22+$0x13850];
	[tilespmem:s4+$0xF040] =	vst v15;
	v22 =	vor.u32 v6, v8  }
0x19e: {  	v15 =	vld.idx.msk [tilespmem:v17+s0+$0x0], $0xffff;
	[tilespmem:s28+$0xF040] =	vst v21  }
0x19f: {  	v17 =	vadd.f32 v27, v19;
	v19 =	vmul.f32 $1.600000000e+01, v20;
	v20 =	vor.u32 v6, v10;
	v21 =	vld.idx.msk [tilespmem:v24+s0+$0x0], $0xffff  }
0x1a0: {  	v24 =	vld [tilespmem:s29+$0x13850]  }
0x1a1: {  	[tilespmem:s11+$0xF050] =	vst v17;
	v16 =	vadd.f32 v16, v19;
	v17 =	vmul.f32 $1.600000000e+01, v18;
	v18 =	vor.u32 v6, v11;
	v19 =	vld [tilespmem:s23+$0x13850]  }
0x1a2: {  	v22 =	vld.idx.msk [tilespmem:v22+s0+$0x0], $0xffff  }
0x1a3: {  	v26 =	vld [tilespmem:s12+$0x13860];
	[tilespmem:s18+$0xF050] =	vst v16;
	v16 =	vadd.f32 v23, v17;
	v15 =	vmul.f32 $1.600000000e+01, v15;
	v17 =	vor.u32 v6, v13  }
0x1a4: {  	v23 =	vor.u32 v6, v12;
	v20 =	vld.idx.msk [tilespmem:v20+s0+$0x0], $0xffff;
	v21 =	vmul.f32 $1.600000000e+01, v21  }
0x1a5: {  	[tilespmem:s2+$0xF050] =	vst v16;
	v15 =	vadd.f32 v24, v15;
	v16 =	vld [tilespmem:s16+$0x13860]  }
0x1a6: {  	v18 =	vld.idx.msk [tilespmem:v18+s0+$0x0], $0xffff;
	v19 =	vadd.f32 v19, v21  }
0x1a7: {  	v8 =	vor.u32 v7, v8;
	v21 =	vmul.f32 $1.600000000e+01, v22;
	[tilespmem:s4+$0xF050] =	vst v15;
	v15 =	vld [tilespmem:s22+$0x13860]  }
0x1a8: {  	v17 =	vld.idx.msk [tilespmem:v17+s0+$0x0], $0xffff;
	[tilespmem:s28+$0xF050] =	vst v19  }
0x1a9: {  	v10 =	vor.u32 v7, v10;
	v19 =	vadd.f32 v26, v21;
	v20 =	vmul.f32 $1.600000000e+01, v20;
	v21 =	vld.idx.msk [tilespmem:v23+s0+$0x0], $0xffff  }
0x1aa: {  	v22 =	vld [tilespmem:s29+$0x13860]  }
0x1ab: {  	v11 =	vor.u32 v7, v11;
	[tilespmem:s11+$0xF060] =	vst v19;
	v16 =	vadd.f32 v16, v20;
	v18 =	vmul.f32 $1.600000000e+01, v18;
	v19 =	vld [tilespmem:s23+$0x13860]  }
0x1ac: {  	v8 =	vld.idx.msk [tilespmem:v8+s0+$0x0], $0xffff  }
0x1ad: {  	v13 =	vor.u32 v7, v13;
	v20 =	vld [tilespmem:s12+$0x13870];
	[tilespmem:s18+$0xF060] =	vst v16;
	v15 =	vadd.f32 v15, v18;
	v16 =	vmul.f32 $1.600000000e+01, v17  }
0x1ae: {  	v12 =	vor.u32 v7, v12;
	v10 =	vld.idx.msk [tilespmem:v10+s0+$0x0], $0xffff;
	v17 =	vmul.f32 $1.600000000e+01, v21  }
0x1af: {  	v18 =	vld [tilespmem:s16+$0x13870];
	[tilespmem:s2+$0xF060] =	vst v15;
	v15 =	vadd.f32 v22, v16  }
0x1b0: {  	v11 =	vld.idx.msk [tilespmem:v11+s0+$0x0], $0xffff;
	v16 =	vadd.f32 v19, v17  }
0x1b1: {  	v17 =	vld [tilespmem:s22+$0x13870];
	[tilespmem:s4+$0xF060] =	vst v15  }
0x1b2: {  	v13 =	vld.idx.msk [tilespmem:v13+s0+$0x0], $0xffff;
	[tilespmem:s28+$0xF060] =	vst v16  }
0x1b3: {  	v9 =	vmul.f32 $1.600000000e+01, v9;
	v12 =	vld.idx.msk [tilespmem:v12+s0+$0x0], $0xffff  }
0x1b4: {  	v8 =	vmul.f32 $1.600000000e+01, v8;
	v15 =	vld [tilespmem:s29+$0x13870]  }
0x1b5: {  	v9 =	vadd.f32 v25, v9;
	v10 =	vmul.f32 $1.600000000e+01, v10;
	v16 =	vld [tilespmem:s23+$0x13870]  }
0x1b6: {  	[tilespmem:s7+$0xF070] =	vst v14;
	v8 =	vadd.f32 v20, v8;
	v11 =	vmul.f32 $1.600000000e+01, v11  }
0x1b7: {  	[tilespmem:s9+$0xF070] =	vst v9;
	v9 =	vadd.f32 v18, v10;
	v10 =	vmul.f32 $1.600000000e+01, v13  }
0x1b8: {  	[tilespmem:s11+$0xF070] =	vst v8;
	v8 =	vadd.f32 v17, v11;
	v11 =	vmul.f32 $1.600000000e+01, v12  }
0x1b9: {  	s1 =	sshll.u32 s1, $0xC;
	[tilespmem:s18+$0xF070] =	vst v9;
	v9 =	vadd.f32 v15, v10  }
0x1ba: {  	s9 =	sadd.s32 s13, s1;
	[tilespmem:s2+$0xF070] =	vst v8;
	v8 =	vadd.f32 v16, v11  }
0x1bb: {  	s2 =	sshrl.u32 s9, $0x3;
	[tilespmem:s4+$0xF070] =	vst v9  }
0x1bc: {  	s11 =	simm.s32 $0xF000;
	s2 =	sadd.s32 s5, s2;
	[tilespmem:s28+$0xF070] =	vst v8  }
0x1bd: {  	[hbm4b:s2+s30] =	stream.strided.scatter [tilespmem:s11], [sflag:$0x2], $0x800, s31, s30, $0x38;
	[tilespmem:$0x14000] =	vst v63  }
0x1be: {  	s12 =	rddreg [dreg:$0xd]  }
0x1bf: {  	s2 =	sadd.s32 s12, s1  }
0x1c0: {  	s2 =	sshrl.u32 s2, $0x3  }
0x1c1: {  	s17 =	sadd.s32 s14, s1;
	s16 =	simm.s32 $0xF800;
	s2 =	sadd.s32 s5, s2  }
0x1c2: {  	[hbm4b:s2+s30] =	stream.strided.scatter [tilespmem:s16], [sflag:$0x2], $0x800, s31, s30, $0x38;
	[tilespmem:$0x14000] =	vst v63  }
0x1c3: {  	s2 =	sshrl.u32 s17, $0x3  }
0x1c4: {  	s22 =	sadd.s32 s15, s1;
	s18 =	simm.s32 $0x10000;
	s2 =	sadd.s32 s5, s2  }
0x1c5: {  	[hbm4b:s2+s30] =	stream.strided.scatter [tilespmem:s18], [sflag:$0x2], $0x800, s31, s30, $0x38;
	[tilespmem:$0x14000] =	vst v63  }
0x1c6: {  	s2 =	sshrl.u32 s22, $0x3  }
0x1c7: {  	s23 =	simm.s32 $0x10800;
	s4 =	sadd.s32 s19, s1;
	s2 =	sadd.s32 s5, s2  }
0x1c8: {  	[hbm4b:s2+s30] =	stream.strided.scatter [tilespmem:s23], [sflag:$0x2], $0x800, s31, s30, $0x38;
	[tilespmem:$0x14000] =	vst v63  }
0x1c9: {  	s2 =	sshrl.u32 s4, $0x3  }
0x1ca: {  	s7 =	simm.s32 $0x11000;
	s8 =	sadd.s32 s20, s1;
	s2 =	sadd.s32 s5, s2  }
0x1cb: {  	[hbm4b:s2+s30] =	stream.strided.scatter [tilespmem:s7], [sflag:$0x2], $0x800, s31, s30, $0x38;
	[tilespmem:$0x14000] =	vst v63  }
0x1cc: {  	s2 =	sshrl.u32 s8, $0x3  }
0x1cd: {  	s9 =	simm.s32 $0x11800;
	s11 =	sadd.s32 s21, s1;
	s2 =	sadd.s32 s5, s2  }
0x1ce: {  	[hbm4b:s2+s30] =	stream.strided.scatter [tilespmem:s9], [sflag:$0x2], $0x800, s31, s30, $0x38;
	[tilespmem:$0x14000] =	vst v63  }
0x1cf: {  	s1 =	sadd.s32 s6, s1;
	s2 =	sshrl.u32 s11, $0x3  }
0x1d0: {  	s12 =	simm.s32 $0x12000;
	s1 =	sshrl.u32 s1, $0x3;
	s2 =	sadd.s32 s5, s2  }
0x1d1: {  	[hbm4b:s2+s30] =	stream.strided.scatter [tilespmem:s12], [sflag:$0x2], $0x800, s31, s30, $0x38;
	[tilespmem:$0x14000] =	vst v63  }
0x1d2: {  	s1 =	sadd.s32 s5, s1;
	s16 =	simm.s32 $0x12800  }
0x1d3: {  	[hbm4b:s1+s30] =	stream.strided.scatter [tilespmem:s16], [sflag:$0x2], $0x800, s31, s30, $0x38;
	[tilespmem:$0x14000] =	vst v63  }
0x1d4: {  	_ =	swait.ge [sflag:s10], $0x800  }
0x1d5: {  	[sflag:s10] =	ssyncset.done $0x0  }
0x1d6: {  	[sflag:s10] =	ssyncadd.s32 $0xFFFFF800  }
0x1d7: {  	_ =	swait.ge [sflag:s10], $0x800  }
0x1d8: {  	[sflag:s10] =	ssyncset.done $0x0  }
0x1d9: {  	[sflag:s10] =	ssyncadd.s32 $0xFFFFF800  }
0x1da: {  	_ =	swait.ge [sflag:s10], $0x800  }
0x1db: {  	[sflag:s10] =	ssyncset.done $0x0  }
0x1dc: {  	[sflag:s10] =	ssyncadd.s32 $0xFFFFF800  }
0x1dd: {  	_ =	swait.ge [sflag:s10], $0x800  }
0x1de: {  	[sflag:s10] =	ssyncset.done $0x0  }
0x1df: {  	[sflag:s10] =	ssyncadd.s32 $0xFFFFF800  }
0x1e0: {  	_ =	swait.ge [sflag:s10], $0x800  }
0x1e1: {  	[sflag:s10] =	ssyncset.done $0x0  }
0x1e2: {  	[sflag:s10] =	ssyncadd.s32 $0xFFFFF800  }
0x1e3: {  	_ =	swait.ge [sflag:s10], $0x800  }
0x1e4: {  	[sflag:s10] =	ssyncset.done $0x0  }
0x1e5: {  	[sflag:s10] =	ssyncadd.s32 $0xFFFFF800  }
0x1e6: {  	_ =	swait.ge [sflag:s10], $0x800  }
0x1e7: {  	[sflag:s10] =	ssyncset.done $0x0  }
0x1e8: {  	[sflag:s10] =	ssyncadd.s32 $0xFFFFF800  }
0x1e9: {  	p0 =	seq.s32 s24, $0x2D;
	_ =	swait.ge [sflag:s10], $0x800  }
0x1ea: {  	s1 =	sshll.u32 @!p0 s24, $0xD;
	s2 =	rddreg [dreg:$0x13];
	[sflag:s10] =	ssyncset.done $0x0  }
0x1eb: {  	s3 =	simm.s32 @!p0 $0x800;
	s1 =	sadd.s32 @!p0 s2, s1;
	[sflag:s10] =	ssyncadd.s32 $0xFFFFF800  }
0x1ec: {  	s17 =	simm.s32 $0x0;
	s1 =	sshrl.u32 @!p0 s1, $0x3;
	s2 =	rddreg [dreg:$0x2]  }
0x1ed: {  	s4 =	simm.s32 @!p0 $0x13800;
	s1 =	sadd.s32 @!p0 s2, s1;
	s2 =	simm.s32 @!p0 $0x400  }
0x1ee: {  	[tilespmem:s4], [sflag:$0x4] =	stream.strided.gather @!p0 [hbm4b:s1+s2], $0x800, s3, s2, $0x38;
	[tilespmem:$0x14000] =	vst v63  }
0x1ef: {  	s18 =	sand.u32 $0xF8, s26;
	s22 =	simm.s32 $0x3;
	s1 =	sand.u32 $0x7, s17  }
0x1f0: {  	s23 =	sshll.u32 s26, $0x4;
	_ =	swait.ge [sflag:s22], $0x800;
	s26 =	sor.u32 s18, s1  }
0x1f1: {  	s29 =	sand.u32 $0x60, s23;
	[sflag:s22] =	ssyncset.done $0x0;
	s3 =	sshll.u32 s26, $0x7  }
0x1f2: {  	[sflag:s22] =	ssyncadd.s32 $0xFFFFF800;
	s2 =	sor.u32 s3, s29  }
0x1f3: {  	v8 =	vld [tilespmem:s2+$0x0];
	_ =	sdelay $0x2  }
0x1f4: {  	s4 =	simm.s32 $0x0  }
0x1f5: {  	v9 =	vmov s4  }
0x1f6: {  	v8 =	vperm.xlane v8, v9;
	_ =	sdelay $0x1  }
0x1f7: {  	v12 =	vshll.u32 v8, $0x7  }
0x1f8: {  	v8 =	vor.u32 v0, v12;
	_ =	sdelay $0x2  }
0x1f9: {  	s7 =	simm.s32 $0x1  }
0x1fa: {  	s2 =	sand.u32 $0x7, s7  }
0x1fb: {  	s8 =	sor.u32 s18, s2;
	v8 =	vld.idx.msk [tilespmem:v8+s0+$0x0], $0xffff  }
0x1fc: {  	s4 =	simm.s32 $0x0;
	s3 =	sshll.u32 s8, $0x7  }
0x1fd: {  	s3 =	sor.u32 s3, s29;
	v9 =	vld [tilespmem:s4+$0x13000]  }
0x1fe: {  	v10 =	vld [tilespmem:s3+$0x0];
	_ =	sdelay $0x1  }
0x1ff: {  	v11 =	vor.u32 v1, v12;
	v8 =	vmul.f32 $1.600000000e+01, v8  }
0x200: {  	s9 =	simm.s32 $0x0  }
0x201: {  	v13 =	vmov s9;
	s1 =	sshll.u32 s1, $0xB;
	v8 =	vadd.f32 v9, v8  }
0x202: {  	s1 =	sadd.s32 $0x0, s1;
	v9 =	vperm.xlane v10, v13  }
0x203: {  	[tilespmem:s1+$0xB000] =	vst v8  }
0x204: {  	v8 =	vshll.u32 v9, $0x7;
	v9 =	vld.idx.msk [tilespmem:v11+s0+$0x0], $0xffff  }
0x205: {  	v10 =	vor.u32 v0, v8  }
0x206: {  	v11 =	vld [tilespmem:s4+$0x13010]  }
0x207: {  	s11 =	simm.s32 $0x2  }
0x208: {  	s12 =	sand.u32 $0x7, s11  }
0x209: {  	s3 =	sor.u32 s18, s12;
	v13 =	vor.u32 v2, v12;
	v9 =	vmul.f32 $1.600000000e+01, v9  }
0x20a: {  	s9 =	simm.s32 $0x0;
	s3 =	sshll.u32 s3, $0x7;
	v10 =	vld.idx.msk [tilespmem:v10+s0+$0x0], $0xffff  }
0x20b: {  	v14 =	vld [tilespmem:s9+$0x13000];
	s3 =	sor.u32 s3, s29;
	v9 =	vadd.f32 v11, v9  }
0x20c: {  	v11 =	vld [tilespmem:s3+$0x0]  }
0x20d: {  	[tilespmem:s1+$0xB010] =	vst v9  }
0x20e: {  	v13 =	vld.idx.msk [tilespmem:v13+s0+$0x0], $0xffff  }
0x20f: {  	s16 =	simm.s32 $0x0;
	v9 =	vmul.f32 $1.600000000e+01, v10;
	v10 =	vor.u32 v1, v8  }
0x210: {  	v15 =	vmov s16;
	v16 =	vld [tilespmem:s4+$0x13020]  }
0x211: {  	s2 =	sshll.u32 s2, $0xB;
	v9 =	vadd.f32 v14, v9;
	v11 =	vperm.xlane v11, v15  }
0x212: {  	s7 =	sadd.s32 $0x0, s2  }
0x213: {  	[tilespmem:s7+$0xB000] =	vst v9;
	v9 =	vshll.u32 v11, $0x7;
	v11 =	vmul.f32 $1.600000000e+01, v13;
	v13 =	vor.u32 v3, v12  }
0x214: {  	v10 =	vld.idx.msk [tilespmem:v10+s0+$0x0], $0xffff;
	v14 =	vor.u32 v0, v9  }
0x215: {  	v11 =	vadd.f32 v16, v11  }
0x216: {  	v15 =	vld [tilespmem:s9+$0x13010]  }
0x217: {  	s17 =	simm.s32 $0x3;
	[tilespmem:s1+$0xB020] =	vst v11  }
0x218: {  	s22 =	sand.u32 $0x7, s17;
	v11 =	vld.idx.msk [tilespmem:v13+s0+$0x0], $0xffff  }
0x219: {  	s2 =	sor.u32 s18, s22;
	v13 =	vld.idx.msk [tilespmem:v14+s0+$0x0], $0xffff;
	v10 =	vmul.f32 $1.600000000e+01, v10;
	v14 =	vor.u32 v2, v8  }
0x21a: {  	s11 =	simm.s32 $0x0;
	s2 =	sshll.u32 s2, $0x7;
	v16 =	vld [tilespmem:s4+$0x13030]  }
0x21b: {  	v17 =	vld [tilespmem:s11+$0x13000];
	s2 =	sor.u32 s2, s29;
	v10 =	vadd.f32 v15, v10  }
0x21c: {  	v15 =	vld [tilespmem:s2+$0x0]  }
0x21d: {  	[tilespmem:s7+$0xB010] =	vst v10;
	v10 =	vmul.f32 $1.600000000e+01, v11;
	v11 =	vor.u32 v4, v12  }
0x21e: {  	v18 =	vor.u32 v1, v9;
	v14 =	vld.idx.msk [tilespmem:v14+s0+$0x0], $0xffff;
	v13 =	vmul.f32 $1.600000000e+01, v13  }
0x21f: {  	s23 =	simm.s32 $0x0;
	v10 =	vadd.f32 v16, v10  }
0x220: {  	s26 =	sshll.u32 s12, $0xB;
	v16 =	vmov s23;
	v13 =	vadd.f32 v17, v13;
	v17 =	vld [tilespmem:s9+$0x13020]  }
0x221: {  	s26 =	sadd.s32 $0x0, s26;
	v15 =	vperm.xlane v15, v16;
	[tilespmem:s1+$0xB030] =	vst v10  }
0x222: {  	[tilespmem:s26+$0xB000] =	vst v13;
	v11 =	vld.idx.msk [tilespmem:v11+s0+$0x0], $0xffff  }
0x223: {  	v10 =	vshll.u32 v15, $0x7;
	v13 =	vld.idx.msk [tilespmem:v18+s0+$0x0], $0xffff;
	v14 =	vmul.f32 $1.600000000e+01, v14;
	v15 =	vor.u32 v3, v8  }
0x224: {  	v18 =	vld [tilespmem:s4+$0x13040];
	v16 =	vor.u32 v0, v10  }
0x225: {  	v14 =	vadd.f32 v17, v14;
	v17 =	vld [tilespmem:s11+$0x13010]  }
0x226: {  	s8 =	simm.s32 $0x4;
	s12 =	simm.s32 $0x0  }
0x227: {  	v19 =	vld [tilespmem:s12+$0x13000];
	s2 =	sand.u32 $0x7, s8;
	[tilespmem:s7+$0xB020] =	vst v14;
	v14 =	vor.u32 v5, v12;
	v11 =	vmul.f32 $1.600000000e+01, v11  }
0x228: {  	v20 =	vor.u32 v2, v9;
	s16 =	sor.u32 s18, s2;
	v15 =	vld.idx.msk [tilespmem:v15+s0+$0x0], $0xffff;
	v13 =	vmul.f32 $1.600000000e+01, v13  }
0x229: {  	s8 =	sshll.u32 s16, $0x7;
	v16 =	vld.idx.msk [tilespmem:v16+s0+$0x0], $0xffff;
	v11 =	vadd.f32 v18, v11  }
0x22a: {  	s8 =	sor.u32 s8, s29;
	v13 =	vadd.f32 v17, v13;
	v17 =	vld [tilespmem:s9+$0x13030]  }
0x22b: {  	v18 =	vld [tilespmem:s8+$0x0];
	[tilespmem:s1+$0xB040] =	vst v11  }
0x22c: {  	s3 =	sshll.u32 s22, $0xB;
	s22 =	simm.s32 $0x5;
	[tilespmem:s26+$0xB010] =	vst v13;
	v11 =	vld.idx.msk [tilespmem:v14+s0+$0x0], $0xffff  }
0x22d: {  	s28 =	sand.u32 $0x7, s22;
	v13 =	vld.idx.msk [tilespmem:v20+s0+$0x0], $0xffff;
	v14 =	vmul.f32 $1.600000000e+01, v15;
	v15 =	vor.u32 v4, v8  }
0x22e: {  	s17 =	simm.s32 $0x0;
	s16 =	sadd.s32 $0x0, s3;
	s3 =	sor.u32 s18, s28;
	v20 =	vor.u32 v1, v10;
	v21 =	vld [tilespmem:s4+$0x13050];
	v16 =	vmul.f32 $1.600000000e+01, v16  }
0x22f: {  	s3 =	sshll.u32 s3, $0x7;
	v22 =	vld [tilespmem:s11+$0x13020];
	v14 =	vadd.f32 v17, v14;
	v17 =	vmov s17  }
0x230: {  	s3 =	sor.u32 s3, s29;
	v16 =	vadd.f32 v19, v16;
	v17 =	vperm.xlane v18, v17  }
0x231: {  	v23 =	vld [tilespmem:s3+$0x0];
	v19 =	vor.u32 v6, v12;
	[tilespmem:s7+$0xB030] =	vst v14;
	v14 =	vmul.f32 $1.600000000e+01, v11  }
0x232: {  	[tilespmem:s16+$0xB000] =	vst v16;
	v15 =	vld.idx.msk [tilespmem:v15+s0+$0x0], $0xffff;
	v11 =	vshll.u32 v17, $0x7;
	v13 =	vmul.f32 $1.600000000e+01, v13;
	v16 =	vor.u32 v3, v9  }
0x233: {  	v17 =	vld.idx.msk [tilespmem:v20+s0+$0x0], $0xffff;
	v20 =	vor.u32 v0, v11;
	v14 =	vadd.f32 v21, v14  }
0x234: {  	v13 =	vadd.f32 v22, v13;
	v21 =	vld [tilespmem:s9+$0x13040]  }
0x235: {  	v22 =	vld [tilespmem:s12+$0x13010];
	[tilespmem:s1+$0xB050] =	vst v14  }
0x236: {  	[tilespmem:s26+$0xB020] =	vst v13;
	v13 =	vld.idx.msk [tilespmem:v19+s0+$0x0], $0xffff  }
0x237: {  	v14 =	vld.idx.msk [tilespmem:v16+s0+$0x0], $0xffff;
	v15 =	vmul.f32 $1.600000000e+01, v15;
	v16 =	vor.u32 v5, v8  }
0x238: {  	v19 =	vld.idx.msk [tilespmem:v20+s0+$0x0], $0xffff  }
0x239: {  	s17 =	simm.s32 $0x0;
	v17 =	vmul.f32 $1.600000000e+01, v17;
	v20 =	vor.u32 v2, v10;
	v15 =	vadd.f32 v21, v15;
	v21 =	vld [tilespmem:s4+$0x13060]  }
0x23a: {  	v18 =	vld [tilespmem:s17+$0x13000]  }
0x23b: {  	v17 =	vadd.f32 v22, v17;
	v22 =	vld [tilespmem:s11+$0x13030];
	[tilespmem:s7+$0xB040] =	vst v15  }
0x23c: {  	s22 =	simm.s32 $0x0;
	v12 =	vor.u32 v7, v12;
	v15 =	vld.idx.msk [tilespmem:v16+s0+$0x0], $0xffff;
	v13 =	vmul.f32 $1.600000000e+01, v13  }
0x23d: {  	[tilespmem:s16+$0xB010] =	vst v17;
	v14 =	vmul.f32 $1.600000000e+01, v14;
	v16 =	vld [tilespmem:s22+$0x13000]  }
0x23e: {  	v17 =	vld.idx.msk [tilespmem:v20+s0+$0x0], $0xffff;
	v20 =	vor.u32 v4, v9;
	v19 =	vmul.f32 $1.600000000e+01, v19;
	v13 =	vadd.f32 v21, v13  }
0x23f: {  	s23 =	simm.s32 $0x0;
	v24 =	vor.u32 v1, v11;
	v21 =	vld [tilespmem:s9+$0x13050]  }
0x240: {  	v14 =	vadd.f32 v22, v14;
	v22 =	vmov s23;
	v18 =	vadd.f32 v18, v19;
	v19 =	vld [tilespmem:s12+$0x13020];
	[tilespmem:s1+$0xB060] =	vst v13  }
0x241: {  	s2 =	sshll.u32 s2, $0xB;
	v13 =	vperm.xlane v23, v22;
	v22 =	vld.idx.msk [tilespmem:v12+s0+$0x0], $0xffff  }
0x242: {  	s2 =	sadd.s32 $0x0, s2;
	[tilespmem:s26+$0xB030] =	vst v14;
	v14 =	vmul.f32 $1.600000000e+01, v15;
	v15 =	vor.u32 v6, v8;
	v25 =	vld [tilespmem:s4+$0x13070]  }
0x243: {  	v23 =	vor.u32 v3, v10;
	[tilespmem:s2+$0xB000] =	vst v18;
	v20 =	vld.idx.msk [tilespmem:v20+s0+$0x0], $0xffff;
	v12 =	vshll.u32 v13, $0x7;
	v17 =	vmul.f32 $1.600000000e+01, v17  }
0x244: {  	v13 =	vld.idx.msk [tilespmem:v24+s0+$0x0], $0xffff;
	v24 =	vor.u32 v0, v12;
	v14 =	vadd.f32 v21, v14  }
0x245: {  	v18 =	vld [tilespmem:s11+$0x13040];
	v17 =	vadd.f32 v19, v17  }
0x246: {  	v21 =	vld [tilespmem:s17+$0x13010];
	[tilespmem:s7+$0xB050] =	vst v14  }
0x247: {  	s4 =	simm.s32 $0x6;
	[tilespmem:s16+$0xB020] =	vst v17;
	v14 =	vld.idx.msk [tilespmem:v15+s0+$0x0], $0xffff;
	v15 =	vmul.f32 $1.600000000e+01, v22  }
0x248: {  	s3 =	sand.u32 $0x7, s4;
	v17 =	vor.u32 v5, v9;
	v19 =	vld.idx.msk [tilespmem:v23+s0+$0x0], $0xffff;
	v20 =	vmul.f32 $1.600000000e+01, v20  }
0x249: {  	s23 =	simm.s32 $0x7;
	s8 =	sor.u32 s18, s3;
	v22 =	vor.u32 v2, v11;
	v23 =	vld.idx.msk [tilespmem:v24+s0+$0x0], $0xffff;
	v24 =	vmul.f32 $1.600000000e+01, v13;
	v13 =	vadd.f32 v25, v15  }
.LBB2_7:
0x24a: {  	p0 =	sne.s32 s23, $0x7F;
	s8 =	sshll.u32 s8, $0x7;
	v15 =	vadd.f32 v18, v20;
	v18 =	vld [tilespmem:s9+$0x13060]  }
0x24b: {  	s8 =	sor.u32 s8, s29;
	v20 =	vadd.f32 v21, v24;
	v21 =	vld [tilespmem:s12+$0x13030];
	[tilespmem:s1+$0xB070] =	vst v13;
	s1 =	smov.u32 s7;
	s7 =	smov.u32 s26  }
0x24c: {  	s26 =	smov.u32 s16;
	s16 =	smov.u32 s2;
	v13 =	vld [tilespmem:s8+$0x0];
	[tilespmem:s7+$0xB040] =	vst v15  }
0x24d: {  	s2 =	sshrl.u32 s4, $0x3;
	s4 =	smov.u32 s23;
	v14 =	vmul.f32 $1.600000000e+01, v14;
	[tilespmem:s16+$0xB010] =	vst v20;
	v15 =	vld.idx.msk [tilespmem:v17+s0+$0x0], $0xffff;
	v17 =	vor.u32 v7, v8;
	v8 =	vmovc v9;
	v9 =	vmov v10  }
0x24e: {  	s8 =	sshll.u32 s2, $0x7;
	v19 =	vmul.f32 $1.600000000e+01, v19;
	v10 =	vmovc v11;
	v11 =	vmov v12;
	v20 =	vld.idx.msk [tilespmem:v22+s0+$0x0], $0xffff;
	v22 =	vor.u32 v4, v9  }
0x24f: {  	v12 =	vmul.f32 $1.600000000e+01, v23;
	v23 =	vor.u32 v1, v11;
	v24 =	vld [tilespmem:s8+$0x13000];
	v14 =	vadd.f32 v18, v14  }
0x250: {  	v18 =	vadd.f32 v21, v19;
	v19 =	vld [tilespmem:s11+$0x13050]  }
0x251: {  	v21 =	vmov s2;
	v12 =	vadd.f32 v16, v12;
	s2 =	sshll.u32 s28, $0xB;
	s28 =	smov.u32 s3;
	v25 =	vld [tilespmem:s17+$0x13020];
	[tilespmem:s1+$0xB060] =	vst v14  }
0x252: {  	v13 =	vperm.xlane v13, v21;
	s2 =	sadd.s32 s22, s2;
	[tilespmem:s26+$0xB030] =	vst v18;
	v17 =	vld.idx.msk [tilespmem:v17+s0+$0x0], $0xffff  }
0x253: {  	v14 =	vmul.f32 $1.600000000e+01, v15;
	v15 =	vor.u32 v6, v8;
	[tilespmem:s2+$0xB000] =	vst v12;
	v22 =	vld.idx.msk [tilespmem:v22+s0+$0x0], $0xffff  }
0x254: {  	v12 =	vshll.u32 v13, $0x7;
	v18 =	vmul.f32 $1.600000000e+01, v20;
	v20 =	vor.u32 v3, v10;
	v13 =	vld.idx.msk [tilespmem:v23+s0+$0x0], $0xffff;
	v16 =	vmovc v24  }
0x255: {  	v23 =	vor.u32 v0, v12;
	v14 =	vadd.f32 v19, v14;
	v26 =	vld [tilespmem:s9+$0x13070];
	s9 =	smov.u32 s11;
	s11 =	smov.u32 s12;
	s12 =	smov.u32 s17  }
.Ltmp2:
0x256: {  	s17 =	smov.u32 s22;
	s22 =	smov.u32 s8;
	v19 =	vadd.f32 v25, v18;
	v18 =	vld [tilespmem:s11+$0x13040];
	(pc) =	sbr.rel @p0 .LBB2_7-.Ltmp2, $4  }
0x257: {  	v21 =	vld [tilespmem:s17+$0x13010];
	[tilespmem:s7+$0xB050] =	vst v14  }
0x258: {  	[tilespmem:s16+$0xB020] =	vst v19;
	v14 =	vld.idx.msk [tilespmem:v15+s0+$0x0], $0xffff;
	v15 =	vmul.f32 $1.600000000e+01, v17  }
0x259: {  	s3 =	sand.u32 $0x7, s23;
	v17 =	vor.u32 v5, v9;
	v19 =	vld.idx.msk [tilespmem:v20+s0+$0x0], $0xffff;
	v20 =	vmul.f32 $1.600000000e+01, v22  }
0x25a: {  	s23 =	sadd.s32 $0x1, s23;
	s8 =	sor.u32 s18, s3;
	v24 =	vmul.f32 $1.600000000e+01, v13;
	v22 =	vor.u32 v2, v11;
	v23 =	vld.idx.msk [tilespmem:v23+s0+$0x0], $0xffff;
	v13 =	vadd.f32 v26, v15  }
0x25b: {  	s8 =	sshll.u32 s8, $0x7  }
0x25c: {  	s8 =	sor.u32 s8, s29  }
0x25d: {  	v15 =	vld [tilespmem:s8+$0x0];
	_ =	sdelay $0x2  }
0x25e: {  	s4 =	sshrl.u32 s4, $0x3  }
0x25f: {  	v25 =	vmov s4  }
0x260: {  	v15 =	vperm.xlane v15, v25;
	_ =	sdelay $0x1  }
0x261: {  	v15 =	vshll.u32 v15, $0x7  }
0x262: {  	v59 =	vor.u32 v0, v15;
	_ =	sdelay $0x4  }
0x263: {  	v25 =	vld.idx.msk [tilespmem:v59+s0+$0x0], $0xffff  }
0x264: {  	v27 =	vor.u32 v1, v12;
	s23 =	sshll.u32 s4, $0x7;
	v23 =	vmul.f32 $1.600000000e+01, v23  }
0x265: {  	v26 =	vld [tilespmem:s23+$0x13000]  }
0x266: {  	s29 =	sshll.u32 s28, $0xB;
	v16 =	vadd.f32 v16, v23  }
0x267: {  	s4 =	sadd.s32 s22, s29  }
0x268: {  	[tilespmem:s4+$0xB000] =	vst v16;
	v28 =	vor.u32 v1, v15;
	v25 =	vmul.f32 $1.600000000e+01, v25  }
0x269: {  	v16 =	vld.idx.msk [tilespmem:v27+s0+$0x0], $0xffff  }
0x26a: {  	s3 =	sshll.u32 s3, $0xB;
	v60 =	vadd.f32 v26, v25  }
0x26b: {  	s18 =	sadd.s32 s23, s3;
	v61 =	vld [tilespmem:s22+$0x13010]  }
0x26c: {  	[tilespmem:s18+$0xB000] =	vst v60  }
0x26d: {  	v23 =	vld.idx.msk [tilespmem:v28+s0+$0x0], $0xffff  }
0x26e: {  	v63 =	vor.u32 v2, v12;
	v21 =	vadd.f32 v21, v24;
	v16 =	vmul.f32 $1.600000000e+01, v16  }
0x26f: {  	v62 =	vld [tilespmem:s23+$0x13010]  }
0x270: {  	[tilespmem:s2+$0xB010] =	vst v21;
	v16 =	vadd.f32 v61, v16  }
0x271: {  	v21 =	vld.idx.msk [tilespmem:v22+s0+$0x0], $0xffff  }
0x272: {  	v31 =	vld [tilespmem:s17+$0x13020];
	v30 =	vor.u32 v2, v15;
	[tilespmem:s4+$0xB010] =	vst v16;
	v23 =	vmul.f32 $1.600000000e+01, v23  }
0x273: {  	v22 =	vld.idx.msk [tilespmem:v63+s0+$0x0], $0xffff  }
0x274: {  	v23 =	vadd.f32 v62, v23  }
0x275: {  	v34 =	vld [tilespmem:s22+$0x13020]  }
0x276: {  	v33 =	vor.u32 v3, v11;
	v32 =	vmul.f32 $1.600000000e+01, v21;
	[tilespmem:s18+$0xB010] =	vst v23  }
0x277: {  	v23 =	vld.idx.msk [tilespmem:v30+s0+$0x0], $0xffff  }
0x278: {  	v37 =	vor.u32 v3, v12;
	v16 =	vadd.f32 v31, v32;
	v36 =	vmul.f32 $1.600000000e+01, v22  }
0x279: {  	v35 =	vld [tilespmem:s23+$0x13020]  }
0x27a: {  	[tilespmem:s2+$0xB020] =	vst v16;
	v21 =	vadd.f32 v34, v36  }
0x27b: {  	v16 =	vld.idx.msk [tilespmem:v33+s0+$0x0], $0xffff  }
0x27c: {  	v39 =	vor.u32 v3, v15;
	v40 =	vld [tilespmem:s17+$0x13030];
	[tilespmem:s4+$0xB020] =	vst v21;
	v23 =	vmul.f32 $1.600000000e+01, v23  }
0x27d: {  	v22 =	vld.idx.msk [tilespmem:v37+s0+$0x0], $0xffff  }
0x27e: {  	v23 =	vadd.f32 v35, v23  }
0x27f: {  	v46 =	vadd.f32 v18, v20;
	v44 =	vld [tilespmem:s22+$0x13030]  }
0x280: {  	v38 =	vld [tilespmem:s12+$0x13030];
	v42 =	vor.u32 v4, v11;
	v16 =	vmul.f32 $1.600000000e+01, v16;
	[tilespmem:s18+$0xB020] =	vst v23  }
0x281: {  	[tilespmem:s26+$0xB040] =	vst v46;
	v43 =	vld.idx.msk [tilespmem:v39+s0+$0x0], $0xffff  }
0x282: {  	v49 =	vor.u32 v4, v12;
	v17 =	vld.idx.msk [tilespmem:v17+s0+$0x0], $0xffff;
	v16 =	vadd.f32 v40, v16;
	v48 =	vmul.f32 $1.600000000e+01, v22  }
0x283: {  	v41 =	vor.u32 v4, v10;
	v19 =	vmul.f32 $1.600000000e+01, v19;
	v45 =	vld [tilespmem:s23+$0x13030]  }
0x284: {  	v53 =	vld [tilespmem:s11+$0x13050];
	[tilespmem:s2+$0xB030] =	vst v16;
	v20 =	vadd.f32 v44, v48  }
0x285: {  	v19 =	vadd.f32 v38, v19;
	v47 =	vld.idx.msk [tilespmem:v42+s0+$0x0], $0xffff  }
0x286: {  	v51 =	vor.u32 v4, v15;
	v52 =	vld [tilespmem:s17+$0x13040];
	[tilespmem:s4+$0xB030] =	vst v20;
	v26 =	vmul.f32 $1.600000000e+01, v43  }
0x287: {  	[tilespmem:s16+$0xB030] =	vst v19;
	v22 =	vld.idx.msk [tilespmem:v49+s0+$0x0], $0xffff  }
0x288: {  	v21 =	vld.idx.msk [tilespmem:v41+s0+$0x0], $0xffff;
	v19 =	vadd.f32 v45, v26  }
0x289: {  	v17 =	vmul.f32 $1.600000000e+01, v17;
	v58 =	vld [tilespmem:s22+$0x13040]  }
0x28a: {  	v55 =	vor.u32 v5, v11;
	v50 =	vld [tilespmem:s12+$0x13040];
	v18 =	vmul.f32 $1.600000000e+01, v47;
	[tilespmem:s18+$0xB030] =	vst v19  }
0x28b: {  	v61 =	vadd.f32 v53, v17;
	v57 =	vld.idx.msk [tilespmem:v51+s0+$0x0], $0xffff  }
0x28c: {  	v25 =	vld [tilespmem:s9+$0x13060];
	v30 =	vor.u32 v5, v12;
	v16 =	vadd.f32 v52, v18;
	v63 =	vmul.f32 $1.600000000e+01, v22  }
0x28d: {  	v54 =	vor.u32 v5, v10;
	[tilespmem:s26+$0xB050] =	vst v61;
	v21 =	vmul.f32 $1.600000000e+01, v21;
	v60 =	vld [tilespmem:s23+$0x13040]  }
0x28e: {  	v36 =	vld [tilespmem:s11+$0x13060];
	[tilespmem:s2+$0xB040] =	vst v16;
	v33 =	vadd.f32 v58, v63  }
0x28f: {  	v56 =	vadd.f32 v50, v21;
	v62 =	vld.idx.msk [tilespmem:v55+s0+$0x0], $0xffff  }
0x290: {  	v32 =	vor.u32 v5, v15;
	v34 =	vld [tilespmem:s17+$0x13050];
	[tilespmem:s4+$0xB040] =	vst v33;
	v21 =	vmul.f32 $1.600000000e+01, v57  }
0x291: {  	v59 =	vor.u32 v6, v9;
	[tilespmem:s16+$0xB040] =	vst v56;
	v22 =	vld.idx.msk [tilespmem:v30+s0+$0x0], $0xffff  }
0x292: {  	v26 =	vld.idx.msk [tilespmem:v54+s0+$0x0], $0xffff;
	v19 =	vadd.f32 v60, v21  }
0x293: {  	v8 =	vor.u32 v7, v8;
	v14 =	vmul.f32 $1.600000000e+01, v14;
	v41 =	vld [tilespmem:s22+$0x13050]  }
0x294: {  	v31 =	vld [tilespmem:s12+$0x13050];
	v39 =	vor.u32 v6, v11;
	v17 =	vmul.f32 $1.600000000e+01, v62;
	[tilespmem:s18+$0xB040] =	vst v19  }
0x295: {  	v14 =	vadd.f32 v25, v14;
	v40 =	vld.idx.msk [tilespmem:v32+s0+$0x0], $0xffff  }
0x296: {  	v44 =	vor.u32 v6, v12;
	v35 =	vld.idx.msk [tilespmem:v59+s0+$0x0], $0xffff;
	v17 =	vadd.f32 v34, v17;
	v43 =	vmul.f32 $1.600000000e+01, v22  }
0x297: {  	v38 =	vor.u32 v6, v10;
	[tilespmem:s7+$0xB060] =	vst v14;
	v37 =	vmul.f32 $1.600000000e+01, v26;
	v42 =	vld [tilespmem:s23+$0x13050]  }
0x298: {  	v8 =	vld.idx.msk [tilespmem:v8+s0+$0x0], $0xffff;
	[tilespmem:s2+$0xB050] =	vst v17;
	v18 =	vadd.f32 v41, v43  }
0x299: {  	v17 =	vld.idx.msk [tilespmem:v39+s0+$0x0], $0xffff;
	v23 =	vadd.f32 v31, v37  }
0x29a: {  	v46 =	vor.u32 v6, v15;
	v47 =	vld [tilespmem:s17+$0x13060];
	[tilespmem:s4+$0xB050] =	vst v18;
	v24 =	vmul.f32 $1.600000000e+01, v40  }
0x29b: {  	v20 =	vmul.f32 $1.600000000e+01, v35;
	v18 =	vld.idx.msk [tilespmem:v44+s0+$0x0], $0xffff;
	[tilespmem:s16+$0xB050] =	vst v23  }
0x29c: {  	v16 =	vld.idx.msk [tilespmem:v38+s0+$0x0], $0xffff;
	v49 =	vadd.f32 v42, v24  }
0x29d: {  	v20 =	vadd.f32 v36, v20;
	v52 =	vld [tilespmem:s22+$0x13060]  }
0x29e: {  	v51 =	vor.u32 v7, v9;
	v45 =	vld [tilespmem:s12+$0x13060];
	[tilespmem:s18+$0xB050] =	vst v49  }
0x29f: {  	[tilespmem:s26+$0xB060] =	vst v20;
	v17 =	vmul.f32 $1.600000000e+01, v17;
	v20 =	vld.idx.msk [tilespmem:v46+s0+$0x0], $0xffff  }
0x2a0: {  	v48 =	vld [tilespmem:s9+$0x13070];
	v56 =	vor.u32 v7, v11  }
0x2a1: {  	v53 =	vor.u32 v7, v10;
	v14 =	vadd.f32 v47, v17;
	v16 =	vmul.f32 $1.600000000e+01, v16;
	v54 =	vld [tilespmem:s23+$0x13060]  }
0x2a2: {  	v50 =	vld [tilespmem:s11+$0x13070];
	v57 =	vor.u32 v7, v12;
	v18 =	vmul.f32 $1.600000000e+01, v18  }
0x2a3: {  	[tilespmem:s2+$0xB060] =	vst v14;
	v9 =	vld.idx.msk [tilespmem:v51+s0+$0x0], $0xffff;
	v16 =	vadd.f32 v45, v16  }
0x2a4: {  	v15 =	vor.u32 v7, v15;
	v14 =	vld [tilespmem:s17+$0x13070];
	v17 =	vadd.f32 v52, v18;
	v20 =	vmul.f32 $1.600000000e+01, v20  }
0x2a5: {  	v11 =	vld.idx.msk [tilespmem:v56+s0+$0x0], $0xffff;
	[tilespmem:s16+$0xB060] =	vst v16  }
0x2a6: {  	[tilespmem:s4+$0xB060] =	vst v17;
	v10 =	vld.idx.msk [tilespmem:v53+s0+$0x0], $0xffff;
	v16 =	vadd.f32 v54, v20  }
0x2a7: {  	v12 =	vld.idx.msk [tilespmem:v57+s0+$0x0], $0xffff  }
0x2a8: {  	v55 =	vld [tilespmem:s12+$0x13070];
	[tilespmem:s18+$0xB060] =	vst v16  }
0x2a9: {  	v8 =	vmul.f32 $1.600000000e+01, v8;
	v15 =	vld.idx.msk [tilespmem:v15+s0+$0x0], $0xffff  }
0x2aa: {  	v9 =	vmul.f32 $1.600000000e+01, v9;
	v58 =	vld [tilespmem:s22+$0x13070]  }
0x2ab: {  	v8 =	vadd.f32 v48, v8;
	v10 =	vmul.f32 $1.600000000e+01, v10;
	v59 =	vld [tilespmem:s23+$0x13070]  }
0x2ac: {  	[tilespmem:s1+$0xB070] =	vst v13;
	v11 =	vmul.f32 $1.600000000e+01, v11;
	v9 =	vadd.f32 v50, v9  }
0x2ad: {  	[tilespmem:s7+$0xB070] =	vst v8;
	v60 =	vmul.f32 $1.600000000e+01, v12;
	v8 =	vadd.f32 v55, v10  }
0x2ae: {  	v61 =	vadd.f32 v14, v11;
	[tilespmem:s26+$0xB070] =	vst v9;
	v62 =	vmul.f32 $1.600000000e+01, v15  }
0x2af: {  	[tilespmem:s16+$0xB070] =	vst v8;
	v8 =	vadd.f32 v58, v60  }
0x2b0: {  	[tilespmem:s2+$0xB070] =	vst v61;
	s2 =	sadd.s32 s13, s25;
	v63 =	vadd.f32 v59, v62  }
0x2b1: {  	s1 =	sshrl.u32 s2, $0x3;
	[tilespmem:s4+$0xB070] =	vst v8  }
0x2b2: {  	s3 =	simm.s32 $0xB000;
	s1 =	sadd.s32 s5, s1;
	[tilespmem:s18+$0xB070] =	vst v63  }
0x2b3: {  	[hbm4b:s1+s30] =	stream.strided.scatter [tilespmem:s3], [sflag:$0x1], $0x800, s31, s30, $0x38;
	[tilespmem:$0x14000] =	vst v63  }
0x2b4: {  	s4 =	rddreg [dreg:$0xd]  }
0x2b5: {  	s1 =	sadd.s32 s4, s25  }
0x2b6: {  	s1 =	sshrl.u32 s1, $0x3  }
0x2b7: {  	s8 =	sadd.s32 s14, s25;
	s7 =	simm.s32 $0xB800;
	s1 =	sadd.s32 s5, s1  }
0x2b8: {  	[hbm4b:s1+s30] =	stream.strided.scatter [tilespmem:s7], [sflag:$0x1], $0x800, s31, s30, $0x38;
	[tilespmem:$0x14000] =	vst v63  }
0x2b9: {  	s1 =	sshrl.u32 s8, $0x3  }
0x2ba: {  	s9 =	simm.s32 $0xC000;
	s11 =	sadd.s32 s15, s25;
	s1 =	sadd.s32 s5, s1  }
0x2bb: {  	[hbm4b:s1+s30] =	stream.strided.scatter [tilespmem:s9], [sflag:$0x1], $0x800, s31, s30, $0x38;
	[tilespmem:$0x14000] =	vst v63  }
0x2bc: {  	s1 =	sshrl.u32 s11, $0x3  }
0x2bd: {  	s12 =	simm.s32 $0xC800;
	s16 =	sadd.s32 s19, s25;
	s1 =	sadd.s32 s5, s1  }
0x2be: {  	[hbm4b:s1+s30] =	stream.strided.scatter [tilespmem:s12], [sflag:$0x1], $0x800, s31, s30, $0x38;
	[tilespmem:$0x14000] =	vst v63  }
0x2bf: {  	s1 =	sshrl.u32 s16, $0x3  }
0x2c0: {  	s17 =	simm.s32 $0xD000;
	s18 =	sadd.s32 s20, s25;
	s1 =	sadd.s32 s5, s1  }
0x2c1: {  	[hbm4b:s1+s30] =	stream.strided.scatter [tilespmem:s17], [sflag:$0x1], $0x800, s31, s30, $0x38;
	[tilespmem:$0x14000] =	vst v63  }
0x2c2: {  	s24 =	sadd.s32 $0x1, s24;
	s1 =	sshrl.u32 s18, $0x3  }
0x2c3: {  	s22 =	simm.s32 $0xD800;
	s23 =	sadd.s32 s21, s25;
	s1 =	sadd.s32 s5, s1  }
0x2c4: {  	[hbm4b:s1+s30] =	stream.strided.scatter [tilespmem:s22], [sflag:$0x1], $0x800, s31, s30, $0x38;
	[tilespmem:$0x14000] =	vst v63  }
0x2c5: {  	s28 =	sadd.s32 s6, s25;
	p0 =	sne.s32 s24, $0x2E;
	s1 =	sshrl.u32 s23, $0x3  }
.Ltmp3:
0x2c6: {  	s26 =	simm.s32 $0xE000;
	s1 =	sadd.s32 s5, s1;
	(pc) =	sbr.rel @p0 .LBB2_4-.Ltmp3, $4  }
0x2c7: {  	[hbm4b:s1+s30] =	stream.strided.scatter [tilespmem:s26], [sflag:$0x1], $0x800, s31, s30, $0x38;
	[tilespmem:$0x14000] =	vst v63  }
0x2c8: {  	s1 =	sshrl.u32 s28, $0x3  }
0x2c9: {  	s29 =	simm.s32 $0xE800;
	s1 =	sadd.s32 s5, s1  }
0x2ca: {  	[hbm4b:s1+s30] =	stream.strided.scatter [tilespmem:s29], [sflag:$0x1], $0x800, s31, s30, $0x38;
	[tilespmem:$0x14000] =	vst v63  }
0x2cb: {  	s1 =	simm.s32 $0x2  }
0x2cc: {  	_ =	swait.ge [sflag:s1], $0x800  }
0x2cd: {  	[sflag:s1] =	ssyncset.done $0x0  }
0x2ce: {  	[sflag:s1] =	ssyncadd.s32 $0xFFFFF800  }
0x2cf: {  	_ =	swait.ge [sflag:s1], $0x800  }
0x2d0: {  	[sflag:s1] =	ssyncset.done $0x0  }
0x2d1: {  	[sflag:s1] =	ssyncadd.s32 $0xFFFFF800  }
0x2d2: {  	_ =	swait.ge [sflag:s1], $0x800  }
0x2d3: {  	[sflag:s1] =	ssyncset.done $0x0  }
0x2d4: {  	[sflag:s1] =	ssyncadd.s32 $0xFFFFF800  }
0x2d5: {  	_ =	swait.ge [sflag:s1], $0x800  }
0x2d6: {  	[sflag:s1] =	ssyncset.done $0x0  }
0x2d7: {  	[sflag:s1] =	ssyncadd.s32 $0xFFFFF800  }
0x2d8: {  	_ =	swait.ge [sflag:s1], $0x800  }
0x2d9: {  	[sflag:s1] =	ssyncset.done $0x0  }
0x2da: {  	[sflag:s1] =	ssyncadd.s32 $0xFFFFF800  }
0x2db: {  	_ =	swait.ge [sflag:s1], $0x800  }
0x2dc: {  	[sflag:s1] =	ssyncset.done $0x0  }
0x2dd: {  	[sflag:s1] =	ssyncadd.s32 $0xFFFFF800  }
0x2de: {  	_ =	swait.ge [sflag:s1], $0x800  }
0x2df: {  	[sflag:s1] =	ssyncset.done $0x0  }
0x2e0: {  	[sflag:s1] =	ssyncadd.s32 $0xFFFFF800  }
0x2e1: {  	_ =	swait.ge [sflag:s1], $0x800  }
0x2e2: {  	[sflag:s1] =	ssyncset.done $0x0  }
0x2e3: {  	[sflag:s1] =	ssyncadd.s32 $0xFFFFF800  }
0x2e4: {  	_ =	swait.ge [sflag:s10], $0x800  }
0x2e5: {  	[sflag:s10] =	ssyncset.done $0x0  }
0x2e6: {  	[sflag:s10] =	ssyncadd.s32 $0xFFFFF800  }
0x2e7: {  	_ =	swait.ge [sflag:s10], $0x800  }
0x2e8: {  	[sflag:s10] =	ssyncset.done $0x0  }
0x2e9: {  	[sflag:s10] =	ssyncadd.s32 $0xFFFFF800  }
0x2ea: {  	_ =	swait.ge [sflag:s10], $0x800  }
0x2eb: {  	[sflag:s10] =	ssyncset.done $0x0  }
0x2ec: {  	[sflag:s10] =	ssyncadd.s32 $0xFFFFF800  }
0x2ed: {  	_ =	swait.ge [sflag:s10], $0x800  }
0x2ee: {  	[sflag:s10] =	ssyncset.done $0x0  }
0x2ef: {  	[sflag:s10] =	ssyncadd.s32 $0xFFFFF800  }
0x2f0: {  	_ =	swait.ge [sflag:s10], $0x800  }
0x2f1: {  	[sflag:s10] =	ssyncset.done $0x0  }
0x2f2: {  	[sflag:s10] =	ssyncadd.s32 $0xFFFFF800  }
0x2f3: {  	_ =	swait.ge [sflag:s10], $0x800  }
0x2f4: {  	[sflag:s10] =	ssyncset.done $0x0  }
0x2f5: {  	[sflag:s10] =	ssyncadd.s32 $0xFFFFF800  }
0x2f6: {  	_ =	swait.ge [sflag:s10], $0x800  }
0x2f7: {  	[sflag:s10] =	ssyncset.done $0x0  }
0x2f8: {  	[sflag:s10] =	ssyncadd.s32 $0xFFFFF800  }
0x2f9: {  	_ =	swait.ge [sflag:s10], $0x800  }
0x2fa: {  	s2 =	rddreg [dreg:$0x14]  }
0x2fb: {  	s29 =	rddreg [dreg:$0x11];
	s2 =	sadd.s32 $0x1, s2  }
0x2fc: {  	p0 =	sne.s32 s2, s29  }
.Ltmp4:
0x2fd: {  	_ = 	snop;
	(pc) =	sbr.rel @p0 .LBB2_1-.Ltmp4, $3  }
0x2fe: {  	_ =	sdelay $0x1  }
0x2ff: {  	[sflag:s10] =	ssyncset.done $0x0  }
0x300: {  	[sflag:s10] =	ssyncadd.s32 $0xFFFFF800  }
0x301: {  	_ =	sfence.sel $0x180000  }
0x302: {  	[bflag:$0x0] =	sbarrier.arrive $0xFFFF  }
0x303: {  	_ =	strace $0x90000047  }
0x304: {  	s0 =	stileid.u32;
	[bflag:$0x2] =	sbarrier.arrive $0xFFFF  }
0x305: {  	p0 =	sne.s32 s0, $0x0;
	s0 =	rddreg [dreg:$0x3]  }
0x306: {  	s0 =	sadd.s32 @!p0 $0x100000, s0  }
0x307: {  	[sflag:s0] =	ssyncadd.tile.s32 @!p0 $0x1;
	_ =	shalt  }
.Lfunc_end2:
_tile_overlayer_lowered:
.L_overlay_start_2:
0x308: {  	(tag) =	ssettag $0x2  }
0x309: {  	s0 =	rddreg [dreg:$0x0];
	s2 =	stileid.u32  }
0x30a: {  	s1 =	rddreg [dreg:$0x1];
	p0 =	sne.s32 s2, $0x0  }
0x30b: {  	s3 =	rddreg [dreg:$0x2];
	[bflag:$0x3] =	sbarrier.arrive $0xFFFF;
	s2 =	simm.s32 @!p0 $0x1C05  }
0x30c: {  	[timem:s3], [sflag:s2] =	dma.local @!p0 [hbm:s0], s1  }
0x30d: {  	s0 =	simm.s32 @!p0 $0x5  }
0x30e: {  	_ =	swait.ge @!p0 [sflag:s0], s1  }
0x30f: {  	s1 =	ssub.s32 @!p0 $0x0, s1;
	[sflag:s0] =	ssyncset.done @!p0 $0x0  }
0x310: {  	[sflag:s0] =	ssyncadd.s32 @!p0 s1  }
0x311: {  	[bflag:$0x3] =	sbarrier.arrive $0xFFFF  }
0x312: {  	_ =	shalt  }

</sc_bundles>
